<compile_context>
chip_gen: v7x
topology: tpu7x:2x2x1
jax: 0.10.2.dev20260603
libtpu: 0.0.44.dev20260713+nightly
codegen_flags: <defaults>
</compile_context>

<pallas_src>
import functools

import jax
import jax.numpy as jnp
from jax import lax
from jax.experimental import pallas as pl
from jax.experimental.pallas import tpu as pltpu
from jax.experimental.pallas import tpu_sc as plsc

N = 10000
E = 320000
D = 128

NC = 2
NS = 16
NW = NC * NS
EDGES_PER_TILE = E // NW
CHUNK = 80
CHUNKS_PER_TILE = EDGES_PER_TILE // CHUNK
STRIPE = 640



def _seg_body(g_hbm, packed_hbm, zero_hbm, out_hbm,
              acc, packed_v, rows0, rows1, src0, src1, dst0, dst1,
              gsem0, gsem1, ssem0):
    c = lax.axis_index("c")
    s = lax.axis_index("s")
    wid = s * NC + c
    row_lo = pl.multiple_of(jnp.where(s == NS - 1, N - STRIPE, s * STRIPE), 8)
    pltpu.async_copy(zero_hbm.at[pl.ds(row_lo, STRIPE)],
                     acc.at[pl.ds(row_lo, STRIPE)], ssem0)
    pltpu.sync_copy(packed_hbm.at[wid], packed_v.at[pl.ds(0, CHUNKS_PER_TILE)])
    def unpack(j, src_b, dst_b):
        for k in range(CHUNK // 16):
            v = packed_v[j, pl.ds(k * 16, 16)]
            src_b[pl.ds(k * 16, 16)] = jnp.bitwise_and(v, 0xFFFF)
            dst_b[pl.ds(k * 16, 16)] = lax.shift_right_logical(v, 16)

    last = CHUNKS_PER_TILE - 1
    unpack(0, src0, dst0)
    unpack(1, src1, dst1)
    pltpu.async_copy(g_hbm.at[src0], rows0, gsem0)
    pltpu.make_async_copy(zero_hbm.at[pl.ds(row_lo, STRIPE)],
                          acc.at[pl.ds(row_lo, STRIPE)], ssem0).wait()
    plsc.subcore_barrier()

    @pl.loop(0, last, step=2)
    def _(j):
        pltpu.make_async_copy(g_hbm.at[src0], rows0, gsem0).wait()
        pltpu.async_copy(g_hbm.at[src1], rows1, gsem1)
        pltpu.sync_copy(rows0, acc.at[dst0], add=True)
        unpack(j + 2, src0, dst0)
        pltpu.async_copy(g_hbm.at[src0], rows0, gsem0)
        pltpu.make_async_copy(g_hbm.at[src1], rows1, gsem1).wait()
        pltpu.sync_copy(rows1, acc.at[dst1], add=True)
        unpack(j + 3, src1, dst1)

    pltpu.make_async_copy(g_hbm.at[src0], rows0, gsem0).wait()
    pltpu.sync_copy(rows0, acc.at[dst0], add=True)

    plsc.subcore_barrier()
    pltpu.sync_copy(acc.at[pl.ds(row_lo, STRIPE)],
                    out_hbm.at[c].at[pl.ds(row_lo, STRIPE)])


_seg_partial = functools.partial(
    pl.kernel,
    out_type=jax.ShapeDtypeStruct((NC, N, D), jnp.float32),
    mesh=plsc.VectorSubcoreMesh(core_axis_name="c", subcore_axis_name="s"),
    scratch_types=[
        pltpu.VMEM_SHARED((N, D), jnp.float32),
        pltpu.VMEM((128, CHUNK), jnp.int32),
        pltpu.VMEM((CHUNK, D), jnp.float32),
        pltpu.VMEM((CHUNK, D), jnp.float32),
        pltpu.VMEM((CHUNK,), jnp.int32),
        pltpu.VMEM((CHUNK,), jnp.int32),
        pltpu.VMEM((CHUNK,), jnp.int32),
        pltpu.VMEM((CHUNK,), jnp.int32),
        pltpu.SemaphoreType.DMA,
        pltpu.SemaphoreType.DMA,
        pltpu.SemaphoreType.DMA,
    ],
)(_seg_body)



def _tc_first_body(x_ref, wr_ref, wo_ref, b_ref, g_ref, r_ref):
    xv = x_ref[...]
    g_ref[...] = jnp.dot(xv, wr_ref[...], preferred_element_type=jnp.float32)
    r_ref[...] = jnp.dot(xv, wo_ref[...], preferred_element_type=jnp.float32) + b_ref[...]


def _tc_mid_body(p_ref, r_ref, wr_ref, wo_ref, b_ref, g_ref, ro_ref):
    h = jnp.maximum(p_ref[0] + p_ref[1] + r_ref[...], 0.0)
    g_ref[...] = jnp.dot(h, wr_ref[...], preferred_element_type=jnp.float32)
    ro_ref[...] = jnp.dot(h, wo_ref[...], preferred_element_type=jnp.float32) + b_ref[...]


def _tc_last_body(p_ref, r_ref, o_ref):
    o_ref[...] = p_ref[0] + p_ref[1] + r_ref[...]


_nd = jax.ShapeDtypeStruct((N, D), jnp.float32)

_tc_first = pl.pallas_call(_tc_first_body, out_shape=(_nd, _nd))
_tc_mid = pl.pallas_call(_tc_mid_body, out_shape=(_nd, _nd))
_tc_last = pl.pallas_call(_tc_last_body, out_shape=_nd)


def kernel(x, edge_index, W_rel0, b_rel0, W_root0, W_rel1, b_rel1, W_root1,
           W_rel2, b_rel2, W_root2):
    packed = ((edge_index[1] << 16) | edge_index[0]).reshape(
        NW, CHUNKS_PER_TILE, CHUNK)
    zeros = jnp.zeros((N, D), jnp.float32)
    params = [(W_rel0, b_rel0, W_root0), (W_rel1, b_rel1, W_root1),
              (W_rel2, b_rel2, W_root2)]

    g, r = _tc_first(x, W_rel0.T, W_root0.T, b_rel0.reshape(1, D))
    for i in (1, 2):
        p = _seg_partial(g, packed, zeros)
        Wr, br, Wo = params[i]
        g, r = _tc_mid(p, r, Wr.T, Wo.T, br.reshape(1, D))
    p = _seg_partial(g, packed, zeros)
    return _tc_last(p, r)

# --- scband reference (transcript-rebuilt; emitter-appended) ---
"""Pipeline reference for scband-my-graph-conv-29386166239373 (READ-ONLY COPY).

The authoritative reference and input builder live on the scoring server;
editing this copy changes nothing except your own understanding.
"""

import jax, jax.numpy as jnp
import numpy as np

N = 10000
E = 320000
D = 128
LAYERS = 3


def setup_inputs(seed: int = 0) -> dict:
    key = jax.random.key(seed)
    ks = jax.random.split(key, 2 + 3 * LAYERS)
    inp = {}
    inp["x"] = jax.random.normal(ks[0], (N, D), dtype=jnp.float32)
    inp["edge_index"] = jax.random.randint(ks[1], (2, E), 0, N, dtype=jnp.int32)
    scale = 1.0 / np.sqrt(D)
    for i in range(LAYERS):
        inp[f"W_rel{i}"] = jax.random.uniform(ks[2 + 3 * i], (D, D), dtype=jnp.float32, minval=-scale, maxval=scale)
        inp[f"b_rel{i}"] = jax.random.uniform(ks[3 + 3 * i], (D,), dtype=jnp.float32, minval=-scale, maxval=scale)
        inp[f"W_root{i}"] = jax.random.uniform(ks[4 + 3 * i], (D, D), dtype=jnp.float32, minval=-scale, maxval=scale)
    return inp


def reference(x, edge_index, W_rel0, b_rel0, W_root0, W_rel1, b_rel1, W_root1, W_rel2, b_rel2, W_root2):
    # MyGraphConv with 3 stacked PyG GraphConv layers (aggr='add'), inference mode
    # (dropout p=0.6 is identity when not training).
    # GraphConv: out = lin_rel(sum_{j in N(i)} x_j) + lin_root(x_i)
    src = edge_index[0]
    dst = edge_index[1]
    params = [(W_rel0, b_rel0, W_root0), (W_rel1, b_rel1, W_root1), (W_rel2, b_rel2, W_root2)]
    h = x
    for i, (Wr, br, Wo) in enumerate(params):
        msg = jnp.take(h, src, axis=0)                      # gather source-node features per edge
        aggr = jax.ops.segment_sum(msg, dst, num_segments=N)  # scatter-add into destination nodes
        h = aggr @ Wr.T + br + h @ Wo.T
        if i < len(params) - 1:
            h = jax.nn.relu(h)
    return h

if __name__ == "__main__":
    import jax
    _d = setup_inputs()
    print(jax.jit(kernel)(*tuple(_d.values())))

</pallas_src>

<mosaic_0001>
#map = affine_map<(d0, d1) -> (0, 0)>
#map1 = affine_map<(d0, d1) -> (0, 0, 0)>
module attributes {stable_mosaic.version = 14 : i64} {
  func.func @_seg_body(%arg0: i32, %arg1: i32, %arg2: memref<10000x128xf32, #tpu.memory_space<hbm>>, %arg3: memref<32x125x80xi32, #tpu.memory_space<hbm>>, %arg4: memref<10000x128xf32, #tpu.memory_space<hbm>>, %arg5: memref<2x10000x128xf32, #tpu.memory_space<hbm>>, %arg6: memref<10000x128xf32, #tpu.memory_space<vmem_shared>>, %arg7: memref<128x80xi32, #tpu.memory_space<vmem>>, %arg8: memref<80x128xf32, #tpu.memory_space<vmem>>, %arg9: memref<80x128xf32, #tpu.memory_space<vmem>>, %arg10: memref<80xi32, #tpu.memory_space<vmem>>, %arg11: memref<80xi32, #tpu.memory_space<vmem>>, %arg12: memref<80xi32, #tpu.memory_space<vmem>>, %arg13: memref<80xi32, #tpu.memory_space<vmem>>, %arg14: memref<!tpu.dma_semaphore, #tpu.memory_space<semaphore_mem>>, %arg15: memref<!tpu.dma_semaphore, #tpu.memory_space<semaphore_mem>>, %arg16: memref<!tpu.dma_semaphore, #tpu.memory_space<semaphore_mem>>) attributes {dimension_semantics = [#tpu.dimension_semantics<core_parallel>, #tpu.dimension_semantics<subcore_parallel>], iteration_bounds = array<i64: 2, 16>, scalar_prefetch = 0 : i64, scratch_operands = 11 : i64, tpu.core_type = #tpu.core_type<sc_vector_subcore>, window_params = [{transform_indices = #map}, {transform_indices = #map1}, {transform_indices = #map}, {transform_indices = #map1}]} {
    %mul3A = arith.constant 2 : i32
    %mul3A_0 = arith.muli %arg1, %mul3A : i32
    %add3A = arith.addi %mul3A_0, %arg0 : i32
    %eq3A = arith.constant 15 : i32
    %eq3A_1 = arith.cmpi eq, %arg1, %eq3A : i32
    %mul3A_2 = arith.constant 640 : i32
    %mul3A_3 = arith.muli %arg1, %mul3A_2 : i32
    %jit3A = arith.constant 9360 : i32
    %select_n3A = arith.select %eq3A_1, %jit3A, %mul3A_3 : i32
    %multiple_of3A = tpu.assume_multiple %select_n3A, 8 : i32
    %dma_start3A = arith.constant 0 : i32
    %dma_start3A_4 = tpu.memref_slice %arg6[%multiple_of3A, %dma_start3A] : memref<10000x128xf32, #tpu.memory_space<vmem_shared>> -> memref<640x128xf32, #tpu.memory_space<vmem_shared>>
    %dma_start3A_5 = arith.constant 0 : i32
    %dma_start3A_6 = tpu.memref_slice %arg4[%multiple_of3A, %dma_start3A_5] : memref<10000x128xf32, #tpu.memory_space<hbm>> -> memref<640x128xf32, #tpu.memory_space<hbm>>
    tpu.enqueue_dma source(%dma_start3A_6 : memref<640x128xf32, #tpu.memory_space<hbm>>) target(%dma_start3A_4 : memref<640x128xf32, #tpu.memory_space<vmem_shared>>) target_semaphore(%arg16 : memref<!tpu.dma_semaphore, #tpu.memory_space<semaphore_mem>>)
    "tpu.region"() ({
      %run_scoped3A = tpu.sem_alloc : memref<!tpu.dma_semaphore, #tpu.memory_space<semaphore_mem>>
      %dma_start3A_207 = arith.constant 0 : i32
      %dma_start3A_208 = arith.constant 0 : i32
      %dma_start3A_209 = tpu.memref_slice %arg7[%dma_start3A_207, %dma_start3A_208] : memref<128x80xi32, #tpu.memory_space<vmem>> -> memref<125x80xi32, #tpu.memory_space<vmem>>
      %dma_start3A_210 = arith.constant 0 : i32
      %dma_start3A_211 = arith.constant 0 : i32
      %dma_start3A_212 = tpu.memref_slice %arg3[%add3A, %dma_start3A_210, %dma_start3A_211] : memref<32x125x80xi32, #tpu.memory_space<hbm>> -> memref<1x125x80xi32, #tpu.memory_space<hbm>>
      %dma_start3A_213 = tpu.memref_squeeze %dma_start3A_212 : memref<1x125x80xi32, #tpu.memory_space<hbm>> -> memref<125x80xi32, #tpu.memory_space<hbm>>
      %dma_start3A_214 = arith.constant 0 : i32
      %dma_start3A_215 = arith.constant 0 : i32
      %dma_start3A_216 = tpu.memref_slice %arg7[%dma_start3A_214, %dma_start3A_215] : memref<128x80xi32, #tpu.memory_space<vmem>> -> memref<125x80xi32, #tpu.memory_space<vmem>>
      %dma_start3A_217 = arith.constant 0 : i32
      %dma_start3A_218 = arith.constant 0 : i32
      %dma_start3A_219 = tpu.memref_slice %arg3[%add3A, %dma_start3A_217, %dma_start3A_218] : memref<32x125x80xi32, #tpu.memory_space<hbm>> -> memref<1x125x80xi32, #tpu.memory_space<hbm>>
      %dma_start3A_220 = tpu.memref_squeeze %dma_start3A_219 : memref<1x125x80xi32, #tpu.memory_space<hbm>> -> memref<125x80xi32, #tpu.memory_space<hbm>>
      tpu.enqueue_dma source(%dma_start3A_220 : memref<125x80xi32, #tpu.memory_space<hbm>>) target(%dma_start3A_216 : memref<125x80xi32, #tpu.memory_space<vmem>>) target_semaphore(%run_scoped3A : memref<!tpu.dma_semaphore, #tpu.memory_space<semaphore_mem>>)
      %dma_wait3A_221 = arith.constant 0 : i32
      %dma_wait3A_222 = arith.constant 0 : i32
      %dma_wait3A_223 = tpu.memref_slice %arg7[%dma_wait3A_221, %dma_wait3A_222] : memref<128x80xi32, #tpu.memory_space<vmem>> -> memref<125x80xi32, #tpu.memory_space<vmem>>
      %dma_wait3A_224 = arith.constant 0 : i32
      %dma_wait3A_225 = arith.constant 0 : i32
      %dma_wait3A_226 = tpu.memref_slice %arg3[%add3A, %dma_wait3A_224, %dma_wait3A_225] : memref<32x125x80xi32, #tpu.memory_space<hbm>> -> memref<1x125x80xi32, #tpu.memory_space<hbm>>
      %dma_wait3A_227 = tpu.memref_squeeze %dma_wait3A_226 : memref<1x125x80xi32, #tpu.memory_space<hbm>> -> memref<125x80xi32, #tpu.memory_space<hbm>>
      %dma_wait3A_228 = arith.constant 0 : i32
      %dma_wait3A_229 = arith.constant 0 : i32
      %dma_wait3A_230 = tpu.memref_slice %arg7[%dma_wait3A_228, %dma_wait3A_229] : memref<128x80xi32, #tpu.memory_space<vmem>> -> memref<125x80xi32, #tpu.memory_space<vmem>>
      %dma_wait3A_231 = arith.constant 0 : i32
      %dma_wait3A_232 = arith.constant 0 : i32
      %dma_wait3A_233 = tpu.memref_slice %arg3[%add3A, %dma_wait3A_231, %dma_wait3A_232] : memref<32x125x80xi32, #tpu.memory_space<hbm>> -> memref<1x125x80xi32, #tpu.memory_space<hbm>>
      %dma_wait3A_234 = tpu.memref_squeeze %dma_wait3A_233 : memref<1x125x80xi32, #tpu.memory_space<hbm>> -> memref<125x80xi32, #tpu.memory_space<hbm>>
      tpu.wait_dma2 semaphore(%run_scoped3A : memref<!tpu.dma_semaphore, #tpu.memory_space<semaphore_mem>>) src(%dma_wait3A_234 : memref<125x80xi32, #tpu.memory_space<hbm>>) dst(%dma_wait3A_230 : memref<125x80xi32, #tpu.memory_space<vmem>>)
      tpu.yield
    }) : () -> ()
    %get3A = arith.constant 0 : i32
    %get3A_7 = arith.index_cast %get3A : i32 to index
    %get3A_8 = arith.constant 0 : index
    %get3A_9 = tpu.vector_load %arg7[%get3A_7, %get3A_8] {strides = array<i32>} : memref<128x80xi32, #tpu.memory_space<vmem>>, vector<1x16xi32>,
    %get3A_10 = vector.shape_cast %get3A_9 : vector<1x16xi32> to vector<16xi32>
    %and3A = arith.constant 65535 : i32
    %and3A_11 = vector.broadcast %and3A : i32 to vector<16xi32>
    %and3A_12 = arith.andi %get3A_10, %and3A_11 : vector<16xi32>
    %swap3A = arith.constant 0 : index
    %swap3A_13 = tpu.vector_load %arg10[%swap3A] {strides = array<i32>} : memref<80xi32, #tpu.memory_space<vmem>>, vector<16xi32>,
    %swap3A_14 = vector.shape_cast %swap3A_13 : vector<16xi32> to vector<16xi32>
    %swap3A_15 = vector.shape_cast %and3A_12 : vector<16xi32> to vector<16xi32>
    tpu.vector_store %arg10[%swap3A], %swap3A_15 {strides = array<i32>} : memref<80xi32, #tpu.memory_space<vmem>>, vector<16xi32>,
    %shift_right_logical3A = arith.constant 16 : i32
    %shift_right_logical3A_16 = vector.broadcast %shift_right_logical3A : i32 to vector<16xi32>
    %shift_right_logical3A_17 = arith.shrui %get3A_10, %shift_right_logical3A_16 : vector<16xi32>
    %swap3A_18 = arith.constant 0 : index
    %swap3A_19 = tpu.vector_load %arg12[%swap3A_18] {strides = array<i32>} : memref<80xi32, #tpu.memory_space<vmem>>, vector<16xi32>,
    %swap3A_20 = vector.shape_cast %swap3A_19 : vector<16xi32> to vector<16xi32>
    %swap3A_21 = vector.shape_cast %shift_right_logical3A_17 : vector<16xi32> to vector<16xi32>
    tpu.vector_store %arg12[%swap3A_18], %swap3A_21 {strides = array<i32>} : memref<80xi32, #tpu.memory_space<vmem>>, vector<16xi32>,
    %get3A_22 = arith.constant 0 : i32
    %get3A_23 = arith.index_cast %get3A_22 : i32 to index
    %get3A_24 = arith.constant 16 : index
    %get3A_25 = tpu.vector_load %arg7[%get3A_23, %get3A_24] {strides = array<i32>} : memref<128x80xi32, #tpu.memory_space<vmem>>, vector<1x16xi32>,
    %get3A_26 = vector.shape_cast %get3A_25 : vector<1x16xi32> to vector<16xi32>
    %and3A_27 = arith.constant 65535 : i32
    %and3A_28 = vector.broadcast %and3A_27 : i32 to vector<16xi32>
    %and3A_29 = arith.andi %get3A_26, %and3A_28 : vector<16xi32>
    %swap3A_30 = arith.constant 16 : index
    %swap3A_31 = tpu.vector_load %arg10[%swap3A_30] {strides = array<i32>} : memref<80xi32, #tpu.memory_space<vmem>>, vector<16xi32>,
    %swap3A_32 = vector.shape_cast %swap3A_31 : vector<16xi32> to vector<16xi32>
    %swap3A_33 = vector.shape_cast %and3A_29 : vector<16xi32> to vector<16xi32>
    tpu.vector_store %arg10[%swap3A_30], %swap3A_33 {strides = array<i32>} : memref<80xi32, #tpu.memory_space<vmem>>, vector<16xi32>,
    %shift_right_logical3A_34 = arith.constant 16 : i32
    %shift_right_logical3A_35 = vector.broadcast %shift_right_logical3A_34 : i32 to vector<16xi32>
    %shift_right_logical3A_36 = arith.shrui %get3A_26, %shift_right_logical3A_35 : vector<16xi32>
    %swap3A_37 = arith.constant 16 : index
    %swap3A_38 = tpu.vector_load %arg12[%swap3A_37] {strides = array<i32>} : memref<80xi32, #tpu.memory_space<vmem>>, vector<16xi32>,
    %swap3A_39 = vector.shape_cast %swap3A_38 : vector<16xi32> to vector<16xi32>
    %swap3A_40 = vector.shape_cast %shift_right_logical3A_36 : vector<16xi32> to vector<16xi32>
    tpu.vector_store %arg12[%swap3A_37], %swap3A_40 {strides = array<i32>} : memref<80xi32, #tpu.memory_space<vmem>>, vector<16xi32>,
    %get3A_41 = arith.constant 0 : i32
    %get3A_42 = arith.index_cast %get3A_41 : i32 to index
    %get3A_43 = arith.constant 32 : index
    %get3A_44 = tpu.vector_load %arg7[%get3A_42, %get3A_43] {strides = array<i32>} : memref<128x80xi32, #tpu.memory_space<vmem>>, vector<1x16xi32>,
    %get3A_45 = vector.shape_cast %get3A_44 : vector<1x16xi32> to vector<16xi32>
    %and3A_46 = arith.constant 65535 : i32
    %and3A_47 = vector.broadcast %and3A_46 : i32 to vector<16xi32>
    %and3A_48 = arith.andi %get3A_45, %and3A_47 : vector<16xi32>
    %swap3A_49 = arith.constant 32 : index
    %swap3A_50 = tpu.vector_load %arg10[%swap3A_49] {strides = array<i32>} : memref<80xi32, #tpu.memory_space<vmem>>, vector<16xi32>,
    %swap3A_51 = vector.shape_cast %swap3A_50 : vector<16xi32> to vector<16xi32>
    %swap3A_52 = vector.shape_cast %and3A_48 : vector<16xi32> to vector<16xi32>
    tpu.vector_store %arg10[%swap3A_49], %swap3A_52 {strides = array<i32>} : memref<80xi32, #tpu.memory_space<vmem>>, vector<16xi32>,
    %shift_right_logical3A_53 = arith.constant 16 : i32
    %shift_right_logical3A_54 = vector.broadcast %shift_right_logical3A_53 : i32 to vector<16xi32>
    %shift_right_logical3A_55 = arith.shrui %get3A_45, %shift_right_logical3A_54 : vector<16xi32>
    %swap3A_56 = arith.constant 32 : index
    %swap3A_57 = tpu.vector_load %arg12[%swap3A_56] {strides = array<i32>} : memref<80xi32, #tpu.memory_space<vmem>>, vector<16xi32>,
    %swap3A_58 = vector.shape_cast %swap3A_57 : vector<16xi32> to vector<16xi32>
    %swap3A_59 = vector.shape_cast %shift_right_logical3A_55 : vector<16xi32> to vector<16xi32>
    tpu.vector_store %arg12[%swap3A_56], %swap3A_59 {strides = array<i32>} : memref<80xi32, #tpu.memory_space<vmem>>, vector<16xi32>,
    %get3A_60 = arith.constant 0 : i32
    %get3A_61 = arith.index_cast %get3A_60 : i32 to index
    %get3A_62 = arith.constant 48 : index
    %get3A_63 = tpu.vector_load %arg7[%get3A_61, %get3A_62] {strides = array<i32>} : memref<128x80xi32, #tpu.memory_space<vmem>>, vector<1x16xi32>,
    %get3A_64 = vector.shape_cast %get3A_63 : vector<1x16xi32> to vector<16xi32>
    %and3A_65 = arith.constant 65535 : i32
    %and3A_66 = vector.broadcast %and3A_65 : i32 to vector<16xi32>
    %and3A_67 = arith.andi %get3A_64, %and3A_66 : vector<16xi32>
    %swap3A_68 = arith.constant 48 : index
    %swap3A_69 = tpu.vector_load %arg10[%swap3A_68] {strides = array<i32>} : memref<80xi32, #tpu.memory_space<vmem>>, vector<16xi32>,
    %swap3A_70 = vector.shape_cast %swap3A_69 : vector<16xi32> to vector<16xi32>
    %swap3A_71 = vector.shape_cast %and3A_67 : vector<16xi32> to vector<16xi32>
    tpu.vector_store %arg10[%swap3A_68], %swap3A_71 {strides = array<i32>} : memref<80xi32, #tpu.memory_space<vmem>>, vector<16xi32>,
    %shift_right_logical3A_72 = arith.constant 16 : i32
    %shift_right_logical3A_73 = vector.broadcast %shift_right_logical3A_72 : i32 to vector<16xi32>
    %shift_right_logical3A_74 = arith.shrui %get3A_64, %shift_right_logical3A_73 : vector<16xi32>
    %swap3A_75 = arith.constant 48 : index
    %swap3A_76 = tpu.vector_load %arg12[%swap3A_75] {strides = array<i32>} : memref<80xi32, #tpu.memory_space<vmem>>, vector<16xi32>,
    %swap3A_77 = vector.shape_cast %swap3A_76 : vector<16xi32> to vector<16xi32>
    %swap3A_78 = vector.shape_cast %shift_right_logical3A_74 : vector<16xi32> to vector<16xi32>
    tpu.vector_store %arg12[%swap3A_75], %swap3A_78 {strides = array<i32>} : memref<80xi32, #tpu.memory_space<vmem>>, vector<16xi32>,
    %get3A_79 = arith.constant 0 : i32
    %get3A_80 = arith.index_cast %get3A_79 : i32 to index
    %get3A_81 = arith.constant 64 : index
    %get3A_82 = tpu.vector_load %arg7[%get3A_80, %get3A_81] {strides = array<i32>} : memref<128x80xi32, #tpu.memory_space<vmem>>, vector<1x16xi32>,
    %get3A_83 = vector.shape_cast %get3A_82 : vector<1x16xi32> to vector<16xi32>
    %and3A_84 = arith.constant 65535 : i32
    %and3A_85 = vector.broadcast %and3A_84 : i32 to vector<16xi32>
    %and3A_86 = arith.andi %get3A_83, %and3A_85 : vector<16xi32>
    %swap3A_87 = arith.constant 64 : index
    %swap3A_88 = tpu.vector_load %arg10[%swap3A_87] {strides = array<i32>} : memref<80xi32, #tpu.memory_space<vmem>>, vector<16xi32>,
    %swap3A_89 = vector.shape_cast %swap3A_88 : vector<16xi32> to vector<16xi32>
    %swap3A_90 = vector.shape_cast %and3A_86 : vector<16xi32> to vector<16xi32>
    tpu.vector_store %arg10[%swap3A_87], %swap3A_90 {strides = array<i32>} : memref<80xi32, #tpu.memory_space<vmem>>, vector<16xi32>,
    %shift_right_logical3A_91 = arith.constant 16 : i32
    %shift_right_logical3A_92 = vector.broadcast %shift_right_logical3A_91 : i32 to vector<16xi32>
    %shift_right_logical3A_93 = arith.shrui %get3A_83, %shift_right_logical3A_92 : vector<16xi32>
    %swap3A_94 = arith.constant 64 : index
    %swap3A_95 = tpu.vector_load %arg12[%swap3A_94] {strides = array<i32>} : memref<80xi32, #tpu.memory_space<vmem>>, vector<16xi32>,
    %swap3A_96 = vector.shape_cast %swap3A_95 : vector<16xi32> to vector<16xi32>
    %swap3A_97 = vector.shape_cast %shift_right_logical3A_93 : vector<16xi32> to vector<16xi32>
    tpu.vector_store %arg12[%swap3A_94], %swap3A_97 {strides = array<i32>} : memref<80xi32, #tpu.memory_space<vmem>>, vector<16xi32>,
    %get3A_98 = arith.constant 1 : i32
    %get3A_99 = arith.index_cast %get3A_98 : i32 to index
    %get3A_100 = arith.constant 0 : index
    %get3A_101 = tpu.vector_load %arg7[%get3A_99, %get3A_100] {strides = array<i32>} : memref<128x80xi32, #tpu.memory_space<vmem>>, vector<1x16xi32>,
    %get3A_102 = vector.shape_cast %get3A_101 : vector<1x16xi32> to vector<16xi32>
    %and3A_103 = arith.constant 65535 : i32
    %and3A_104 = vector.broadcast %and3A_103 : i32 to vector<16xi32>
    %and3A_105 = arith.andi %get3A_102, %and3A_104 : vector<16xi32>
    %swap3A_106 = arith.constant 0 : index
    %swap3A_107 = tpu.vector_load %arg11[%swap3A_106] {strides = array<i32>} : memref<80xi32, #tpu.memory_space<vmem>>, vector<16xi32>,
    %swap3A_108 = vector.shape_cast %swap3A_107 : vector<16xi32> to vector<16xi32>
    %swap3A_109 = vector.shape_cast %and3A_105 : vector<16xi32> to vector<16xi32>
    tpu.vector_store %arg11[%swap3A_106], %swap3A_109 {strides = array<i32>} : memref<80xi32, #tpu.memory_space<vmem>>, vector<16xi32>,
    %shift_right_logical3A_110 = arith.constant 16 : i32
    %shift_right_logical3A_111 = vector.broadcast %shift_right_logical3A_110 : i32 to vector<16xi32>
    %shift_right_logical3A_112 = arith.shrui %get3A_102, %shift_right_logical3A_111 : vector<16xi32>
    %swap3A_113 = arith.constant 0 : index
    %swap3A_114 = tpu.vector_load %arg13[%swap3A_113] {strides = array<i32>} : memref<80xi32, #tpu.memory_space<vmem>>, vector<16xi32>,
    %swap3A_115 = vector.shape_cast %swap3A_114 : vector<16xi32> to vector<16xi32>
    %swap3A_116 = vector.shape_cast %shift_right_logical3A_112 : vector<16xi32> to vector<16xi32>
    tpu.vector_store %arg13[%swap3A_113], %swap3A_116 {strides = array<i32>} : memref<80xi32, #tpu.memory_space<vmem>>, vector<16xi32>,
    %get3A_117 = arith.constant 1 : i32
    %get3A_118 = arith.index_cast %get3A_117 : i32 to index
    %get3A_119 = arith.constant 16 : index
    %get3A_120 = tpu.vector_load %arg7[%get3A_118, %get3A_119] {strides = array<i32>} : memref<128x80xi32, #tpu.memory_space<vmem>>, vector<1x16xi32>,
    %get3A_121 = vector.shape_cast %get3A_120 : vector<1x16xi32> to vector<16xi32>
    %and3A_122 = arith.constant 65535 : i32
    %and3A_123 = vector.broadcast %and3A_122 : i32 to vector<16xi32>
    %and3A_124 = arith.andi %get3A_121, %and3A_123 : vector<16xi32>
    %swap3A_125 = arith.constant 16 : index
    %swap3A_126 = tpu.vector_load %arg11[%swap3A_125] {strides = array<i32>} : memref<80xi32, #tpu.memory_space<vmem>>, vector<16xi32>,
    %swap3A_127 = vector.shape_cast %swap3A_126 : vector<16xi32> to vector<16xi32>
    %swap3A_128 = vector.shape_cast %and3A_124 : vector<16xi32> to vector<16xi32>
    tpu.vector_store %arg11[%swap3A_125], %swap3A_128 {strides = array<i32>} : memref<80xi32, #tpu.memory_space<vmem>>, vector<16xi32>,
    %shift_right_logical3A_129 = arith.constant 16 : i32
    %shift_right_logical3A_130 = vector.broadcast %shift_right_logical3A_129 : i32 to vector<16xi32>
    %shift_right_logical3A_131 = arith.shrui %get3A_121, %shift_right_logical3A_130 : vector<16xi32>
    %swap3A_132 = arith.constant 16 : index
    %swap3A_133 = tpu.vector_load %arg13[%swap3A_132] {strides = array<i32>} : memref<80xi32, #tpu.memory_space<vmem>>, vector<16xi32>,
    %swap3A_134 = vector.shape_cast %swap3A_133 : vector<16xi32> to vector<16xi32>
    %swap3A_135 = vector.shape_cast %shift_right_logical3A_131 : vector<16xi32> to vector<16xi32>
    tpu.vector_store %arg13[%swap3A_132], %swap3A_135 {strides = array<i32>} : memref<80xi32, #tpu.memory_space<vmem>>, vector<16xi32>,
    %get3A_136 = arith.constant 1 : i32
    %get3A_137 = arith.index_cast %get3A_136 : i32 to index
    %get3A_138 = arith.constant 32 : index
    %get3A_139 = tpu.vector_load %arg7[%get3A_137, %get3A_138] {strides = array<i32>} : memref<128x80xi32, #tpu.memory_space<vmem>>, vector<1x16xi32>,
    %get3A_140 = vector.shape_cast %get3A_139 : vector<1x16xi32> to vector<16xi32>
    %and3A_141 = arith.constant 65535 : i32
    %and3A_142 = vector.broadcast %and3A_141 : i32 to vector<16xi32>
    %and3A_143 = arith.andi %get3A_140, %and3A_142 : vector<16xi32>
    %swap3A_144 = arith.constant 32 : index
    %swap3A_145 = tpu.vector_load %arg11[%swap3A_144] {strides = array<i32>} : memref<80xi32, #tpu.memory_space<vmem>>, vector<16xi32>,
    %swap3A_146 = vector.shape_cast %swap3A_145 : vector<16xi32> to vector<16xi32>
    %swap3A_147 = vector.shape_cast %and3A_143 : vector<16xi32> to vector<16xi32>
    tpu.vector_store %arg11[%swap3A_144], %swap3A_147 {strides = array<i32>} : memref<80xi32, #tpu.memory_space<vmem>>, vector<16xi32>,
    %shift_right_logical3A_148 = arith.constant 16 : i32
    %shift_right_logical3A_149 = vector.broadcast %shift_right_logical3A_148 : i32 to vector<16xi32>
    %shift_right_logical3A_150 = arith.shrui %get3A_140, %shift_right_logical3A_149 : vector<16xi32>
    %swap3A_151 = arith.constant 32 : index
    %swap3A_152 = tpu.vector_load %arg13[%swap3A_151] {strides = array<i32>} : memref<80xi32, #tpu.memory_space<vmem>>, vector<16xi32>,
    %swap3A_153 = vector.shape_cast %swap3A_152 : vector<16xi32> to vector<16xi32>
    %swap3A_154 = vector.shape_cast %shift_right_logical3A_150 : vector<16xi32> to vector<16xi32>
    tpu.vector_store %arg13[%swap3A_151], %swap3A_154 {strides = array<i32>} : memref<80xi32, #tpu.memory_space<vmem>>, vector<16xi32>,
    %get3A_155 = arith.constant 1 : i32
    %get3A_156 = arith.index_cast %get3A_155 : i32 to index
    %get3A_157 = arith.constant 48 : index
    %get3A_158 = tpu.vector_load %arg7[%get3A_156, %get3A_157] {strides = array<i32>} : memref<128x80xi32, #tpu.memory_space<vmem>>, vector<1x16xi32>,
    %get3A_159 = vector.shape_cast %get3A_158 : vector<1x16xi32> to vector<16xi32>
    %and3A_160 = arith.constant 65535 : i32
    %and3A_161 = vector.broadcast %and3A_160 : i32 to vector<16xi32>
    %and3A_162 = arith.andi %get3A_159, %and3A_161 : vector<16xi32>
    %swap3A_163 = arith.constant 48 : index
    %swap3A_164 = tpu.vector_load %arg11[%swap3A_163] {strides = array<i32>} : memref<80xi32, #tpu.memory_space<vmem>>, vector<16xi32>,
    %swap3A_165 = vector.shape_cast %swap3A_164 : vector<16xi32> to vector<16xi32>
    %swap3A_166 = vector.shape_cast %and3A_162 : vector<16xi32> to vector<16xi32>
    tpu.vector_store %arg11[%swap3A_163], %swap3A_166 {strides = array<i32>} : memref<80xi32, #tpu.memory_space<vmem>>, vector<16xi32>,
    %shift_right_logical3A_167 = arith.constant 16 : i32
    %shift_right_logical3A_168 = vector.broadcast %shift_right_logical3A_167 : i32 to vector<16xi32>
    %shift_right_logical3A_169 = arith.shrui %get3A_159, %shift_right_logical3A_168 : vector<16xi32>
    %swap3A_170 = arith.constant 48 : index
    %swap3A_171 = tpu.vector_load %arg13[%swap3A_170] {strides = array<i32>} : memref<80xi32, #tpu.memory_space<vmem>>, vector<16xi32>,
    %swap3A_172 = vector.shape_cast %swap3A_171 : vector<16xi32> to vector<16xi32>
    %swap3A_173 = vector.shape_cast %shift_right_logical3A_169 : vector<16xi32> to vector<16xi32>
    tpu.vector_store %arg13[%swap3A_170], %swap3A_173 {strides = array<i32>} : memref<80xi32, #tpu.memory_space<vmem>>, vector<16xi32>,
    %get3A_174 = arith.constant 1 : i32
    %get3A_175 = arith.index_cast %get3A_174 : i32 to index
    %get3A_176 = arith.constant 64 : index
    %get3A_177 = tpu.vector_load %arg7[%get3A_175, %get3A_176] {strides = array<i32>} : memref<128x80xi32, #tpu.memory_space<vmem>>, vector<1x16xi32>,
    %get3A_178 = vector.shape_cast %get3A_177 : vector<1x16xi32> to vector<16xi32>
    %and3A_179 = arith.constant 65535 : i32
    %and3A_180 = vector.broadcast %and3A_179 : i32 to vector<16xi32>
    %and3A_181 = arith.andi %get3A_178, %and3A_180 : vector<16xi32>
    %swap3A_182 = arith.constant 64 : index
    %swap3A_183 = tpu.vector_load %arg11[%swap3A_182] {strides = array<i32>} : memref<80xi32, #tpu.memory_space<vmem>>, vector<16xi32>,
    %swap3A_184 = vector.shape_cast %swap3A_183 : vector<16xi32> to vector<16xi32>
    %swap3A_185 = vector.shape_cast %and3A_181 : vector<16xi32> to vector<16xi32>
    tpu.vector_store %arg11[%swap3A_182], %swap3A_185 {strides = array<i32>} : memref<80xi32, #tpu.memory_space<vmem>>, vector<16xi32>,
    %shift_right_logical3A_186 = arith.constant 16 : i32
    %shift_right_logical3A_187 = vector.broadcast %shift_right_logical3A_186 : i32 to vector<16xi32>
    %shift_right_logical3A_188 = arith.shrui %get3A_178, %shift_right_logical3A_187 : vector<16xi32>
    %swap3A_189 = arith.constant 64 : index
    %swap3A_190 = tpu.vector_load %arg13[%swap3A_189] {strides = array<i32>} : memref<80xi32, #tpu.memory_space<vmem>>, vector<16xi32>,
    %swap3A_191 = vector.shape_cast %swap3A_190 : vector<16xi32> to vector<16xi32>
    %swap3A_192 = vector.shape_cast %shift_right_logical3A_188 : vector<16xi32> to vector<16xi32>
    tpu.vector_store %arg13[%swap3A_189], %swap3A_192 {strides = array<i32>} : memref<80xi32, #tpu.memory_space<vmem>>, vector<16xi32>,
    %dma_start3A_193 = arith.constant 0 : i32
    %dma_start3A_194 = arith.constant 0 : i32
    %dma_start3A_195 = tpu.memref_slice %arg2[%dma_start3A_193, %dma_start3A_194] : memref<10000x128xf32, #tpu.memory_space<hbm>> -> memref<10000x128xf32, #tpu.memory_space<hbm>>
    tpu.enqueue_indirect_dma source(%dma_start3A_195 : memref<10000x128xf32, #tpu.memory_space<hbm>>) target(%arg8 : memref<80x128xf32, #tpu.memory_space<vmem>>) offsets(%arg10 : memref<80xi32, #tpu.memory_space<vmem>>) semaphore(%arg14 : memref<!tpu.dma_semaphore, #tpu.memory_space<semaphore_mem>>)
    %dma_wait3A = arith.constant 0 : i32
    %dma_wait3A_196 = tpu.memref_slice %arg6[%multiple_of3A, %dma_wait3A] : memref<10000x128xf32, #tpu.memory_space<vmem_shared>> -> memref<640x128xf32, #tpu.memory_space<vmem_shared>>
    %dma_wait3A_197 = arith.constant 0 : i32
    %dma_wait3A_198 = tpu.memref_slice %arg4[%multiple_of3A, %dma_wait3A_197] : memref<10000x128xf32, #tpu.memory_space<hbm>> -> memref<640x128xf32, #tpu.memory_space<hbm>>
    tpu.wait_dma2 semaphore(%arg16 : memref<!tpu.dma_semaphore, #tpu.memory_space<semaphore_mem>>) src(%dma_wait3A_198 : memref<640x128xf32, #tpu.memory_space<hbm>>) dst(%dma_wait3A_196 : memref<640x128xf32, #tpu.memory_space<vmem_shared>>)
    %barrier3A = arith.constant 0 : index
    tpu.barrier barrier_id(%barrier3A)
    %scan3A = arith.constant 0 : i32
    %scan3A_199 = arith.constant 62 : i32
    %scan3A_200 = arith.addi %scan3A, %scan3A_199 : i32
    %scan3A_201 = arith.constant 1 : i32
    scf.for %scan3A_207 = %scan3A to %scan3A_200 step %scan3A_201  : i32 {
      %mul3A_208 = arith.constant 2 : i32
      %mul3A_209 = arith.muli %scan3A_207, %mul3A_208 : i32
      %add3A_210 = arith.constant 0 : i32
      %add3A_211 = arith.addi %add3A_210, %mul3A_209 : i32
      %dma_wait3A_212 = arith.constant 0 : i32
      %dma_wait3A_213 = arith.constant 0 : i32
      %dma_wait3A_214 = tpu.memref_slice %arg2[%dma_wait3A_212, %dma_wait3A_213] : memref<10000x128xf32, #tpu.memory_space<hbm>> -> memref<10000x128xf32, #tpu.memory_space<hbm>>
      tpu.wait_indirect_dma semaphore(%arg14 : memref<!tpu.dma_semaphore, #tpu.memory_space<semaphore_mem>>) src(%dma_wait3A_214 : memref<10000x128xf32, #tpu.memory_space<hbm>>) dst(%arg8 : memref<80x128xf32, #tpu.memory_space<vmem>>)
      %dma_start3A_215 = arith.constant 0 : i32
      %dma_start3A_216 = arith.constant 0 : i32
      %dma_start3A_217 = tpu.memref_slice %arg2[%dma_start3A_215, %dma_start3A_216] : memref<10000x128xf32, #tpu.memory_space<hbm>> -> memref<10000x128xf32, #tpu.memory_space<hbm>>
      tpu.enqueue_indirect_dma source(%dma_start3A_217 : memref<10000x128xf32, #tpu.memory_space<hbm>>) target(%arg9 : memref<80x128xf32, #tpu.memory_space<vmem>>) offsets(%arg11 : memref<80xi32, #tpu.memory_space<vmem>>) semaphore(%arg15 : memref<!tpu.dma_semaphore, #tpu.memory_space<semaphore_mem>>)
      "tpu.region"() ({
        %run_scoped3A = tpu.sem_alloc : memref<!tpu.dma_semaphore, #tpu.memory_space<semaphore_mem>>
        %dma_start3A_408 = arith.constant 0 : i32
        %dma_start3A_409 = arith.constant 0 : i32
        %dma_start3A_410 = tpu.memref_slice %arg6[%dma_start3A_408, %dma_start3A_409] : memref<10000x128xf32, #tpu.memory_space<vmem_shared>> -> memref<10000x128xf32, #tpu.memory_space<vmem_shared>>
        tpu.enqueue_indirect_dma source(%arg8 : memref<80x128xf32, #tpu.memory_space<vmem>>) target(%dma_start3A_410 : memref<10000x128xf32, #tpu.memory_space<vmem_shared>>) offsets(%arg12 : memref<80xi32, #tpu.memory_space<vmem>>) semaphore(%run_scoped3A : memref<!tpu.dma_semaphore, #tpu.memory_space<semaphore_mem>>) {add = true}
        %dma_wait3A_411 = arith.constant 0 : i32
        %dma_wait3A_412 = arith.constant 0 : i32
        %dma_wait3A_413 = tpu.memref_slice %arg6[%dma_wait3A_411, %dma_wait3A_412] : memref<10000x128xf32, #tpu.memory_space<vmem_shared>> -> memref<10000x128xf32, #tpu.memory_space<vmem_shared>>
        tpu.wait_indirect_dma semaphore(%run_scoped3A : memref<!tpu.dma_semaphore, #tpu.memory_space<semaphore_mem>>) src(%arg8 : memref<80x128xf32, #tpu.memory_space<vmem>>) dst(%dma_wait3A_413 : memref<10000x128xf32, #tpu.memory_space<vmem_shared>>)
        tpu.yield
      }) : () -> ()
      %add3A_218 = arith.constant 2 : i32
      %add3A_219 = arith.addi %add3A_211, %add3A_218 : i32
      %get3A_220 = arith.index_cast %add3A_219 : i32 to index
      %get3A_221 = arith.constant 0 : index
      %get3A_222 = tpu.vector_load %arg7[%get3A_220, %get3A_221] {strides = array<i32>} : memref<128x80xi32, #tpu.memory_space<vmem>>, vector<1x16xi32>,
      %get3A_223 = vector.shape_cast %get3A_222 : vector<1x16xi32> to vector<16xi32>
      %and3A_224 = arith.constant 65535 : i32
      %and3A_225 = vector.broadcast %and3A_224 : i32 to vector<16xi32>
      %and3A_226 = arith.andi %get3A_223, %and3A_225 : vector<16xi32>
      %swap3A_227 = arith.constant 0 : index
      %swap3A_228 = tpu.vector_load %arg10[%swap3A_227] {strides = array<i32>} : memref<80xi32, #tpu.memory_space<vmem>>, vector<16xi32>,
      %swap3A_229 = vector.shape_cast %swap3A_228 : vector<16xi32> to vector<16xi32>
      %swap3A_230 = vector.shape_cast %and3A_226 : vector<16xi32> to vector<16xi32>
      tpu.vector_store %arg10[%swap3A_227], %swap3A_230 {strides = array<i32>} : memref<80xi32, #tpu.memory_space<vmem>>, vector<16xi32>,
      %shift_right_logical3A_231 = arith.constant 16 : i32
      %shift_right_logical3A_232 = vector.broadcast %shift_right_logical3A_231 : i32 to vector<16xi32>
      %shift_right_logical3A_233 = arith.shrui %get3A_223, %shift_right_logical3A_232 : vector<16xi32>
      %swap3A_234 = arith.constant 0 : index
      %swap3A_235 = tpu.vector_load %arg12[%swap3A_234] {strides = array<i32>} : memref<80xi32, #tpu.memory_space<vmem>>, vector<16xi32>,
      %swap3A_236 = vector.shape_cast %swap3A_235 : vector<16xi32> to vector<16xi32>
      %swap3A_237 = vector.shape_cast %shift_right_logical3A_233 : vector<16xi32> to vector<16xi32>
      tpu.vector_store %arg12[%swap3A_234], %swap3A_237 {strides = array<i32>} : memref<80xi32, #tpu.memory_space<vmem>>, vector<16xi32>,
      %get3A_238 = arith.index_cast %add3A_219 : i32 to index
      %get3A_239 = arith.constant 16 : index
      %get3A_240 = tpu.vector_load %arg7[%get3A_238, %get3A_239] {strides = array<i32>} : memref<128x80xi32, #tpu.memory_space<vmem>>, vector<1x16xi32>,
      %get3A_241 = vector.shape_cast %get3A_240 : vector<1x16xi32> to vector<16xi32>
      %and3A_242 = arith.constant 65535 : i32
      %and3A_243 = vector.broadcast %and3A_242 : i32 to vector<16xi32>
      %and3A_244 = arith.andi %get3A_241, %and3A_243 : vector<16xi32>
      %swap3A_245 = arith.constant 16 : index
      %swap3A_246 = tpu.vector_load %arg10[%swap3A_245] {strides = array<i32>} : memref<80xi32, #tpu.memory_space<vmem>>, vector<16xi32>,
      %swap3A_247 = vector.shape_cast %swap3A_246 : vector<16xi32> to vector<16xi32>
      %swap3A_248 = vector.shape_cast %and3A_244 : vector<16xi32> to vector<16xi32>
      tpu.vector_store %arg10[%swap3A_245], %swap3A_248 {strides = array<i32>} : memref<80xi32, #tpu.memory_space<vmem>>, vector<16xi32>,
      %shift_right_logical3A_249 = arith.constant 16 : i32
      %shift_right_logical3A_250 = vector.broadcast %shift_right_logical3A_249 : i32 to vector<16xi32>
      %shift_right_logical3A_251 = arith.shrui %get3A_241, %shift_right_logical3A_250 : vector<16xi32>
      %swap3A_252 = arith.constant 16 : index
      %swap3A_253 = tpu.vector_load %arg12[%swap3A_252] {strides = array<i32>} : memref<80xi32, #tpu.memory_space<vmem>>, vector<16xi32>,
      %swap3A_254 = vector.shape_cast %swap3A_253 : vector<16xi32> to vector<16xi32>
      %swap3A_255 = vector.shape_cast %shift_right_logical3A_251 : vector<16xi32> to vector<16xi32>
      tpu.vector_store %arg12[%swap3A_252], %swap3A_255 {strides = array<i32>} : memref<80xi32, #tpu.memory_space<vmem>>, vector<16xi32>,
      %get3A_256 = arith.index_cast %add3A_219 : i32 to index
      %get3A_257 = arith.constant 32 : index
      %get3A_258 = tpu.vector_load %arg7[%get3A_256, %get3A_257] {strides = array<i32>} : memref<128x80xi32, #tpu.memory_space<vmem>>, vector<1x16xi32>,
      %get3A_259 = vector.shape_cast %get3A_258 : vector<1x16xi32> to vector<16xi32>
      %and3A_260 = arith.constant 65535 : i32
      %and3A_261 = vector.broadcast %and3A_260 : i32 to vector<16xi32>
      %and3A_262 = arith.andi %get3A_259, %and3A_261 : vector<16xi32>
      %swap3A_263 = arith.constant 32 : index
      %swap3A_264 = tpu.vector_load %arg10[%swap3A_263] {strides = array<i32>} : memref<80xi32, #tpu.memory_space<vmem>>, vector<16xi32>,
      %swap3A_265 = vector.shape_cast %swap3A_264 : vector<16xi32> to vector<16xi32>
      %swap3A_266 = vector.shape_cast %and3A_262 : vector<16xi32> to vector<16xi32>
      tpu.vector_store %arg10[%swap3A_263], %swap3A_266 {strides = array<i32>} : memref<80xi32, #tpu.memory_space<vmem>>, vector<16xi32>,
      %shift_right_logical3A_267 = arith.constant 16 : i32
      %shift_right_logical3A_268 = vector.broadcast %shift_right_logical3A_267 : i32 to vector<16xi32>
      %shift_right_logical3A_269 = arith.shrui %get3A_259, %shift_right_logical3A_268 : vector<16xi32>
      %swap3A_270 = arith.constant 32 : index
      %swap3A_271 = tpu.vector_load %arg12[%swap3A_270] {strides = array<i32>} : memref<80xi32, #tpu.memory_space<vmem>>, vector<16xi32>,
      %swap3A_272 = vector.shape_cast %swap3A_271 : vector<16xi32> to vector<16xi32>
      %swap3A_273 = vector.shape_cast %shift_right_logical3A_269 : vector<16xi32> to vector<16xi32>
      tpu.vector_store %arg12[%swap3A_270], %swap3A_273 {strides = array<i32>} : memref<80xi32, #tpu.memory_space<vmem>>, vector<16xi32>,
      %get3A_274 = arith.index_cast %add3A_219 : i32 to index
      %get3A_275 = arith.constant 48 : index
      %get3A_276 = tpu.vector_load %arg7[%get3A_274, %get3A_275] {strides = array<i32>} : memref<128x80xi32, #tpu.memory_space<vmem>>, vector<1x16xi32>,
      %get3A_277 = vector.shape_cast %get3A_276 : vector<1x16xi32> to vector<16xi32>
      %and3A_278 = arith.constant 65535 : i32
      %and3A_279 = vector.broadcast %and3A_278 : i32 to vector<16xi32>
      %and3A_280 = arith.andi %get3A_277, %and3A_279 : vector<16xi32>
      %swap3A_281 = arith.constant 48 : index
      %swap3A_282 = tpu.vector_load %arg10[%swap3A_281] {strides = array<i32>} : memref<80xi32, #tpu.memory_space<vmem>>, vector<16xi32>,
      %swap3A_283 = vector.shape_cast %swap3A_282 : vector<16xi32> to vector<16xi32>
      %swap3A_284 = vector.shape_cast %and3A_280 : vector<16xi32> to vector<16xi32>
      tpu.vector_store %arg10[%swap3A_281], %swap3A_284 {strides = array<i32>} : memref<80xi32, #tpu.memory_space<vmem>>, vector<16xi32>,
      %shift_right_logical3A_285 = arith.constant 16 : i32
      %shift_right_logical3A_286 = vector.broadcast %shift_right_logical3A_285 : i32 to vector<16xi32>
      %shift_right_logical3A_287 = arith.shrui %get3A_277, %shift_right_logical3A_286 : vector<16xi32>
      %swap3A_288 = arith.constant 48 : index
      %swap3A_289 = tpu.vector_load %arg12[%swap3A_288] {strides = array<i32>} : memref<80xi32, #tpu.memory_space<vmem>>, vector<16xi32>,
      %swap3A_290 = vector.shape_cast %swap3A_289 : vector<16xi32> to vector<16xi32>
      %swap3A_291 = vector.shape_cast %shift_right_logical3A_287 : vector<16xi32> to vector<16xi32>
      tpu.vector_store %arg12[%swap3A_288], %swap3A_291 {strides = array<i32>} : memref<80xi32, #tpu.memory_space<vmem>>, vector<16xi32>,
      %get3A_292 = arith.index_cast %add3A_219 : i32 to index
      %get3A_293 = arith.constant 64 : index
      %get3A_294 = tpu.vector_load %arg7[%get3A_292, %get3A_293] {strides = array<i32>} : memref<128x80xi32, #tpu.memory_space<vmem>>, vector<1x16xi32>,
      %get3A_295 = vector.shape_cast %get3A_294 : vector<1x16xi32> to vector<16xi32>
      %and3A_296 = arith.constant 65535 : i32
      %and3A_297 = vector.broadcast %and3A_296 : i32 to vector<16xi32>
      %and3A_298 = arith.andi %get3A_295, %and3A_297 : vector<16xi32>
      %swap3A_299 = arith.constant 64 : index
      %swap3A_300 = tpu.vector_load %arg10[%swap3A_299] {strides = array<i32>} : memref<80xi32, #tpu.memory_space<vmem>>, vector<16xi32>,
      %swap3A_301 = vector.shape_cast %swap3A_300 : vector<16xi32> to vector<16xi32>
      %swap3A_302 = vector.shape_cast %and3A_298 : vector<16xi32> to vector<16xi32>
      tpu.vector_store %arg10[%swap3A_299], %swap3A_302 {strides = array<i32>} : memref<80xi32, #tpu.memory_space<vmem>>, vector<16xi32>,
      %shift_right_logical3A_303 = arith.constant 16 : i32
      %shift_right_logical3A_304 = vector.broadcast %shift_right_logical3A_303 : i32 to vector<16xi32>
      %shift_right_logical3A_305 = arith.shrui %get3A_295, %shift_right_logical3A_304 : vector<16xi32>
      %swap3A_306 = arith.constant 64 : index
      %swap3A_307 = tpu.vector_load %arg12[%swap3A_306] {strides = array<i32>} : memref<80xi32, #tpu.memory_space<vmem>>, vector<16xi32>,
      %swap3A_308 = vector.shape_cast %swap3A_307 : vector<16xi32> to vector<16xi32>
      %swap3A_309 = vector.shape_cast %shift_right_logical3A_305 : vector<16xi32> to vector<16xi32>
      tpu.vector_store %arg12[%swap3A_306], %swap3A_309 {strides = array<i32>} : memref<80xi32, #tpu.memory_space<vmem>>, vector<16xi32>,
      %dma_start3A_310 = arith.constant 0 : i32
      %dma_start3A_311 = arith.constant 0 : i32
      %dma_start3A_312 = tpu.memref_slice %arg2[%dma_start3A_310, %dma_start3A_311] : memref<10000x128xf32, #tpu.memory_space<hbm>> -> memref<10000x128xf32, #tpu.memory_space<hbm>>
      tpu.enqueue_indirect_dma source(%dma_start3A_312 : memref<10000x128xf32, #tpu.memory_space<hbm>>) target(%arg8 : memref<80x128xf32, #tpu.memory_space<vmem>>) offsets(%arg10 : memref<80xi32, #tpu.memory_space<vmem>>) semaphore(%arg14 : memref<!tpu.dma_semaphore, #tpu.memory_space<semaphore_mem>>)
      %dma_wait3A_313 = arith.constant 0 : i32
      %dma_wait3A_314 = arith.constant 0 : i32
      %dma_wait3A_315 = tpu.memref_slice %arg2[%dma_wait3A_313, %dma_wait3A_314] : memref<10000x128xf32, #tpu.memory_space<hbm>> -> memref<10000x128xf32, #tpu.memory_space<hbm>>
      tpu.wait_indirect_dma semaphore(%arg15 : memref<!tpu.dma_semaphore, #tpu.memory_space<semaphore_mem>>) src(%dma_wait3A_315 : memref<10000x128xf32, #tpu.memory_space<hbm>>) dst(%arg9 : memref<80x128xf32, #tpu.memory_space<vmem>>)
      "tpu.region"() ({
        %run_scoped3A = tpu.sem_alloc : memref<!tpu.dma_semaphore, #tpu.memory_space<semaphore_mem>>
        %dma_start3A_408 = arith.constant 0 : i32
        %dma_start3A_409 = arith.constant 0 : i32
        %dma_start3A_410 = tpu.memref_slice %arg6[%dma_start3A_408, %dma_start3A_409] : memref<10000x128xf32, #tpu.memory_space<vmem_shared>> -> memref<10000x128xf32, #tpu.memory_space<vmem_shared>>
        tpu.enqueue_indirect_dma source(%arg9 : memref<80x128xf32, #tpu.memory_space<vmem>>) target(%dma_start3A_410 : memref<10000x128xf32, #tpu.memory_space<vmem_shared>>) offsets(%arg13 : memref<80xi32, #tpu.memory_space<vmem>>) semaphore(%run_scoped3A : memref<!tpu.dma_semaphore, #tpu.memory_space<semaphore_mem>>) {add = true}
        %dma_wait3A_411 = arith.constant 0 : i32
        %dma_wait3A_412 = arith.constant 0 : i32
        %dma_wait3A_413 = tpu.memref_slice %arg6[%dma_wait3A_411, %dma_wait3A_412] : memref<10000x128xf32, #tpu.memory_space<vmem_shared>> -> memref<10000x128xf32, #tpu.memory_space<vmem_shared>>
        tpu.wait_indirect_dma semaphore(%run_scoped3A : memref<!tpu.dma_semaphore, #tpu.memory_space<semaphore_mem>>) src(%arg9 : memref<80x128xf32, #tpu.memory_space<vmem>>) dst(%dma_wait3A_413 : memref<10000x128xf32, #tpu.memory_space<vmem_shared>>)
        tpu.yield
      }) : () -> ()
      %add3A_316 = arith.constant 3 : i32
      %add3A_317 = arith.addi %add3A_211, %add3A_316 : i32
      %get3A_318 = arith.index_cast %add3A_317 : i32 to index
      %get3A_319 = arith.constant 0 : index
      %get3A_320 = tpu.vector_load %arg7[%get3A_318, %get3A_319] {strides = array<i32>} : memref<128x80xi32, #tpu.memory_space<vmem>>, vector<1x16xi32>,
      %get3A_321 = vector.shape_cast %get3A_320 : vector<1x16xi32> to vector<16xi32>
      %and3A_322 = arith.constant 65535 : i32
      %and3A_323 = vector.broadcast %and3A_322 : i32 to vector<16xi32>
      %and3A_324 = arith.andi %get3A_321, %and3A_323 : vector<16xi32>
      %swap3A_325 = arith.constant 0 : index
      %swap3A_326 = tpu.vector_load %arg11[%swap3A_325] {strides = array<i32>} : memref<80xi32, #tpu.memory_space<vmem>>, vector<16xi32>,
      %swap3A_327 = vector.shape_cast %swap3A_326 : vector<16xi32> to vector<16xi32>
      %swap3A_328 = vector.shape_cast %and3A_324 : vector<16xi32> to vector<16xi32>
      tpu.vector_store %arg11[%swap3A_325], %swap3A_328 {strides = array<i32>} : memref<80xi32, #tpu.memory_space<vmem>>, vector<16xi32>,
      %shift_right_logical3A_329 = arith.constant 16 : i32
      %shift_right_logical3A_330 = vector.broadcast %shift_right_logical3A_329 : i32 to vector<16xi32>
      %shift_right_logical3A_331 = arith.shrui %get3A_321, %shift_right_logical3A_330 : vector<16xi32>
      %swap3A_332 = arith.constant 0 : index
      %swap3A_333 = tpu.vector_load %arg13[%swap3A_332] {strides = array<i32>} : memref<80xi32, #tpu.memory_space<vmem>>, vector<16xi32>,
      %swap3A_334 = vector.shape_cast %swap3A_333 : vector<16xi32> to vector<16xi32>
      %swap3A_335 = vector.shape_cast %shift_right_logical3A_331 : vector<16xi32> to vector<16xi32>
      tpu.vector_store %arg13[%swap3A_332], %swap3A_335 {strides = array<i32>} : memref<80xi32, #tpu.memory_space<vmem>>, vector<16xi32>,
      %get3A_336 = arith.index_cast %add3A_317 : i32 to index
      %get3A_337 = arith.constant 16 : index
      %get3A_338 = tpu.vector_load %arg7[%get3A_336, %get3A_337] {strides = array<i32>} : memref<128x80xi32, #tpu.memory_space<vmem>>, vector<1x16xi32>,
      %get3A_339 = vector.shape_cast %get3A_338 : vector<1x16xi32> to vector<16xi32>
      %and3A_340 = arith.constant 65535 : i32
      %and3A_341 = vector.broadcast %and3A_340 : i32 to vector<16xi32>
      %and3A_342 = arith.andi %get3A_339, %and3A_341 : vector<16xi32>
      %swap3A_343 = arith.constant 16 : index
      %swap3A_344 = tpu.vector_load %arg11[%swap3A_343] {strides = array<i32>} : memref<80xi32, #tpu.memory_space<vmem>>, vector<16xi32>,
      %swap3A_345 = vector.shape_cast %swap3A_344 : vector<16xi32> to vector<16xi32>
      %swap3A_346 = vector.shape_cast %and3A_342 : vector<16xi32> to vector<16xi32>
      tpu.vector_store %arg11[%swap3A_343], %swap3A_346 {strides = array<i32>} : memref<80xi32, #tpu.memory_space<vmem>>, vector<16xi32>,
      %shift_right_logical3A_347 = arith.constant 16 : i32
      %shift_right_logical3A_348 = vector.broadcast %shift_right_logical3A_347 : i32 to vector<16xi32>
      %shift_right_logical3A_349 = arith.shrui %get3A_339, %shift_right_logical3A_348 : vector<16xi32>
      %swap3A_350 = arith.constant 16 : index
      %swap3A_351 = tpu.vector_load %arg13[%swap3A_350] {strides = array<i32>} : memref<80xi32, #tpu.memory_space<vmem>>, vector<16xi32>,
      %swap3A_352 = vector.shape_cast %swap3A_351 : vector<16xi32> to vector<16xi32>
      %swap3A_353 = vector.shape_cast %shift_right_logical3A_349 : vector<16xi32> to vector<16xi32>
      tpu.vector_store %arg13[%swap3A_350], %swap3A_353 {strides = array<i32>} : memref<80xi32, #tpu.memory_space<vmem>>, vector<16xi32>,
      %get3A_354 = arith.index_cast %add3A_317 : i32 to index
      %get3A_355 = arith.constant 32 : index
      %get3A_356 = tpu.vector_load %arg7[%get3A_354, %get3A_355] {strides = array<i32>} : memref<128x80xi32, #tpu.memory_space<vmem>>, vector<1x16xi32>,
      %get3A_357 = vector.shape_cast %get3A_356 : vector<1x16xi32> to vector<16xi32>
      %and3A_358 = arith.constant 65535 : i32
      %and3A_359 = vector.broadcast %and3A_358 : i32 to vector<16xi32>
      %and3A_360 = arith.andi %get3A_357, %and3A_359 : vector<16xi32>
      %swap3A_361 = arith.constant 32 : index
      %swap3A_362 = tpu.vector_load %arg11[%swap3A_361] {strides = array<i32>} : memref<80xi32, #tpu.memory_space<vmem>>, vector<16xi32>,
      %swap3A_363 = vector.shape_cast %swap3A_362 : vector<16xi32> to vector<16xi32>
      %swap3A_364 = vector.shape_cast %and3A_360 : vector<16xi32> to vector<16xi32>
      tpu.vector_store %arg11[%swap3A_361], %swap3A_364 {strides = array<i32>} : memref<80xi32, #tpu.memory_space<vmem>>, vector<16xi32>,
      %shift_right_logical3A_365 = arith.constant 16 : i32
      %shift_right_logical3A_366 = vector.broadcast %shift_right_logical3A_365 : i32 to vector<16xi32>
      %shift_right_logical3A_367 = arith.shrui %get3A_357, %shift_right_logical3A_366 : vector<16xi32>
      %swap3A_368 = arith.constant 32 : index
      %swap3A_369 = tpu.vector_load %arg13[%swap3A_368] {strides = array<i32>} : memref<80xi32, #tpu.memory_space<vmem>>, vector<16xi32>,
      %swap3A_370 = vector.shape_cast %swap3A_369 : vector<16xi32> to vector<16xi32>
      %swap3A_371 = vector.shape_cast %shift_right_logical3A_367 : vector<16xi32> to vector<16xi32>
      tpu.vector_store %arg13[%swap3A_368], %swap3A_371 {strides = array<i32>} : memref<80xi32, #tpu.memory_space<vmem>>, vector<16xi32>,
      %get3A_372 = arith.index_cast %add3A_317 : i32 to index
      %get3A_373 = arith.constant 48 : index
      %get3A_374 = tpu.vector_load %arg7[%get3A_372, %get3A_373] {strides = array<i32>} : memref<128x80xi32, #tpu.memory_space<vmem>>, vector<1x16xi32>,
      %get3A_375 = vector.shape_cast %get3A_374 : vector<1x16xi32> to vector<16xi32>
      %and3A_376 = arith.constant 65535 : i32
      %and3A_377 = vector.broadcast %and3A_376 : i32 to vector<16xi32>
      %and3A_378 = arith.andi %get3A_375, %and3A_377 : vector<16xi32>
      %swap3A_379 = arith.constant 48 : index
      %swap3A_380 = tpu.vector_load %arg11[%swap3A_379] {strides = array<i32>} : memref<80xi32, #tpu.memory_space<vmem>>, vector<16xi32>,
      %swap3A_381 = vector.shape_cast %swap3A_380 : vector<16xi32> to vector<16xi32>
      %swap3A_382 = vector.shape_cast %and3A_378 : vector<16xi32> to vector<16xi32>
      tpu.vector_store %arg11[%swap3A_379], %swap3A_382 {strides = array<i32>} : memref<80xi32, #tpu.memory_space<vmem>>, vector<16xi32>,
      %shift_right_logical3A_383 = arith.constant 16 : i32
      %shift_right_logical3A_384 = vector.broadcast %shift_right_logical3A_383 : i32 to vector<16xi32>
      %shift_right_logical3A_385 = arith.shrui %get3A_375, %shift_right_logical3A_384 : vector<16xi32>
      %swap3A_386 = arith.constant 48 : index
      %swap3A_387 = tpu.vector_load %arg13[%swap3A_386] {strides = array<i32>} : memref<80xi32, #tpu.memory_space<vmem>>, vector<16xi32>,
      %swap3A_388 = vector.shape_cast %swap3A_387 : vector<16xi32> to vector<16xi32>
      %swap3A_389 = vector.shape_cast %shift_right_logical3A_385 : vector<16xi32> to vector<16xi32>
      tpu.vector_store %arg13[%swap3A_386], %swap3A_389 {strides = array<i32>} : memref<80xi32, #tpu.memory_space<vmem>>, vector<16xi32>,
      %get3A_390 = arith.index_cast %add3A_317 : i32 to index
      %get3A_391 = arith.constant 64 : index
      %get3A_392 = tpu.vector_load %arg7[%get3A_390, %get3A_391] {strides = array<i32>} : memref<128x80xi32, #tpu.memory_space<vmem>>, vector<1x16xi32>,
      %get3A_393 = vector.shape_cast %get3A_392 : vector<1x16xi32> to vector<16xi32>
      %and3A_394 = arith.constant 65535 : i32
      %and3A_395 = vector.broadcast %and3A_394 : i32 to vector<16xi32>
      %and3A_396 = arith.andi %get3A_393, %and3A_395 : vector<16xi32>
      %swap3A_397 = arith.constant 64 : index
      %swap3A_398 = tpu.vector_load %arg11[%swap3A_397] {strides = array<i32>} : memref<80xi32, #tpu.memory_space<vmem>>, vector<16xi32>,
      %swap3A_399 = vector.shape_cast %swap3A_398 : vector<16xi32> to vector<16xi32>
      %swap3A_400 = vector.shape_cast %and3A_396 : vector<16xi32> to vector<16xi32>
      tpu.vector_store %arg11[%swap3A_397], %swap3A_400 {strides = array<i32>} : memref<80xi32, #tpu.memory_space<vmem>>, vector<16xi32>,
      %shift_right_logical3A_401 = arith.constant 16 : i32
      %shift_right_logical3A_402 = vector.broadcast %shift_right_logical3A_401 : i32 to vector<16xi32>
      %shift_right_logical3A_403 = arith.shrui %get3A_393, %shift_right_logical3A_402 : vector<16xi32>
      %swap3A_404 = arith.constant 64 : index
      %swap3A_405 = tpu.vector_load %arg13[%swap3A_404] {strides = array<i32>} : memref<80xi32, #tpu.memory_space<vmem>>, vector<16xi32>,
      %swap3A_406 = vector.shape_cast %swap3A_405 : vector<16xi32> to vector<16xi32>
      %swap3A_407 = vector.shape_cast %shift_right_logical3A_403 : vector<16xi32> to vector<16xi32>
      tpu.vector_store %arg13[%swap3A_404], %swap3A_407 {strides = array<i32>} : memref<80xi32, #tpu.memory_space<vmem>>, vector<16xi32>,
    }
    %scan3A_202 = arith.constant 62 : i32
    %dma_wait3A_203 = arith.constant 0 : i32
    %dma_wait3A_204 = arith.constant 0 : i32
    %dma_wait3A_205 = tpu.memref_slice %arg2[%dma_wait3A_203, %dma_wait3A_204] : memref<10000x128xf32, #tpu.memory_space<hbm>> -> memref<10000x128xf32, #tpu.memory_space<hbm>>
    tpu.wait_indirect_dma semaphore(%arg14 : memref<!tpu.dma_semaphore, #tpu.memory_space<semaphore_mem>>) src(%dma_wait3A_205 : memref<10000x128xf32, #tpu.memory_space<hbm>>) dst(%arg8 : memref<80x128xf32, #tpu.memory_space<vmem>>)
    "tpu.region"() ({
      %run_scoped3A = tpu.sem_alloc : memref<!tpu.dma_semaphore, #tpu.memory_space<semaphore_mem>>
      %dma_start3A_207 = arith.constant 0 : i32
      %dma_start3A_208 = arith.constant 0 : i32
      %dma_start3A_209 = tpu.memref_slice %arg6[%dma_start3A_207, %dma_start3A_208] : memref<10000x128xf32, #tpu.memory_space<vmem_shared>> -> memref<10000x128xf32, #tpu.memory_space<vmem_shared>>
      tpu.enqueue_indirect_dma source(%arg8 : memref<80x128xf32, #tpu.memory_space<vmem>>) target(%dma_start3A_209 : memref<10000x128xf32, #tpu.memory_space<vmem_shared>>) offsets(%arg12 : memref<80xi32, #tpu.memory_space<vmem>>) semaphore(%run_scoped3A : memref<!tpu.dma_semaphore, #tpu.memory_space<semaphore_mem>>) {add = true}
      %dma_wait3A_210 = arith.constant 0 : i32
      %dma_wait3A_211 = arith.constant 0 : i32
      %dma_wait3A_212 = tpu.memref_slice %arg6[%dma_wait3A_210, %dma_wait3A_211] : memref<10000x128xf32, #tpu.memory_space<vmem_shared>> -> memref<10000x128xf32, #tpu.memory_space<vmem_shared>>
      tpu.wait_indirect_dma semaphore(%run_scoped3A : memref<!tpu.dma_semaphore, #tpu.memory_space<semaphore_mem>>) src(%arg8 : memref<80x128xf32, #tpu.memory_space<vmem>>) dst(%dma_wait3A_212 : memref<10000x128xf32, #tpu.memory_space<vmem_shared>>)
      tpu.yield
    }) : () -> ()
    %barrier3A_206 = arith.constant 0 : index
    tpu.barrier barrier_id(%barrier3A_206)
    "tpu.region"() ({
      %run_scoped3A = tpu.sem_alloc : memref<!tpu.dma_semaphore, #tpu.memory_space<semaphore_mem>>
      %dma_start3A_207 = arith.constant 0 : i32
      %dma_start3A_208 = arith.constant 0 : i32
      %dma_start3A_209 = tpu.memref_slice %arg5[%arg0, %dma_start3A_207, %dma_start3A_208] : memref<2x10000x128xf32, #tpu.memory_space<hbm>> -> memref<1x10000x128xf32, #tpu.memory_space<hbm>>
      %dma_start3A_210 = tpu.memref_squeeze %dma_start3A_209 : memref<1x10000x128xf32, #tpu.memory_space<hbm>> -> memref<10000x128xf32, #tpu.memory_space<hbm>>
      %dma_start3A_211 = arith.constant 0 : i32
      %dma_start3A_212 = tpu.memref_slice %dma_start3A_210[%multiple_of3A, %dma_start3A_211] : memref<10000x128xf32, #tpu.memory_space<hbm>> -> memref<640x128xf32, #tpu.memory_space<hbm>>
      %dma_start3A_213 = arith.constant 0 : i32
      %dma_start3A_214 = tpu.memref_slice %arg6[%multiple_of3A, %dma_start3A_213] : memref<10000x128xf32, #tpu.memory_space<vmem_shared>> -> memref<640x128xf32, #tpu.memory_space<vmem_shared>>
      tpu.enqueue_dma source(%dma_start3A_214 : memref<640x128xf32, #tpu.memory_space<vmem_shared>>) target(%dma_start3A_212 : memref<640x128xf32, #tpu.memory_space<hbm>>) target_semaphore(%run_scoped3A : memref<!tpu.dma_semaphore, #tpu.memory_space<semaphore_mem>>)
      %dma_wait3A_215 = arith.constant 0 : i32
      %dma_wait3A_216 = arith.constant 0 : i32
      %dma_wait3A_217 = tpu.memref_slice %arg5[%arg0, %dma_wait3A_215, %dma_wait3A_216] : memref<2x10000x128xf32, #tpu.memory_space<hbm>> -> memref<1x10000x128xf32, #tpu.memory_space<hbm>>
      %dma_wait3A_218 = tpu.memref_squeeze %dma_wait3A_217 : memref<1x10000x128xf32, #tpu.memory_space<hbm>> -> memref<10000x128xf32, #tpu.memory_space<hbm>>
      %dma_wait3A_219 = arith.constant 0 : i32
      %dma_wait3A_220 = tpu.memref_slice %dma_wait3A_218[%multiple_of3A, %dma_wait3A_219] : memref<10000x128xf32, #tpu.memory_space<hbm>> -> memref<640x128xf32, #tpu.memory_space<hbm>>
      %dma_wait3A_221 = arith.constant 0 : i32
      %dma_wait3A_222 = tpu.memref_slice %arg6[%multiple_of3A, %dma_wait3A_221] : memref<10000x128xf32, #tpu.memory_space<vmem_shared>> -> memref<640x128xf32, #tpu.memory_space<vmem_shared>>
      tpu.wait_dma2 semaphore(%run_scoped3A : memref<!tpu.dma_semaphore, #tpu.memory_space<semaphore_mem>>) src(%dma_wait3A_222 : memref<640x128xf32, #tpu.memory_space<vmem_shared>>) dst(%dma_wait3A_220 : memref<640x128xf32, #tpu.memory_space<hbm>>)
      tpu.yield
    }) : () -> ()
    return
  }
}

#map = affine_map<(d0, d1) -> (0, 0)>
#map1 = affine_map<(d0, d1) -> (0, 0, 0)>
module attributes {stable_mosaic.version = 14 : i64} {
  func.func @_seg_body(%arg0: i32, %arg1: i32, %arg2: memref<10000x128xf32, #tpu.memory_space<hbm>>, %arg3: memref<32x125x80xi32, #tpu.memory_space<hbm>>, %arg4: memref<10000x128xf32, #tpu.memory_space<hbm>>, %arg5: memref<2x10000x128xf32, #tpu.memory_space<hbm>>, %arg6: memref<10000x128xf32, #tpu.memory_space<vmem_shared>>, %arg7: memref<128x80xi32, #tpu.memory_space<vmem>>, %arg8: memref<80x128xf32, #tpu.memory_space<vmem>>, %arg9: memref<80x128xf32, #tpu.memory_space<vmem>>, %arg10: memref<80xi32, #tpu.memory_space<vmem>>, %arg11: memref<80xi32, #tpu.memory_space<vmem>>, %arg12: memref<80xi32, #tpu.memory_space<vmem>>, %arg13: memref<80xi32, #tpu.memory_space<vmem>>, %arg14: memref<!tpu.dma_semaphore, #tpu.memory_space<semaphore_mem>>, %arg15: memref<!tpu.dma_semaphore, #tpu.memory_space<semaphore_mem>>, %arg16: memref<!tpu.dma_semaphore, #tpu.memory_space<semaphore_mem>>) attributes {dimension_semantics = [#tpu.dimension_semantics<core_parallel>, #tpu.dimension_semantics<subcore_parallel>], iteration_bounds = array<i64: 2, 16>, scalar_prefetch = 0 : i64, scratch_operands = 11 : i64, tpu.core_type = #tpu.core_type<sc_vector_subcore>, window_params = [{transform_indices = #map}, {transform_indices = #map1}, {transform_indices = #map}, {transform_indices = #map1}]} {
    %mul3A = arith.constant 2 : i32
    %mul3A_0 = arith.muli %arg1, %mul3A : i32
    %add3A = arith.addi %mul3A_0, %arg0 : i32
    %eq3A = arith.constant 15 : i32
    %eq3A_1 = arith.cmpi eq, %arg1, %eq3A : i32
    %mul3A_2 = arith.constant 640 : i32
    %mul3A_3 = arith.muli %arg1, %mul3A_2 : i32
    %jit3A = arith.constant 9360 : i32
    %select_n3A = arith.select %eq3A_1, %jit3A, %mul3A_3 : i32
    %multiple_of3A = tpu.assume_multiple %select_n3A, 8 : i32
    %dma_start3A = arith.constant 0 : i32
    %dma_start3A_4 = tpu.memref_slice %arg6[%multiple_of3A, %dma_start3A] : memref<10000x128xf32, #tpu.memory_space<vmem_shared>> -> memref<640x128xf32, #tpu.memory_space<vmem_shared>>
    %dma_start3A_5 = arith.constant 0 : i32
    %dma_start3A_6 = tpu.memref_slice %arg4[%multiple_of3A, %dma_start3A_5] : memref<10000x128xf32, #tpu.memory_space<hbm>> -> memref<640x128xf32, #tpu.memory_space<hbm>>
    tpu.enqueue_dma source(%dma_start3A_6 : memref<640x128xf32, #tpu.memory_space<hbm>>) target(%dma_start3A_4 : memref<640x128xf32, #tpu.memory_space<vmem_shared>>) target_semaphore(%arg16 : memref<!tpu.dma_semaphore, #tpu.memory_space<semaphore_mem>>)
    "tpu.region"() ({
      %run_scoped3A = tpu.sem_alloc : memref<!tpu.dma_semaphore, #tpu.memory_space<semaphore_mem>>
      %dma_start3A_207 = arith.constant 0 : i32
      %dma_start3A_208 = arith.constant 0 : i32
      %dma_start3A_209 = tpu.memref_slice %arg7[%dma_start3A_207, %dma_start3A_208] : memref<128x80xi32, #tpu.memory_space<vmem>> -> memref<125x80xi32, #tpu.memory_space<vmem>>
      %dma_start3A_210 = arith.constant 0 : i32
      %dma_start3A_211 = arith.constant 0 : i32
      %dma_start3A_212 = tpu.memref_slice %arg3[%add3A, %dma_start3A_210, %dma_start3A_211] : memref<32x125x80xi32, #tpu.memory_space<hbm>> -> memref<1x125x80xi32, #tpu.memory_space<hbm>>
      %dma_start3A_213 = tpu.memref_squeeze %dma_start3A_212 : memref<1x125x80xi32, #tpu.memory_space<hbm>> -> memref<125x80xi32, #tpu.memory_space<hbm>>
      %dma_start3A_214 = arith.constant 0 : i32
      %dma_start3A_215 = arith.constant 0 : i32
      %dma_start3A_216 = tpu.memref_slice %arg7[%dma_start3A_214, %dma_start3A_215] : memref<128x80xi32, #tpu.memory_space<vmem>> -> memref<125x80xi32, #tpu.memory_space<vmem>>
      %dma_start3A_217 = arith.constant 0 : i32
      %dma_start3A_218 = arith.constant 0 : i32
      %dma_start3A_219 = tpu.memref_slice %arg3[%add3A, %dma_start3A_217, %dma_start3A_218] : memref<32x125x80xi32, #tpu.memory_space<hbm>> -> memref<1x125x80xi32, #tpu.memory_space<hbm>>
      %dma_start3A_220 = tpu.memref_squeeze %dma_start3A_219 : memref<1x125x80xi32, #tpu.memory_space<hbm>> -> memref<125x80xi32, #tpu.memory_space<hbm>>
      tpu.enqueue_dma source(%dma_start3A_220 : memref<125x80xi32, #tpu.memory_space<hbm>>) target(%dma_start3A_216 : memref<125x80xi32, #tpu.memory_space<vmem>>) target_semaphore(%run_scoped3A : memref<!tpu.dma_semaphore, #tpu.memory_space<semaphore_mem>>)
      %dma_wait3A_221 = arith.constant 0 : i32
      %dma_wait3A_222 = arith.constant 0 : i32
      %dma_wait3A_223 = tpu.memref_slice %arg7[%dma_wait3A_221, %dma_wait3A_222] : memref<128x80xi32, #tpu.memory_space<vmem>> -> memref<125x80xi32, #tpu.memory_space<vmem>>
      %dma_wait3A_224 = arith.constant 0 : i32
      %dma_wait3A_225 = arith.constant 0 : i32
      %dma_wait3A_226 = tpu.memref_slice %arg3[%add3A, %dma_wait3A_224, %dma_wait3A_225] : memref<32x125x80xi32, #tpu.memory_space<hbm>> -> memref<1x125x80xi32, #tpu.memory_space<hbm>>
      %dma_wait3A_227 = tpu.memref_squeeze %dma_wait3A_226 : memref<1x125x80xi32, #tpu.memory_space<hbm>> -> memref<125x80xi32, #tpu.memory_space<hbm>>
      %dma_wait3A_228 = arith.constant 0 : i32
      %dma_wait3A_229 = arith.constant 0 : i32
      %dma_wait3A_230 = tpu.memref_slice %arg7[%dma_wait3A_228, %dma_wait3A_229] : memref<128x80xi32, #tpu.memory_space<vmem>> -> memref<125x80xi32, #tpu.memory_space<vmem>>
      %dma_wait3A_231 = arith.constant 0 : i32
      %dma_wait3A_232 = arith.constant 0 : i32
      %dma_wait3A_233 = tpu.memref_slice %arg3[%add3A, %dma_wait3A_231, %dma_wait3A_232] : memref<32x125x80xi32, #tpu.memory_space<hbm>> -> memref<1x125x80xi32, #tpu.memory_space<hbm>>
      %dma_wait3A_234 = tpu.memref_squeeze %dma_wait3A_233 : memref<1x125x80xi32, #tpu.memory_space<hbm>> -> memref<125x80xi32, #tpu.memory_space<hbm>>
      tpu.wait_dma2 semaphore(%run_scoped3A : memref<!tpu.dma_semaphore, #tpu.memory_space<semaphore_mem>>) src(%dma_wait3A_234 : memref<125x80xi32, #tpu.memory_space<hbm>>) dst(%dma_wait3A_230 : memref<125x80xi32, #tpu.memory_space<vmem>>)
      tpu.yield
    }) : () -> ()
    %get3A = arith.constant 0 : i32
    %get3A_7 = arith.index_cast %get3A : i32 to index
    %get3A_8 = arith.constant 0 : index
    %get3A_9 = tpu.vector_load %arg7[%get3A_7, %get3A_8] {strides = array<i32>} : memref<128x80xi32, #tpu.memory_space<vmem>>, vector<1x16xi32>,
    %get3A_10 = vector.shape_cast %get3A_9 : vector<1x16xi32> to vector<16xi32>
    %and3A = arith.constant 65535 : i32
    %and3A_11 = vector.broadcast %and3A : i32 to vector<16xi32>
    %and3A_12 = arith.andi %get3A_10, %and3A_11 : vector<16xi32>
    %swap3A = arith.constant 0 : index
    %swap3A_13 = tpu.vector_load %arg10[%swap3A] {strides = array<i32>} : memref<80xi32, #tpu.memory_space<vmem>>, vector<16xi32>,
    %swap3A_14 = vector.shape_cast %swap3A_13 : vector<16xi32> to vector<16xi32>
    %swap3A_15 = vector.shape_cast %and3A_12 : vector<16xi32> to vector<16xi32>
    tpu.vector_store %arg10[%swap3A], %swap3A_15 {strides = array<i32>} : memref<80xi32, #tpu.memory_space<vmem>>, vector<16xi32>,
    %shift_right_logical3A = arith.constant 16 : i32
    %shift_right_logical3A_16 = vector.broadcast %shift_right_logical3A : i32 to vector<16xi32>
    %shift_right_logical3A_17 = arith.shrui %get3A_10, %shift_right_logical3A_16 : vector<16xi32>
    %swap3A_18 = arith.constant 0 : index
    %swap3A_19 = tpu.vector_load %arg12[%swap3A_18] {strides = array<i32>} : memref<80xi32, #tpu.memory_space<vmem>>, vector<16xi32>,
    %swap3A_20 = vector.shape_cast %swap3A_19 : vector<16xi32> to vector<16xi32>
    %swap3A_21 = vector.shape_cast %shift_right_logical3A_17 : vector<16xi32> to vector<16xi32>
    tpu.vector_store %arg12[%swap3A_18], %swap3A_21 {strides = array<i32>} : memref<80xi32, #tpu.memory_space<vmem>>, vector<16xi32>,
    %get3A_22 = arith.constant 0 : i32
    %get3A_23 = arith.index_cast %get3A_22 : i32 to index
    %get3A_24 = arith.constant 16 : index
    %get3A_25 = tpu.vector_load %arg7[%get3A_23, %get3A_24] {strides = array<i32>} : memref<128x80xi32, #tpu.memory_space<vmem>>, vector<1x16xi32>,
    %get3A_26 = vector.shape_cast %get3A_25 : vector<1x16xi32> to vector<16xi32>
    %and3A_27 = arith.constant 65535 : i32
    %and3A_28 = vector.broadcast %and3A_27 : i32 to vector<16xi32>
    %and3A_29 = arith.andi %get3A_26, %and3A_28 : vector<16xi32>
    %swap3A_30 = arith.constant 16 : index
    %swap3A_31 = tpu.vector_load %arg10[%swap3A_30] {strides = array<i32>} : memref<80xi32, #tpu.memory_space<vmem>>, vector<16xi32>,
    %swap3A_32 = vector.shape_cast %swap3A_31 : vector<16xi32> to vector<16xi32>
    %swap3A_33 = vector.shape_cast %and3A_29 : vector<16xi32> to vector<16xi32>
    tpu.vector_store %arg10[%swap3A_30], %swap3A_33 {strides = array<i32>} : memref<80xi32, #tpu.memory_space<vmem>>, vector<16xi32>,
    %shift_right_logical3A_34 = arith.constant 16 : i32
    %shift_right_logical3A_35 = vector.broadcast %shift_right_logical3A_34 : i32 to vector<16xi32>
    %shift_right_logical3A_36 = arith.shrui %get3A_26, %shift_right_logical3A_35 : vector<16xi32>
    %swap3A_37 = arith.constant 16 : index
    %swap3A_38 = tpu.vector_load %arg12[%swap3A_37] {strides = array<i32>} : memref<80xi32, #tpu.memory_space<vmem>>, vector<16xi32>,
    %swap3A_39 = vector.shape_cast %swap3A_38 : vector<16xi32> to vector<16xi32>
    %swap3A_40 = vector.shape_cast %shift_right_logical3A_36 : vector<16xi32> to vector<16xi32>
    tpu.vector_store %arg12[%swap3A_37], %swap3A_40 {strides = array<i32>} : memref<80xi32, #tpu.memory_space<vmem>>, vector<16xi32>,
    %get3A_41 = arith.constant 0 : i32
    %get3A_42 = arith.index_cast %get3A_41 : i32 to index
    %get3A_43 = arith.constant 32 : index
    %get3A_44 = tpu.vector_load %arg7[%get3A_42, %get3A_43] {strides = array<i32>} : memref<128x80xi32, #tpu.memory_space<vmem>>, vector<1x16xi32>,
    %get3A_45 = vector.shape_cast %get3A_44 : vector<1x16xi32> to vector<16xi32>
    %and3A_46 = arith.constant 65535 : i32
    %and3A_47 = vector.broadcast %and3A_46 : i32 to vector<16xi32>
    %and3A_48 = arith.andi %get3A_45, %and3A_47 : vector<16xi32>
    %swap3A_49 = arith.constant 32 : index
    %swap3A_50 = tpu.vector_load %arg10[%swap3A_49] {strides = array<i32>} : memref<80xi32, #tpu.memory_space<vmem>>, vector<16xi32>,
    %swap3A_51 = vector.shape_cast %swap3A_50 : vector<16xi32> to vector<16xi32>
    %swap3A_52 = vector.shape_cast %and3A_48 : vector<16xi32> to vector<16xi32>
    tpu.vector_store %arg10[%swap3A_49], %swap3A_52 {strides = array<i32>} : memref<80xi32, #tpu.memory_space<vmem>>, vector<16xi32>,
    %shift_right_logical3A_53 = arith.constant 16 : i32
    %shift_right_logical3A_54 = vector.broadcast %shift_right_logical3A_53 : i32 to vector<16xi32>
    %shift_right_logical3A_55 = arith.shrui %get3A_45, %shift_right_logical3A_54 : vector<16xi32>
    %swap3A_56 = arith.constant 32 : index
    %swap3A_57 = tpu.vector_load %arg12[%swap3A_56] {strides = array<i32>} : memref<80xi32, #tpu.memory_space<vmem>>, vector<16xi32>,
    %swap3A_58 = vector.shape_cast %swap3A_57 : vector<16xi32> to vector<16xi32>
    %swap3A_59 = vector.shape_cast %shift_right_logical3A_55 : vector<16xi32> to vector<16xi32>
    tpu.vector_store %arg12[%swap3A_56], %swap3A_59 {strides = array<i32>} : memref<80xi32, #tpu.memory_space<vmem>>, vector<16xi32>,
    %get3A_60 = arith.constant 0 : i32
    %get3A_61 = arith.index_cast %get3A_60 : i32 to index
    %get3A_62 = arith.constant 48 : index
    %get3A_63 = tpu.vector_load %arg7[%get3A_61, %get3A_62] {strides = array<i32>} : memref<128x80xi32, #tpu.memory_space<vmem>>, vector<1x16xi32>,
    %get3A_64 = vector.shape_cast %get3A_63 : vector<1x16xi32> to vector<16xi32>
    %and3A_65 = arith.constant 65535 : i32
    %and3A_66 = vector.broadcast %and3A_65 : i32 to vector<16xi32>
    %and3A_67 = arith.andi %get3A_64, %and3A_66 : vector<16xi32>
    %swap3A_68 = arith.constant 48 : index
    %swap3A_69 = tpu.vector_load %arg10[%swap3A_68] {strides = array<i32>} : memref<80xi32, #tpu.memory_space<vmem>>, vector<16xi32>,
    %swap3A_70 = vector.shape_cast %swap3A_69 : vector<16xi32> to vector<16xi32>
    %swap3A_71 = vector.shape_cast %and3A_67 : vector<16xi32> to vector<16xi32>
    tpu.vector_store %arg10[%swap3A_68], %swap3A_71 {strides = array<i32>} : memref<80xi32, #tpu.memory_space<vmem>>, vector<16xi32>,
    %shift_right_logical3A_72 = arith.constant 16 : i32
    %shift_right_logical3A_73 = vector.broadcast %shift_right_logical3A_72 : i32 to vector<16xi32>
    %shift_right_logical3A_74 = arith.shrui %get3A_64, %shift_right_logical3A_73 : vector<16xi32>
    %swap3A_75 = arith.constant 48 : index
    %swap3A_76 = tpu.vector_load %arg12[%swap3A_75] {strides = array<i32>} : memref<80xi32, #tpu.memory_space<vmem>>, vector<16xi32>,
    %swap3A_77 = vector.shape_cast %swap3A_76 : vector<16xi32> to vector<16xi32>
    %swap3A_78 = vector.shape_cast %shift_right_logical3A_74 : vector<16xi32> to vector<16xi32>
    tpu.vector_store %arg12[%swap3A_75], %swap3A_78 {strides = array<i32>} : memref<80xi32, #tpu.memory_space<vmem>>, vector<16xi32>,
    %get3A_79 = arith.constant 0 : i32
    %get3A_80 = arith.index_cast %get3A_79 : i32 to index
    %get3A_81 = arith.constant 64 : index
    %get3A_82 = tpu.vector_load %arg7[%get3A_80, %get3A_81] {strides = array<i32>} : memref<128x80xi32, #tpu.memory_space<vmem>>, vector<1x16xi32>,
    %get3A_83 = vector.shape_cast %get3A_82 : vector<1x16xi32> to vector<16xi32>
    %and3A_84 = arith.constant 65535 : i32
    %and3A_85 = vector.broadcast %and3A_84 : i32 to vector<16xi32>
    %and3A_86 = arith.andi %get3A_83, %and3A_85 : vector<16xi32>
    %swap3A_87 = arith.constant 64 : index
    %swap3A_88 = tpu.vector_load %arg10[%swap3A_87] {strides = array<i32>} : memref<80xi32, #tpu.memory_space<vmem>>, vector<16xi32>,
    %swap3A_89 = vector.shape_cast %swap3A_88 : vector<16xi32> to vector<16xi32>
    %swap3A_90 = vector.shape_cast %and3A_86 : vector<16xi32> to vector<16xi32>
    tpu.vector_store %arg10[%swap3A_87], %swap3A_90 {strides = array<i32>} : memref<80xi32, #tpu.memory_space<vmem>>, vector<16xi32>,
    %shift_right_logical3A_91 = arith.constant 16 : i32
    %shift_right_logical3A_92 = vector.broadcast %shift_right_logical3A_91 : i32 to vector<16xi32>
    %shift_right_logical3A_93 = arith.shrui %get3A_83, %shift_right_logical3A_92 : vector<16xi32>
    %swap3A_94 = arith.constant 64 : index
    %swap3A_95 = tpu.vector_load %arg12[%swap3A_94] {strides = array<i32>} : memref<80xi32, #tpu.memory_space<vmem>>, vector<16xi32>,
    %swap3A_96 = vector.shape_cast %swap3A_95 : vector<16xi32> to vector<16xi32>
    %swap3A_97 = vector.shape_cast %shift_right_logical3A_93 : vector<16xi32> to vector<16xi32>
    tpu.vector_store %arg12[%swap3A_94], %swap3A_97 {strides = array<i32>} : memref<80xi32, #tpu.memory_space<vmem>>, vector<16xi32>,
    %get3A_98 = arith.constant 1 : i32
    %get3A_99 = arith.index_cast %get3A_98 : i32 to index
    %get3A_100 = arith.constant 0 : index
    %get3A_101 = tpu.vector_load %arg7[%get3A_99, %get3A_100] {strides = array<i32>} : memref<128x80xi32, #tpu.memory_space<vmem>>, vector<1x16xi32>,
    %get3A_102 = vector.shape_cast %get3A_101 : vector<1x16xi32> to vector<16xi32>
    %and3A_103 = arith.constant 65535 : i32
    %and3A_104 = vector.broadcast %and3A_103 : i32 to vector<16xi32>
    %and3A_105 = arith.andi %get3A_102, %and3A_104 : vector<16xi32>
    %swap3A_106 = arith.constant 0 : index
    %swap3A_107 = tpu.vector_load %arg11[%swap3A_106] {strides = array<i32>} : memref<80xi32, #tpu.memory_space<vmem>>, vector<16xi32>,
    %swap3A_108 = vector.shape_cast %swap3A_107 : vector<16xi32> to vector<16xi32>
    %swap3A_109 = vector.shape_cast %and3A_105 : vector<16xi32> to vector<16xi32>
    tpu.vector_store %arg11[%swap3A_106], %swap3A_109 {strides = array<i32>} : memref<80xi32, #tpu.memory_space<vmem>>, vector<16xi32>,
    %shift_right_logical3A_110 = arith.constant 16 : i32
    %shift_right_logical3A_111 = vector.broadcast %shift_right_logical3A_110 : i32 to vector<16xi32>
    %shift_right_logical3A_112 = arith.shrui %get3A_102, %shift_right_logical3A_111 : vector<16xi32>
    %swap3A_113 = arith.constant 0 : index
    %swap3A_114 = tpu.vector_load %arg13[%swap3A_113] {strides = array<i32>} : memref<80xi32, #tpu.memory_space<vmem>>, vector<16xi32>,
    %swap3A_115 = vector.shape_cast %swap3A_114 : vector<16xi32> to vector<16xi32>
    %swap3A_116 = vector.shape_cast %shift_right_logical3A_112 : vector<16xi32> to vector<16xi32>
    tpu.vector_store %arg13[%swap3A_113], %swap3A_116 {strides = array<i32>} : memref<80xi32, #tpu.memory_space<vmem>>, vector<16xi32>,
    %get3A_117 = arith.constant 1 : i32
    %get3A_118 = arith.index_cast %get3A_117 : i32 to index
    %get3A_119 = arith.constant 16 : index
    %get3A_120 = tpu.vector_load %arg7[%get3A_118, %get3A_119] {strides = array<i32>} : memref<128x80xi32, #tpu.memory_space<vmem>>, vector<1x16xi32>,
    %get3A_121 = vector.shape_cast %get3A_120 : vector<1x16xi32> to vector<16xi32>
    %and3A_122 = arith.constant 65535 : i32
    %and3A_123 = vector.broadcast %and3A_122 : i32 to vector<16xi32>
    %and3A_124 = arith.andi %get3A_121, %and3A_123 : vector<16xi32>
    %swap3A_125 = arith.constant 16 : index
    %swap3A_126 = tpu.vector_load %arg11[%swap3A_125] {strides = array<i32>} : memref<80xi32, #tpu.memory_space<vmem>>, vector<16xi32>,
    %swap3A_127 = vector.shape_cast %swap3A_126 : vector<16xi32> to vector<16xi32>
    %swap3A_128 = vector.shape_cast %and3A_124 : vector<16xi32> to vector<16xi32>
    tpu.vector_store %arg11[%swap3A_125], %swap3A_128 {strides = array<i32>} : memref<80xi32, #tpu.memory_space<vmem>>, vector<16xi32>,
    %shift_right_logical3A_129 = arith.constant 16 : i32
    %shift_right_logical3A_130 = vector.broadcast %shift_right_logical3A_129 : i32 to vector<16xi32>
    %shift_right_logical3A_131 = arith.shrui %get3A_121, %shift_right_logical3A_130 : vector<16xi32>
    %swap3A_132 = arith.constant 16 : index
    %swap3A_133 = tpu.vector_load %arg13[%swap3A_132] {strides = array<i32>} : memref<80xi32, #tpu.memory_space<vmem>>, vector<16xi32>,
    %swap3A_134 = vector.shape_cast %swap3A_133 : vector<16xi32> to vector<16xi32>
    %swap3A_135 = vector.shape_cast %shift_right_logical3A_131 : vector<16xi32> to vector<16xi32>
    tpu.vector_store %arg13[%swap3A_132], %swap3A_135 {strides = array<i32>} : memref<80xi32, #tpu.memory_space<vmem>>, vector<16xi32>,
    %get3A_136 = arith.constant 1 : i32
    %get3A_137 = arith.index_cast %get3A_136 : i32 to index
    %get3A_138 = arith.constant 32 : index
    %get3A_139 = tpu.vector_load %arg7[%get3A_137, %get3A_138] {strides = array<i32>} : memref<128x80xi32, #tpu.memory_space<vmem>>, vector<1x16xi32>,
    %get3A_140 = vector.shape_cast %get3A_139 : vector<1x16xi32> to vector<16xi32>
    %and3A_141 = arith.constant 65535 : i32
    %and3A_142 = vector.broadcast %and3A_141 : i32 to vector<16xi32>
    %and3A_143 = arith.andi %get3A_140, %and3A_142 : vector<16xi32>
    %swap3A_144 = arith.constant 32 : index
    %swap3A_145 = tpu.vector_load %arg11[%swap3A_144] {strides = array<i32>} : memref<80xi32, #tpu.memory_space<vmem>>, vector<16xi32>,
    %swap3A_146 = vector.shape_cast %swap3A_145 : vector<16xi32> to vector<16xi32>
    %swap3A_147 = vector.shape_cast %and3A_143 : vector<16xi32> to vector<16xi32>
    tpu.vector_store %arg11[%swap3A_144], %swap3A_147 {strides = array<i32>} : memref<80xi32, #tpu.memory_space<vmem>>, vector<16xi32>,
    %shift_right_logical3A_148 = arith.constant 16 : i32
    %shift_right_logical3A_149 = vector.broadcast %shift_right_logical3A_148 : i32 to vector<16xi32>
    %shift_right_logical3A_150 = arith.shrui %get3A_140, %shift_right_logical3A_149 : vector<16xi32>
    %swap3A_151 = arith.constant 32 : index
    %swap3A_152 = tpu.vector_load %arg13[%swap3A_151] {strides = array<i32>} : memref<80xi32, #tpu.memory_space<vmem>>, vector<16xi32>,
    %swap3A_153 = vector.shape_cast %swap3A_152 : vector<16xi32> to vector<16xi32>
    %swap3A_154 = vector.shape_cast %shift_right_logical3A_150 : vector<16xi32> to vector<16xi32>
    tpu.vector_store %arg13[%swap3A_151], %swap3A_154 {strides = array<i32>} : memref<80xi32, #tpu.memory_space<vmem>>, vector<16xi32>,
    %get3A_155 = arith.constant 1 : i32
    %get3A_156 = arith.index_cast %get3A_155 : i32 to index
    %get3A_157 = arith.constant 48 : index
    %get3A_158 = tpu.vector_load %arg7[%get3A_156, %get3A_157] {strides = array<i32>} : memref<128x80xi32, #tpu.memory_space<vmem>>, vector<1x16xi32>,
    %get3A_159 = vector.shape_cast %get3A_158 : vector<1x16xi32> to vector<16xi32>
    %and3A_160 = arith.constant 65535 : i32
    %and3A_161 = vector.broadcast %and3A_160 : i32 to vector<16xi32>
    %and3A_162 = arith.andi %get3A_159, %and3A_161 : vector<16xi32>
    %swap3A_163 = arith.constant 48 : index
    %swap3A_164 = tpu.vector_load %arg11[%swap3A_163] {strides = array<i32>} : memref<80xi32, #tpu.memory_space<vmem>>, vector<16xi32>,
    %swap3A_165 = vector.shape_cast %swap3A_164 : vector<16xi32> to vector<16xi32>
    %swap3A_166 = vector.shape_cast %and3A_162 : vector<16xi32> to vector<16xi32>
    tpu.vector_store %arg11[%swap3A_163], %swap3A_166 {strides = array<i32>} : memref<80xi32, #tpu.memory_space<vmem>>, vector<16xi32>,
    %shift_right_logical3A_167 = arith.constant 16 : i32
    %shift_right_logical3A_168 = vector.broadcast %shift_right_logical3A_167 : i32 to vector<16xi32>
    %shift_right_logical3A_169 = arith.shrui %get3A_159, %shift_right_logical3A_168 : vector<16xi32>
    %swap3A_170 = arith.constant 48 : index
    %swap3A_171 = tpu.vector_load %arg13[%swap3A_170] {strides = array<i32>} : memref<80xi32, #tpu.memory_space<vmem>>, vector<16xi32>,
    %swap3A_172 = vector.shape_cast %swap3A_171 : vector<16xi32> to vector<16xi32>
    %swap3A_173 = vector.shape_cast %shift_right_logical3A_169 : vector<16xi32> to vector<16xi32>
    tpu.vector_store %arg13[%swap3A_170], %swap3A_173 {strides = array<i32>} : memref<80xi32, #tpu.memory_space<vmem>>, vector<16xi32>,
    %get3A_174 = arith.constant 1 : i32
    %get3A_175 = arith.index_cast %get3A_174 : i32 to index
    %get3A_176 = arith.constant 64 : index
    %get3A_177 = tpu.vector_load %arg7[%get3A_175, %get3A_176] {strides = array<i32>} : memref<128x80xi32, #tpu.memory_space<vmem>>, vector<1x16xi32>,
    %get3A_178 = vector.shape_cast %get3A_177 : vector<1x16xi32> to vector<16xi32>
    %and3A_179 = arith.constant 65535 : i32
    %and3A_180 = vector.broadcast %and3A_179 : i32 to vector<16xi32>
    %and3A_181 = arith.andi %get3A_178, %and3A_180 : vector<16xi32>
    %swap3A_182 = arith.constant 64 : index
    %swap3A_183 = tpu.vector_load %arg11[%swap3A_182] {strides = array<i32>} : memref<80xi32, #tpu.memory_space<vmem>>, vector<16xi32>,
    %swap3A_184 = vector.shape_cast %swap3A_183 : vector<16xi32> to vector<16xi32>
    %swap3A_185 = vector.shape_cast %and3A_181 : vector<16xi32> to vector<16xi32>
    tpu.vector_store %arg11[%swap3A_182], %swap3A_185 {strides = array<i32>} : memref<80xi32, #tpu.memory_space<vmem>>, vector<16xi32>,
    %shift_right_logical3A_186 = arith.constant 16 : i32
    %shift_right_logical3A_187 = vector.broadcast %shift_right_logical3A_186 : i32 to vector<16xi32>
    %shift_right_logical3A_188 = arith.shrui %get3A_178, %shift_right_logical3A_187 : vector<16xi32>
    %swap3A_189 = arith.constant 64 : index
    %swap3A_190 = tpu.vector_load %arg13[%swap3A_189] {strides = array<i32>} : memref<80xi32, #tpu.memory_space<vmem>>, vector<16xi32>,
    %swap3A_191 = vector.shape_cast %swap3A_190 : vector<16xi32> to vector<16xi32>
    %swap3A_192 = vector.shape_cast %shift_right_logical3A_188 : vector<16xi32> to vector<16xi32>
    tpu.vector_store %arg13[%swap3A_189], %swap3A_192 {strides = array<i32>} : memref<80xi32, #tpu.memory_space<vmem>>, vector<16xi32>,
    %dma_start3A_193 = arith.constant 0 : i32
    %dma_start3A_194 = arith.constant 0 : i32
    %dma_start3A_195 = tpu.memref_slice %arg2[%dma_start3A_193, %dma_start3A_194] : memref<10000x128xf32, #tpu.memory_space<hbm>> -> memref<10000x128xf32, #tpu.memory_space<hbm>>
    tpu.enqueue_indirect_dma source(%dma_start3A_195 : memref<10000x128xf32, #tpu.memory_space<hbm>>) target(%arg8 : memref<80x128xf32, #tpu.memory_space<vmem>>) offsets(%arg10 : memref<80xi32, #tpu.memory_space<vmem>>) semaphore(%arg14 : memref<!tpu.dma_semaphore, #tpu.memory_space<semaphore_mem>>)
    %dma_wait3A = arith.constant 0 : i32
    %dma_wait3A_196 = tpu.memref_slice %arg6[%multiple_of3A, %dma_wait3A] : memref<10000x128xf32, #tpu.memory_space<vmem_shared>> -> memref<640x128xf32, #tpu.memory_space<vmem_shared>>
    %dma_wait3A_197 = arith.constant 0 : i32
    %dma_wait3A_198 = tpu.memref_slice %arg4[%multiple_of3A, %dma_wait3A_197] : memref<10000x128xf32, #tpu.memory_space<hbm>> -> memref<640x128xf32, #tpu.memory_space<hbm>>
    tpu.wait_dma2 semaphore(%arg16 : memref<!tpu.dma_semaphore, #tpu.memory_space<semaphore_mem>>) src(%dma_wait3A_198 : memref<640x128xf32, #tpu.memory_space<hbm>>) dst(%dma_wait3A_196 : memref<640x128xf32, #tpu.memory_space<vmem_shared>>)
    %barrier3A = arith.constant 0 : index
    tpu.barrier barrier_id(%barrier3A)
    %scan3A = arith.constant 0 : i32
    %scan3A_199 = arith.constant 62 : i32
    %scan3A_200 = arith.addi %scan3A, %scan3A_199 : i32
    %scan3A_201 = arith.constant 1 : i32
    scf.for %scan3A_207 = %scan3A to %scan3A_200 step %scan3A_201  : i32 {
      %mul3A_208 = arith.constant 2 : i32
      %mul3A_209 = arith.muli %scan3A_207, %mul3A_208 : i32
      %add3A_210 = arith.constant 0 : i32
      %add3A_211 = arith.addi %add3A_210, %mul3A_209 : i32
      %dma_wait3A_212 = arith.constant 0 : i32
      %dma_wait3A_213 = arith.constant 0 : i32
      %dma_wait3A_214 = tpu.memref_slice %arg2[%dma_wait3A_212, %dma_wait3A_213] : memref<10000x128xf32, #tpu.memory_space<hbm>> -> memref<10000x128xf32, #tpu.memory_space<hbm>>
      tpu.wait_indirect_dma semaphore(%arg14 : memref<!tpu.dma_semaphore, #tpu.memory_space<semaphore_mem>>) src(%dma_wait3A_214 : memref<10000x128xf32, #tpu.memory_space<hbm>>) dst(%arg8 : memref<80x128xf32, #tpu.memory_space<vmem>>)
      %dma_start3A_215 = arith.constant 0 : i32
      %dma_start3A_216 = arith.constant 0 : i32
      %dma_start3A_217 = tpu.memref_slice %arg2[%dma_start3A_215, %dma_start3A_216] : memref<10000x128xf32, #tpu.memory_space<hbm>> -> memref<10000x128xf32, #tpu.memory_space<hbm>>
      tpu.enqueue_indirect_dma source(%dma_start3A_217 : memref<10000x128xf32, #tpu.memory_space<hbm>>) target(%arg9 : memref<80x128xf32, #tpu.memory_space<vmem>>) offsets(%arg11 : memref<80xi32, #tpu.memory_space<vmem>>) semaphore(%arg15 : memref<!tpu.dma_semaphore, #tpu.memory_space<semaphore_mem>>)
      "tpu.region"() ({
        %run_scoped3A = tpu.sem_alloc : memref<!tpu.dma_semaphore, #tpu.memory_space<semaphore_mem>>
        %dma_start3A_408 = arith.constant 0 : i32
        %dma_start3A_409 = arith.constant 0 : i32
        %dma_start3A_410 = tpu.memref_slice %arg6[%dma_start3A_408, %dma_start3A_409] : memref<10000x128xf32, #tpu.memory_space<vmem_shared>> -> memref<10000x128xf32, #tpu.memory_space<vmem_shared>>
        tpu.enqueue_indirect_dma source(%arg8 : memref<80x128xf32, #tpu.memory_space<vmem>>) target(%dma_start3A_410 : memref<10000x128xf32, #tpu.memory_space<vmem_shared>>) offsets(%arg12 : memref<80xi32, #tpu.memory_space<vmem>>) semaphore(%run_scoped3A : memref<!tpu.dma_semaphore, #tpu.memory_space<semaphore_mem>>) {add = true}
        %dma_wait3A_411 = arith.constant 0 : i32
        %dma_wait3A_412 = arith.constant 0 : i32
        %dma_wait3A_413 = tpu.memref_slice %arg6[%dma_wait3A_411, %dma_wait3A_412] : memref<10000x128xf32, #tpu.memory_space<vmem_shared>> -> memref<10000x128xf32, #tpu.memory_space<vmem_shared>>
        tpu.wait_indirect_dma semaphore(%run_scoped3A : memref<!tpu.dma_semaphore, #tpu.memory_space<semaphore_mem>>) src(%arg8 : memref<80x128xf32, #tpu.memory_space<vmem>>) dst(%dma_wait3A_413 : memref<10000x128xf32, #tpu.memory_space<vmem_shared>>)
        tpu.yield
      }) : () -> ()
      %add3A_218 = arith.constant 2 : i32
      %add3A_219 = arith.addi %add3A_211, %add3A_218 : i32
      %get3A_220 = arith.index_cast %add3A_219 : i32 to index
      %get3A_221 = arith.constant 0 : index
      %get3A_222 = tpu.vector_load %arg7[%get3A_220, %get3A_221] {strides = array<i32>} : memref<128x80xi32, #tpu.memory_space<vmem>>, vector<1x16xi32>,
      %get3A_223 = vector.shape_cast %get3A_222 : vector<1x16xi32> to vector<16xi32>
      %and3A_224 = arith.constant 65535 : i32
      %and3A_225 = vector.broadcast %and3A_224 : i32 to vector<16xi32>
      %and3A_226 = arith.andi %get3A_223, %and3A_225 : vector<16xi32>
      %swap3A_227 = arith.constant 0 : index
      %swap3A_228 = tpu.vector_load %arg10[%swap3A_227] {strides = array<i32>} : memref<80xi32, #tpu.memory_space<vmem>>, vector<16xi32>,
      %swap3A_229 = vector.shape_cast %swap3A_228 : vector<16xi32> to vector<16xi32>
      %swap3A_230 = vector.shape_cast %and3A_226 : vector<16xi32> to vector<16xi32>
      tpu.vector_store %arg10[%swap3A_227], %swap3A_230 {strides = array<i32>} : memref<80xi32, #tpu.memory_space<vmem>>, vector<16xi32>,
      %shift_right_logical3A_231 = arith.constant 16 : i32
      %shift_right_logical3A_232 = vector.broadcast %shift_right_logical3A_231 : i32 to vector<16xi32>
      %shift_right_logical3A_233 = arith.shrui %get3A_223, %shift_right_logical3A_232 : vector<16xi32>
      %swap3A_234 = arith.constant 0 : index
      %swap3A_235 = tpu.vector_load %arg12[%swap3A_234] {strides = array<i32>} : memref<80xi32, #tpu.memory_space<vmem>>, vector<16xi32>,
      %swap3A_236 = vector.shape_cast %swap3A_235 : vector<16xi32> to vector<16xi32>
      %swap3A_237 = vector.shape_cast %shift_right_logical3A_233 : vector<16xi32> to vector<16xi32>
      tpu.vector_store %arg12[%swap3A_234], %swap3A_237 {strides = array<i32>} : memref<80xi32, #tpu.memory_space<vmem>>, vector<16xi32>,
      %get3A_238 = arith.index_cast %add3A_219 : i32 to index
      %get3A_239 = arith.constant 16 : index
      %get3A_240 = tpu.vector_load %arg7[%get3A_238, %get3A_239] {strides = array<i32>} : memref<128x80xi32, #tpu.memory_space<vmem>>, vector<1x16xi32>,
      %get3A_241 = vector.shape_cast %get3A_240 : vector<1x16xi32> to vector<16xi32>
      %and3A_242 = arith.constant 65535 : i32
      %and3A_243 = vector.broadcast %and3A_242 : i32 to vector<16xi32>
      %and3A_244 = arith.andi %get3A_241, %and3A_243 : vector<16xi32>
      %swap3A_245 = arith.constant 16 : index
      %swap3A_246 = tpu.vector_load %arg10[%swap3A_245] {strides = array<i32>} : memref<80xi32, #tpu.memory_space<vmem>>, vector<16xi32>,
      %swap3A_247 = vector.shape_cast %swap3A_246 : vector<16xi32> to vector<16xi32>
      %swap3A_248 = vector.shape_cast %and3A_244 : vector<16xi32> to vector<16xi32>
      tpu.vector_store %arg10[%swap3A_245], %swap3A_248 {strides = array<i32>} : memref<80xi32, #tpu.memory_space<vmem>>, vector<16xi32>,
      %shift_right_logical3A_249 = arith.constant 16 : i32
      %shift_right_logical3A_250 = vector.broadcast %shift_right_logical3A_249 : i32 to vector<16xi32>
      %shift_right_logical3A_251 = arith.shrui %get3A_241, %shift_right_logical3A_250 : vector<16xi32>
      %swap3A_252 = arith.constant 16 : index
      %swap3A_253 = tpu.vector_load %arg12[%swap3A_252] {strides = array<i32>} : memref<80xi32, #tpu.memory_space<vmem>>, vector<16xi32>,
      %swap3A_254 = vector.shape_cast %swap3A_253 : vector<16xi32> to vector<16xi32>
      %swap3A_255 = vector.shape_cast %shift_right_logical3A_251 : vector<16xi32> to vector<16xi32>
      tpu.vector_store %arg12[%swap3A_252], %swap3A_255 {strides = array<i32>} : memref<80xi32, #tpu.memory_space<vmem>>, vector<16xi32>,
      %get3A_256 = arith.index_cast %add3A_219 : i32 to index
      %get3A_257 = arith.constant 32 : index
      %get3A_258 = tpu.vector_load %arg7[%get3A_256, %get3A_257] {strides = array<i32>} : memref<128x80xi32, #tpu.memory_space<vmem>>, vector<1x16xi32>,
      %get3A_259 = vector.shape_cast %get3A_258 : vector<1x16xi32> to vector<16xi32>
      %and3A_260 = arith.constant 65535 : i32
      %and3A_261 = vector.broadcast %and3A_260 : i32 to vector<16xi32>
      %and3A_262 = arith.andi %get3A_259, %and3A_261 : vector<16xi32>
      %swap3A_263 = arith.constant 32 : index
      %swap3A_264 = tpu.vector_load %arg10[%swap3A_263] {strides = array<i32>} : memref<80xi32, #tpu.memory_space<vmem>>, vector<16xi32>,
      %swap3A_265 = vector.shape_cast %swap3A_264 : vector<16xi32> to vector<16xi32>
      %swap3A_266 = vector.shape_cast %and3A_262 : vector<16xi32> to vector<16xi32>
      tpu.vector_store %arg10[%swap3A_263], %swap3A_266 {strides = array<i32>} : memref<80xi32, #tpu.memory_space<vmem>>, vector<16xi32>,
      %shift_right_logical3A_267 = arith.constant 16 : i32
      %shift_right_logical3A_268 = vector.broadcast %shift_right_logical3A_267 : i32 to vector<16xi32>
      %shift_right_logical3A_269 = arith.shrui %get3A_259, %shift_right_logical3A_268 : vector<16xi32>
      %swap3A_270 = arith.constant 32 : index
      %swap3A_271 = tpu.vector_load %arg12[%swap3A_270] {strides = array<i32>} : memref<80xi32, #tpu.memory_space<vmem>>, vector<16xi32>,
      %swap3A_272 = vector.shape_cast %swap3A_271 : vector<16xi32> to vector<16xi32>
      %swap3A_273 = vector.shape_cast %shift_right_logical3A_269 : vector<16xi32> to vector<16xi32>
      tpu.vector_store %arg12[%swap3A_270], %swap3A_273 {strides = array<i32>} : memref<80xi32, #tpu.memory_space<vmem>>, vector<16xi32>,
      %get3A_274 = arith.index_cast %add3A_219 : i32 to index
      %get3A_275 = arith.constant 48 : index
      %get3A_276 = tpu.vector_load %arg7[%get3A_274, %get3A_275] {strides = array<i32>} : memref<128x80xi32, #tpu.memory_space<vmem>>, vector<1x16xi32>,
      %get3A_277 = vector.shape_cast %get3A_276 : vector<1x16xi32> to vector<16xi32>
      %and3A_278 = arith.constant 65535 : i32
      %and3A_279 = vector.broadcast %and3A_278 : i32 to vector<16xi32>
      %and3A_280 = arith.andi %get3A_277, %and3A_279 : vector<16xi32>
      %swap3A_281 = arith.constant 48 : index
      %swap3A_282 = tpu.vector_load %arg10[%swap3A_281] {strides = array<i32>} : memref<80xi32, #tpu.memory_space<vmem>>, vector<16xi32>,
      %swap3A_283 = vector.shape_cast %swap3A_282 : vector<16xi32> to vector<16xi32>
      %swap3A_284 = vector.shape_cast %and3A_280 : vector<16xi32> to vector<16xi32>
      tpu.vector_store %arg10[%swap3A_281], %swap3A_284 {strides = array<i32>} : memref<80xi32, #tpu.memory_space<vmem>>, vector<16xi32>,
      %shift_right_logical3A_285 = arith.constant 16 : i32
      %shift_right_logical3A_286 = vector.broadcast %shift_right_logical3A_285 : i32 to vector<16xi32>
      %shift_right_logical3A_287 = arith.shrui %get3A_277, %shift_right_logical3A_286 : vector<16xi32>
      %swap3A_288 = arith.constant 48 : index
      %swap3A_289 = tpu.vector_load %arg12[%swap3A_288] {strides = array<i32>} : memref<80xi32, #tpu.memory_space<vmem>>, vector<16xi32>,
      %swap3A_290 = vector.shape_cast %swap3A_289 : vector<16xi32> to vector<16xi32>
      %swap3A_291 = vector.shape_cast %shift_right_logical3A_287 : vector<16xi32> to vector<16xi32>
      tpu.vector_store %arg12[%swap3A_288], %swap3A_291 {strides = array<i32>} : memref<80xi32, #tpu.memory_space<vmem>>, vector<16xi32>,
      %get3A_292 = arith.index_cast %add3A_219 : i32 to index
      %get3A_293 = arith.constant 64 : index
      %get3A_294 = tpu.vector_load %arg7[%get3A_292, %get3A_293] {strides = array<i32>} : memref<128x80xi32, #tpu.memory_space<vmem>>, vector<1x16xi32>,
      %get3A_295 = vector.shape_cast %get3A_294 : vector<1x16xi32> to vector<16xi32>
      %and3A_296 = arith.constant 65535 : i32
      %and3A_297 = vector.broadcast %and3A_296 : i32 to vector<16xi32>
      %and3A_298 = arith.andi %get3A_295, %and3A_297 : vector<16xi32>
      %swap3A_299 = arith.constant 64 : index
      %swap3A_300 = tpu.vector_load %arg10[%swap3A_299] {strides = array<i32>} : memref<80xi32, #tpu.memory_space<vmem>>, vector<16xi32>,
      %swap3A_301 = vector.shape_cast %swap3A_300 : vector<16xi32> to vector<16xi32>
      %swap3A_302 = vector.shape_cast %and3A_298 : vector<16xi32> to vector<16xi32>
      tpu.vector_store %arg10[%swap3A_299], %swap3A_302 {strides = array<i32>} : memref<80xi32, #tpu.memory_space<vmem>>, vector<16xi32>,
      %shift_right_logical3A_303 = arith.constant 16 : i32
      %shift_right_logical3A_304 = vector.broadcast %shift_right_logical3A_303 : i32 to vector<16xi32>
      %shift_right_logical3A_305 = arith.shrui %get3A_295, %shift_right_logical3A_304 : vector<16xi32>
      %swap3A_306 = arith.constant 64 : index
      %swap3A_307 = tpu.vector_load %arg12[%swap3A_306] {strides = array<i32>} : memref<80xi32, #tpu.memory_space<vmem>>, vector<16xi32>,
      %swap3A_308 = vector.shape_cast %swap3A_307 : vector<16xi32> to vector<16xi32>
      %swap3A_309 = vector.shape_cast %shift_right_logical3A_305 : vector<16xi32> to vector<16xi32>
      tpu.vector_store %arg12[%swap3A_306], %swap3A_309 {strides = array<i32>} : memref<80xi32, #tpu.memory_space<vmem>>, vector<16xi32>,
      %dma_start3A_310 = arith.constant 0 : i32
      %dma_start3A_311 = arith.constant 0 : i32
      %dma_start3A_312 = tpu.memref_slice %arg2[%dma_start3A_310, %dma_start3A_311] : memref<10000x128xf32, #tpu.memory_space<hbm>> -> memref<10000x128xf32, #tpu.memory_space<hbm>>
      tpu.enqueue_indirect_dma source(%dma_start3A_312 : memref<10000x128xf32, #tpu.memory_space<hbm>>) target(%arg8 : memref<80x128xf32, #tpu.memory_space<vmem>>) offsets(%arg10 : memref<80xi32, #tpu.memory_space<vmem>>) semaphore(%arg14 : memref<!tpu.dma_semaphore, #tpu.memory_space<semaphore_mem>>)
      %dma_wait3A_313 = arith.constant 0 : i32
      %dma_wait3A_314 = arith.constant 0 : i32
      %dma_wait3A_315 = tpu.memref_slice %arg2[%dma_wait3A_313, %dma_wait3A_314] : memref<10000x128xf32, #tpu.memory_space<hbm>> -> memref<10000x128xf32, #tpu.memory_space<hbm>>
      tpu.wait_indirect_dma semaphore(%arg15 : memref<!tpu.dma_semaphore, #tpu.memory_space<semaphore_mem>>) src(%dma_wait3A_315 : memref<10000x128xf32, #tpu.memory_space<hbm>>) dst(%arg9 : memref<80x128xf32, #tpu.memory_space<vmem>>)
      "tpu.region"() ({
        %run_scoped3A = tpu.sem_alloc : memref<!tpu.dma_semaphore, #tpu.memory_space<semaphore_mem>>
        %dma_start3A_408 = arith.constant 0 : i32
        %dma_start3A_409 = arith.constant 0 : i32
        %dma_start3A_410 = tpu.memref_slice %arg6[%dma_start3A_408, %dma_start3A_409] : memref<10000x128xf32, #tpu.memory_space<vmem_shared>> -> memref<10000x128xf32, #tpu.memory_space<vmem_shared>>
        tpu.enqueue_indirect_dma source(%arg9 : memref<80x128xf32, #tpu.memory_space<vmem>>) target(%dma_start3A_410 : memref<10000x128xf32, #tpu.memory_space<vmem_shared>>) offsets(%arg13 : memref<80xi32, #tpu.memory_space<vmem>>) semaphore(%run_scoped3A : memref<!tpu.dma_semaphore, #tpu.memory_space<semaphore_mem>>) {add = true}
        %dma_wait3A_411 = arith.constant 0 : i32
        %dma_wait3A_412 = arith.constant 0 : i32
        %dma_wait3A_413 = tpu.memref_slice %arg6[%dma_wait3A_411, %dma_wait3A_412] : memref<10000x128xf32, #tpu.memory_space<vmem_shared>> -> memref<10000x128xf32, #tpu.memory_space<vmem_shared>>
        tpu.wait_indirect_dma semaphore(%run_scoped3A : memref<!tpu.dma_semaphore, #tpu.memory_space<semaphore_mem>>) src(%arg9 : memref<80x128xf32, #tpu.memory_space<vmem>>) dst(%dma_wait3A_413 : memref<10000x128xf32, #tpu.memory_space<vmem_shared>>)
        tpu.yield
      }) : () -> ()
      %add3A_316 = arith.constant 3 : i32
      %add3A_317 = arith.addi %add3A_211, %add3A_316 : i32
      %get3A_318 = arith.index_cast %add3A_317 : i32 to index
      %get3A_319 = arith.constant 0 : index
      %get3A_320 = tpu.vector_load %arg7[%get3A_318, %get3A_319] {strides = array<i32>} : memref<128x80xi32, #tpu.memory_space<vmem>>, vector<1x16xi32>,
      %get3A_321 = vector.shape_cast %get3A_320 : vector<1x16xi32> to vector<16xi32>
      %and3A_322 = arith.constant 65535 : i32
      %and3A_323 = vector.broadcast %and3A_322 : i32 to vector<16xi32>
      %and3A_324 = arith.andi %get3A_321, %and3A_323 : vector<16xi32>
      %swap3A_325 = arith.constant 0 : index
      %swap3A_326 = tpu.vector_load %arg11[%swap3A_325] {strides = array<i32>} : memref<80xi32, #tpu.memory_space<vmem>>, vector<16xi32>,
      %swap3A_327 = vector.shape_cast %swap3A_326 : vector<16xi32> to vector<16xi32>
      %swap3A_328 = vector.shape_cast %and3A_324 : vector<16xi32> to vector<16xi32>
      tpu.vector_store %arg11[%swap3A_325], %swap3A_328 {strides = array<i32>} : memref<80xi32, #tpu.memory_space<vmem>>, vector<16xi32>,
      %shift_right_logical3A_329 = arith.constant 16 : i32
      %shift_right_logical3A_330 = vector.broadcast %shift_right_logical3A_329 : i32 to vector<16xi32>
      %shift_right_logical3A_331 = arith.shrui %get3A_321, %shift_right_logical3A_330 : vector<16xi32>
      %swap3A_332 = arith.constant 0 : index
      %swap3A_333 = tpu.vector_load %arg13[%swap3A_332] {strides = array<i32>} : memref<80xi32, #tpu.memory_space<vmem>>, vector<16xi32>,
      %swap3A_334 = vector.shape_cast %swap3A_333 : vector<16xi32> to vector<16xi32>
      %swap3A_335 = vector.shape_cast %shift_right_logical3A_331 : vector<16xi32> to vector<16xi32>
      tpu.vector_store %arg13[%swap3A_332], %swap3A_335 {strides = array<i32>} : memref<80xi32, #tpu.memory_space<vmem>>, vector<16xi32>,
      %get3A_336 = arith.index_cast %add3A_317 : i32 to index
      %get3A_337 = arith.constant 16 : index
      %get3A_338 = tpu.vector_load %arg7[%get3A_336, %get3A_337] {strides = array<i32>} : memref<128x80xi32, #tpu.memory_space<vmem>>, vector<1x16xi32>,
      %get3A_339 = vector.shape_cast %get3A_338 : vector<1x16xi32> to vector<16xi32>
      %and3A_340 = arith.constant 65535 : i32
      %and3A_341 = vector.broadcast %and3A_340 : i32 to vector<16xi32>
      %and3A_342 = arith.andi %get3A_339, %and3A_341 : vector<16xi32>
      %swap3A_343 = arith.constant 16 : index
      %swap3A_344 = tpu.vector_load %arg11[%swap3A_343] {strides = array<i32>} : memref<80xi32, #tpu.memory_space<vmem>>, vector<16xi32>,
      %swap3A_345 = vector.shape_cast %swap3A_344 : vector<16xi32> to vector<16xi32>
      %swap3A_346 = vector.shape_cast %and3A_342 : vector<16xi32> to vector<16xi32>
      tpu.vector_store %arg11[%swap3A_343], %swap3A_346 {strides = array<i32>} : memref<80xi32, #tpu.memory_space<vmem>>, vector<16xi32>,
      %shift_right_logical3A_347 = arith.constant 16 : i32
      %shift_right_logical3A_348 = vector.broadcast %shift_right_logical3A_347 : i32 to vector<16xi32>
      %shift_right_logical3A_349 = arith.shrui %get3A_339, %shift_right_logical3A_348 : vector<16xi32>
      %swap3A_350 = arith.constant 16 : index
      %swap3A_351 = tpu.vector_load %arg13[%swap3A_350] {strides = array<i32>} : memref<80xi32, #tpu.memory_space<vmem>>, vector<16xi32>,
      %swap3A_352 = vector.shape_cast %swap3A_351 : vector<16xi32> to vector<16xi32>
      %swap3A_353 = vector.shape_cast %shift_right_logical3A_349 : vector<16xi32> to vector<16xi32>
      tpu.vector_store %arg13[%swap3A_350], %swap3A_353 {strides = array<i32>} : memref<80xi32, #tpu.memory_space<vmem>>, vector<16xi32>,
      %get3A_354 = arith.index_cast %add3A_317 : i32 to index
      %get3A_355 = arith.constant 32 : index
      %get3A_356 = tpu.vector_load %arg7[%get3A_354, %get3A_355] {strides = array<i32>} : memref<128x80xi32, #tpu.memory_space<vmem>>, vector<1x16xi32>,
      %get3A_357 = vector.shape_cast %get3A_356 : vector<1x16xi32> to vector<16xi32>
      %and3A_358 = arith.constant 65535 : i32
      %and3A_359 = vector.broadcast %and3A_358 : i32 to vector<16xi32>
      %and3A_360 = arith.andi %get3A_357, %and3A_359 : vector<16xi32>
      %swap3A_361 = arith.constant 32 : index
      %swap3A_362 = tpu.vector_load %arg11[%swap3A_361] {strides = array<i32>} : memref<80xi32, #tpu.memory_space<vmem>>, vector<16xi32>,
      %swap3A_363 = vector.shape_cast %swap3A_362 : vector<16xi32> to vector<16xi32>
      %swap3A_364 = vector.shape_cast %and3A_360 : vector<16xi32> to vector<16xi32>
      tpu.vector_store %arg11[%swap3A_361], %swap3A_364 {strides = array<i32>} : memref<80xi32, #tpu.memory_space<vmem>>, vector<16xi32>,
      %shift_right_logical3A_365 = arith.constant 16 : i32
      %shift_right_logical3A_366 = vector.broadcast %shift_right_logical3A_365 : i32 to vector<16xi32>
      %shift_right_logical3A_367 = arith.shrui %get3A_357, %shift_right_logical3A_366 : vector<16xi32>
      %swap3A_368 = arith.constant 32 : index
      %swap3A_369 = tpu.vector_load %arg13[%swap3A_368] {strides = array<i32>} : memref<80xi32, #tpu.memory_space<vmem>>, vector<16xi32>,
      %swap3A_370 = vector.shape_cast %swap3A_369 : vector<16xi32> to vector<16xi32>
      %swap3A_371 = vector.shape_cast %shift_right_logical3A_367 : vector<16xi32> to vector<16xi32>
      tpu.vector_store %arg13[%swap3A_368], %swap3A_371 {strides = array<i32>} : memref<80xi32, #tpu.memory_space<vmem>>, vector<16xi32>,
      %get3A_372 = arith.index_cast %add3A_317 : i32 to index
      %get3A_373 = arith.constant 48 : index
      %get3A_374 = tpu.vector_load %arg7[%get3A_372, %get3A_373] {strides = array<i32>} : memref<128x80xi32, #tpu.memory_space<vmem>>, vector<1x16xi32>,
      %get3A_375 = vector.shape_cast %get3A_374 : vector<1x16xi32> to vector<16xi32>
      %and3A_376 = arith.constant 65535 : i32
      %and3A_377 = vector.broadcast %and3A_376 : i32 to vector<16xi32>
      %and3A_378 = arith.andi %get3A_375, %and3A_377 : vector<16xi32>
      %swap3A_379 = arith.constant 48 : index
      %swap3A_380 = tpu.vector_load %arg11[%swap3A_379] {strides = array<i32>} : memref<80xi32, #tpu.memory_space<vmem>>, vector<16xi32>,
      %swap3A_381 = vector.shape_cast %swap3A_380 : vector<16xi32> to vector<16xi32>
      %swap3A_382 = vector.shape_cast %and3A_378 : vector<16xi32> to vector<16xi32>
      tpu.vector_store %arg11[%swap3A_379], %swap3A_382 {strides = array<i32>} : memref<80xi32, #tpu.memory_space<vmem>>, vector<16xi32>,
      %shift_right_logical3A_383 = arith.constant 16 : i32
      %shift_right_logical3A_384 = vector.broadcast %shift_right_logical3A_383 : i32 to vector<16xi32>
      %shift_right_logical3A_385 = arith.shrui %get3A_375, %shift_right_logical3A_384 : vector<16xi32>
      %swap3A_386 = arith.constant 48 : index
      %swap3A_387 = tpu.vector_load %arg13[%swap3A_386] {strides = array<i32>} : memref<80xi32, #tpu.memory_space<vmem>>, vector<16xi32>,
      %swap3A_388 = vector.shape_cast %swap3A_387 : vector<16xi32> to vector<16xi32>
      %swap3A_389 = vector.shape_cast %shift_right_logical3A_385 : vector<16xi32> to vector<16xi32>
      tpu.vector_store %arg13[%swap3A_386], %swap3A_389 {strides = array<i32>} : memref<80xi32, #tpu.memory_space<vmem>>, vector<16xi32>,
      %get3A_390 = arith.index_cast %add3A_317 : i32 to index
      %get3A_391 = arith.constant 64 : index
      %get3A_392 = tpu.vector_load %arg7[%get3A_390, %get3A_391] {strides = array<i32>} : memref<128x80xi32, #tpu.memory_space<vmem>>, vector<1x16xi32>,
      %get3A_393 = vector.shape_cast %get3A_392 : vector<1x16xi32> to vector<16xi32>
      %and3A_394 = arith.constant 65535 : i32
      %and3A_395 = vector.broadcast %and3A_394 : i32 to vector<16xi32>
      %and3A_396 = arith.andi %get3A_393, %and3A_395 : vector<16xi32>
      %swap3A_397 = arith.constant 64 : index
      %swap3A_398 = tpu.vector_load %arg11[%swap3A_397] {strides = array<i32>} : memref<80xi32, #tpu.memory_space<vmem>>, vector<16xi32>,
      %swap3A_399 = vector.shape_cast %swap3A_398 : vector<16xi32> to vector<16xi32>
      %swap3A_400 = vector.shape_cast %and3A_396 : vector<16xi32> to vector<16xi32>
      tpu.vector_store %arg11[%swap3A_397], %swap3A_400 {strides = array<i32>} : memref<80xi32, #tpu.memory_space<vmem>>, vector<16xi32>,
      %shift_right_logical3A_401 = arith.constant 16 : i32
      %shift_right_logical3A_402 = vector.broadcast %shift_right_logical3A_401 : i32 to vector<16xi32>
      %shift_right_logical3A_403 = arith.shrui %get3A_393, %shift_right_logical3A_402 : vector<16xi32>
      %swap3A_404 = arith.constant 64 : index
      %swap3A_405 = tpu.vector_load %arg13[%swap3A_404] {strides = array<i32>} : memref<80xi32, #tpu.memory_space<vmem>>, vector<16xi32>,
      %swap3A_406 = vector.shape_cast %swap3A_405 : vector<16xi32> to vector<16xi32>
      %swap3A_407 = vector.shape_cast %shift_right_logical3A_403 : vector<16xi32> to vector<16xi32>
      tpu.vector_store %arg13[%swap3A_404], %swap3A_407 {strides = array<i32>} : memref<80xi32, #tpu.memory_space<vmem>>, vector<16xi32>,
    }
    %scan3A_202 = arith.constant 62 : i32
    %dma_wait3A_203 = arith.constant 0 : i32
    %dma_wait3A_204 = arith.constant 0 : i32
    %dma_wait3A_205 = tpu.memref_slice %arg2[%dma_wait3A_203, %dma_wait3A_204] : memref<10000x128xf32, #tpu.memory_space<hbm>> -> memref<10000x128xf32, #tpu.memory_space<hbm>>
    tpu.wait_indirect_dma semaphore(%arg14 : memref<!tpu.dma_semaphore, #tpu.memory_space<semaphore_mem>>) src(%dma_wait3A_205 : memref<10000x128xf32, #tpu.memory_space<hbm>>) dst(%arg8 : memref<80x128xf32, #tpu.memory_space<vmem>>)
    "tpu.region"() ({
      %run_scoped3A = tpu.sem_alloc : memref<!tpu.dma_semaphore, #tpu.memory_space<semaphore_mem>>
      %dma_start3A_207 = arith.constant 0 : i32
      %dma_start3A_208 = arith.constant 0 : i32
      %dma_start3A_209 = tpu.memref_slice %arg6[%dma_start3A_207, %dma_start3A_208] : memref<10000x128xf32, #tpu.memory_space<vmem_shared>> -> memref<10000x128xf32, #tpu.memory_space<vmem_shared>>
      tpu.enqueue_indirect_dma source(%arg8 : memref<80x128xf32, #tpu.memory_space<vmem>>) target(%dma_start3A_209 : memref<10000x128xf32, #tpu.memory_space<vmem_shared>>) offsets(%arg12 : memref<80xi32, #tpu.memory_space<vmem>>) semaphore(%run_scoped3A : memref<!tpu.dma_semaphore, #tpu.memory_space<semaphore_mem>>) {add = true}
      %dma_wait3A_210 = arith.constant 0 : i32
      %dma_wait3A_211 = arith.constant 0 : i32
      %dma_wait3A_212 = tpu.memref_slice %arg6[%dma_wait3A_210, %dma_wait3A_211] : memref<10000x128xf32, #tpu.memory_space<vmem_shared>> -> memref<10000x128xf32, #tpu.memory_space<vmem_shared>>
      tpu.wait_indirect_dma semaphore(%run_scoped3A : memref<!tpu.dma_semaphore, #tpu.memory_space<semaphore_mem>>) src(%arg8 : memref<80x128xf32, #tpu.memory_space<vmem>>) dst(%dma_wait3A_212 : memref<10000x128xf32, #tpu.memory_space<vmem_shared>>)
      tpu.yield
    }) : () -> ()
    %barrier3A_206 = arith.constant 0 : index
    tpu.barrier barrier_id(%barrier3A_206)
    "tpu.region"() ({
      %run_scoped3A = tpu.sem_alloc : memref<!tpu.dma_semaphore, #tpu.memory_space<semaphore_mem>>
      %dma_start3A_207 = arith.constant 0 : i32
      %dma_start3A_208 = arith.constant 0 : i32
      %dma_start3A_209 = tpu.memref_slice %arg5[%arg0, %dma_start3A_207, %dma_start3A_208] : memref<2x10000x128xf32, #tpu.memory_space<hbm>> -> memref<1x10000x128xf32, #tpu.memory_space<hbm>>
      %dma_start3A_210 = tpu.memref_squeeze %dma_start3A_209 : memref<1x10000x128xf32, #tpu.memory_space<hbm>> -> memref<10000x128xf32, #tpu.memory_space<hbm>>
      %dma_start3A_211 = arith.constant 0 : i32
      %dma_start3A_212 = tpu.memref_slice %dma_start3A_210[%multiple_of3A, %dma_start3A_211] : memref<10000x128xf32, #tpu.memory_space<hbm>> -> memref<640x128xf32, #tpu.memory_space<hbm>>
      %dma_start3A_213 = arith.constant 0 : i32
      %dma_start3A_214 = tpu.memref_slice %arg6[%multiple_of3A, %dma_start3A_213] : memref<10000x128xf32, #tpu.memory_space<vmem_shared>> -> memref<640x128xf32, #tpu.memory_space<vmem_shared>>
      tpu.enqueue_dma source(%dma_start3A_214 : memref<640x128xf32, #tpu.memory_space<vmem_shared>>) target(%dma_start3A_212 : memref<640x128xf32, #tpu.memory_space<hbm>>) target_semaphore(%run_scoped3A : memref<!tpu.dma_semaphore, #tpu.memory_space<semaphore_mem>>)
      %dma_wait3A_215 = arith.constant 0 : i32
      %dma_wait3A_216 = arith.constant 0 : i32
      %dma_wait3A_217 = tpu.memref_slice %arg5[%arg0, %dma_wait3A_215, %dma_wait3A_216] : memref<2x10000x128xf32, #tpu.memory_space<hbm>> -> memref<1x10000x128xf32, #tpu.memory_space<hbm>>
      %dma_wait3A_218 = tpu.memref_squeeze %dma_wait3A_217 : memref<1x10000x128xf32, #tpu.memory_space<hbm>> -> memref<10000x128xf32, #tpu.memory_space<hbm>>
      %dma_wait3A_219 = arith.constant 0 : i32
      %dma_wait3A_220 = tpu.memref_slice %dma_wait3A_218[%multiple_of3A, %dma_wait3A_219] : memref<10000x128xf32, #tpu.memory_space<hbm>> -> memref<640x128xf32, #tpu.memory_space<hbm>>
      %dma_wait3A_221 = arith.constant 0 : i32
      %dma_wait3A_222 = tpu.memref_slice %arg6[%multiple_of3A, %dma_wait3A_221] : memref<10000x128xf32, #tpu.memory_space<vmem_shared>> -> memref<640x128xf32, #tpu.memory_space<vmem_shared>>
      tpu.wait_dma2 semaphore(%run_scoped3A : memref<!tpu.dma_semaphore, #tpu.memory_space<semaphore_mem>>) src(%dma_wait3A_222 : memref<640x128xf32, #tpu.memory_space<vmem_shared>>) dst(%dma_wait3A_220 : memref<640x128xf32, #tpu.memory_space<hbm>>)
      tpu.yield
    }) : () -> ()
    return
  }
}

#map = affine_map<(d0, d1) -> (0, 0)>
#map1 = affine_map<(d0, d1) -> (0, 0, 0)>
module attributes {stable_mosaic.version = 14 : i64} {
  func.func @_seg_body(%arg0: i32, %arg1: i32, %arg2: memref<10000x128xf32, #tpu.memory_space<hbm>>, %arg3: memref<32x125x80xi32, #tpu.memory_space<hbm>>, %arg4: memref<10000x128xf32, #tpu.memory_space<hbm>>, %arg5: memref<2x10000x128xf32, #tpu.memory_space<hbm>>, %arg6: memref<10000x128xf32, #tpu.memory_space<vmem_shared>>, %arg7: memref<128x80xi32, #tpu.memory_space<vmem>>, %arg8: memref<80x128xf32, #tpu.memory_space<vmem>>, %arg9: memref<80x128xf32, #tpu.memory_space<vmem>>, %arg10: memref<80xi32, #tpu.memory_space<vmem>>, %arg11: memref<80xi32, #tpu.memory_space<vmem>>, %arg12: memref<80xi32, #tpu.memory_space<vmem>>, %arg13: memref<80xi32, #tpu.memory_space<vmem>>, %arg14: memref<!tpu.dma_semaphore, #tpu.memory_space<semaphore_mem>>, %arg15: memref<!tpu.dma_semaphore, #tpu.memory_space<semaphore_mem>>, %arg16: memref<!tpu.dma_semaphore, #tpu.memory_space<semaphore_mem>>) attributes {dimension_semantics = [#tpu.dimension_semantics<core_parallel>, #tpu.dimension_semantics<subcore_parallel>], iteration_bounds = array<i64: 2, 16>, scalar_prefetch = 0 : i64, scratch_operands = 11 : i64, tpu.core_type = #tpu.core_type<sc_vector_subcore>, window_params = [{transform_indices = #map}, {transform_indices = #map1}, {transform_indices = #map}, {transform_indices = #map1}]} {
    %mul3A = arith.constant 2 : i32
    %mul3A_0 = arith.muli %arg1, %mul3A : i32
    %add3A = arith.addi %mul3A_0, %arg0 : i32
    %eq3A = arith.constant 15 : i32
    %eq3A_1 = arith.cmpi eq, %arg1, %eq3A : i32
    %mul3A_2 = arith.constant 640 : i32
    %mul3A_3 = arith.muli %arg1, %mul3A_2 : i32
    %jit3A = arith.constant 9360 : i32
    %select_n3A = arith.select %eq3A_1, %jit3A, %mul3A_3 : i32
    %multiple_of3A = tpu.assume_multiple %select_n3A, 8 : i32
    %dma_start3A = arith.constant 0 : i32
    %dma_start3A_4 = tpu.memref_slice %arg6[%multiple_of3A, %dma_start3A] : memref<10000x128xf32, #tpu.memory_space<vmem_shared>> -> memref<640x128xf32, #tpu.memory_space<vmem_shared>>
    %dma_start3A_5 = arith.constant 0 : i32
    %dma_start3A_6 = tpu.memref_slice %arg4[%multiple_of3A, %dma_start3A_5] : memref<10000x128xf32, #tpu.memory_space<hbm>> -> memref<640x128xf32, #tpu.memory_space<hbm>>
    tpu.enqueue_dma source(%dma_start3A_6 : memref<640x128xf32, #tpu.memory_space<hbm>>) target(%dma_start3A_4 : memref<640x128xf32, #tpu.memory_space<vmem_shared>>) target_semaphore(%arg16 : memref<!tpu.dma_semaphore, #tpu.memory_space<semaphore_mem>>)
    "tpu.region"() ({
      %run_scoped3A = tpu.sem_alloc : memref<!tpu.dma_semaphore, #tpu.memory_space<semaphore_mem>>
      %dma_start3A_207 = arith.constant 0 : i32
      %dma_start3A_208 = arith.constant 0 : i32
      %dma_start3A_209 = tpu.memref_slice %arg7[%dma_start3A_207, %dma_start3A_208] : memref<128x80xi32, #tpu.memory_space<vmem>> -> memref<125x80xi32, #tpu.memory_space<vmem>>
      %dma_start3A_210 = arith.constant 0 : i32
      %dma_start3A_211 = arith.constant 0 : i32
      %dma_start3A_212 = tpu.memref_slice %arg3[%add3A, %dma_start3A_210, %dma_start3A_211] : memref<32x125x80xi32, #tpu.memory_space<hbm>> -> memref<1x125x80xi32, #tpu.memory_space<hbm>>
      %dma_start3A_213 = tpu.memref_squeeze %dma_start3A_212 : memref<1x125x80xi32, #tpu.memory_space<hbm>> -> memref<125x80xi32, #tpu.memory_space<hbm>>
      %dma_start3A_214 = arith.constant 0 : i32
      %dma_start3A_215 = arith.constant 0 : i32
      %dma_start3A_216 = tpu.memref_slice %arg7[%dma_start3A_214, %dma_start3A_215] : memref<128x80xi32, #tpu.memory_space<vmem>> -> memref<125x80xi32, #tpu.memory_space<vmem>>
      %dma_start3A_217 = arith.constant 0 : i32
      %dma_start3A_218 = arith.constant 0 : i32
      %dma_start3A_219 = tpu.memref_slice %arg3[%add3A, %dma_start3A_217, %dma_start3A_218] : memref<32x125x80xi32, #tpu.memory_space<hbm>> -> memref<1x125x80xi32, #tpu.memory_space<hbm>>
      %dma_start3A_220 = tpu.memref_squeeze %dma_start3A_219 : memref<1x125x80xi32, #tpu.memory_space<hbm>> -> memref<125x80xi32, #tpu.memory_space<hbm>>
      tpu.enqueue_dma source(%dma_start3A_220 : memref<125x80xi32, #tpu.memory_space<hbm>>) target(%dma_start3A_216 : memref<125x80xi32, #tpu.memory_space<vmem>>) target_semaphore(%run_scoped3A : memref<!tpu.dma_semaphore, #tpu.memory_space<semaphore_mem>>)
      %dma_wait3A_221 = arith.constant 0 : i32
      %dma_wait3A_222 = arith.constant 0 : i32
      %dma_wait3A_223 = tpu.memref_slice %arg7[%dma_wait3A_221, %dma_wait3A_222] : memref<128x80xi32, #tpu.memory_space<vmem>> -> memref<125x80xi32, #tpu.memory_space<vmem>>
      %dma_wait3A_224 = arith.constant 0 : i32
      %dma_wait3A_225 = arith.constant 0 : i32
      %dma_wait3A_226 = tpu.memref_slice %arg3[%add3A, %dma_wait3A_224, %dma_wait3A_225] : memref<32x125x80xi32, #tpu.memory_space<hbm>> -> memref<1x125x80xi32, #tpu.memory_space<hbm>>
      %dma_wait3A_227 = tpu.memref_squeeze %dma_wait3A_226 : memref<1x125x80xi32, #tpu.memory_space<hbm>> -> memref<125x80xi32, #tpu.memory_space<hbm>>
      %dma_wait3A_228 = arith.constant 0 : i32
      %dma_wait3A_229 = arith.constant 0 : i32
      %dma_wait3A_230 = tpu.memref_slice %arg7[%dma_wait3A_228, %dma_wait3A_229] : memref<128x80xi32, #tpu.memory_space<vmem>> -> memref<125x80xi32, #tpu.memory_space<vmem>>
      %dma_wait3A_231 = arith.constant 0 : i32
      %dma_wait3A_232 = arith.constant 0 : i32
      %dma_wait3A_233 = tpu.memref_slice %arg3[%add3A, %dma_wait3A_231, %dma_wait3A_232] : memref<32x125x80xi32, #tpu.memory_space<hbm>> -> memref<1x125x80xi32, #tpu.memory_space<hbm>>
      %dma_wait3A_234 = tpu.memref_squeeze %dma_wait3A_233 : memref<1x125x80xi32, #tpu.memory_space<hbm>> -> memref<125x80xi32, #tpu.memory_space<hbm>>
      tpu.wait_dma2 semaphore(%run_scoped3A : memref<!tpu.dma_semaphore, #tpu.memory_space<semaphore_mem>>) src(%dma_wait3A_234 : memref<125x80xi32, #tpu.memory_space<hbm>>) dst(%dma_wait3A_230 : memref<125x80xi32, #tpu.memory_space<vmem>>)
      tpu.yield
    }) : () -> ()
    %get3A = arith.constant 0 : i32
    %get3A_7 = arith.index_cast %get3A : i32 to index
    %get3A_8 = arith.constant 0 : index
    %get3A_9 = tpu.vector_load %arg7[%get3A_7, %get3A_8] {strides = array<i32>} : memref<128x80xi32, #tpu.memory_space<vmem>>, vector<1x16xi32>,
    %get3A_10 = vector.shape_cast %get3A_9 : vector<1x16xi32> to vector<16xi32>
    %and3A = arith.constant 65535 : i32
    %and3A_11 = vector.broadcast %and3A : i32 to vector<16xi32>
    %and3A_12 = arith.andi %get3A_10, %and3A_11 : vector<16xi32>
    %swap3A = arith.constant 0 : index
    %swap3A_13 = tpu.vector_load %arg10[%swap3A] {strides = array<i32>} : memref<80xi32, #tpu.memory_space<vmem>>, vector<16xi32>,
    %swap3A_14 = vector.shape_cast %swap3A_13 : vector<16xi32> to vector<16xi32>
    %swap3A_15 = vector.shape_cast %and3A_12 : vector<16xi32> to vector<16xi32>
    tpu.vector_store %arg10[%swap3A], %swap3A_15 {strides = array<i32>} : memref<80xi32, #tpu.memory_space<vmem>>, vector<16xi32>,
    %shift_right_logical3A = arith.constant 16 : i32
    %shift_right_logical3A_16 = vector.broadcast %shift_right_logical3A : i32 to vector<16xi32>
    %shift_right_logical3A_17 = arith.shrui %get3A_10, %shift_right_logical3A_16 : vector<16xi32>
    %swap3A_18 = arith.constant 0 : index
    %swap3A_19 = tpu.vector_load %arg12[%swap3A_18] {strides = array<i32>} : memref<80xi32, #tpu.memory_space<vmem>>, vector<16xi32>,
    %swap3A_20 = vector.shape_cast %swap3A_19 : vector<16xi32> to vector<16xi32>
    %swap3A_21 = vector.shape_cast %shift_right_logical3A_17 : vector<16xi32> to vector<16xi32>
    tpu.vector_store %arg12[%swap3A_18], %swap3A_21 {strides = array<i32>} : memref<80xi32, #tpu.memory_space<vmem>>, vector<16xi32>,
    %get3A_22 = arith.constant 0 : i32
    %get3A_23 = arith.index_cast %get3A_22 : i32 to index
    %get3A_24 = arith.constant 16 : index
    %get3A_25 = tpu.vector_load %arg7[%get3A_23, %get3A_24] {strides = array<i32>} : memref<128x80xi32, #tpu.memory_space<vmem>>, vector<1x16xi32>,
    %get3A_26 = vector.shape_cast %get3A_25 : vector<1x16xi32> to vector<16xi32>
    %and3A_27 = arith.constant 65535 : i32
    %and3A_28 = vector.broadcast %and3A_27 : i32 to vector<16xi32>
    %and3A_29 = arith.andi %get3A_26, %and3A_28 : vector<16xi32>
    %swap3A_30 = arith.constant 16 : index
    %swap3A_31 = tpu.vector_load %arg10[%swap3A_30] {strides = array<i32>} : memref<80xi32, #tpu.memory_space<vmem>>, vector<16xi32>,
    %swap3A_32 = vector.shape_cast %swap3A_31 : vector<16xi32> to vector<16xi32>
    %swap3A_33 = vector.shape_cast %and3A_29 : vector<16xi32> to vector<16xi32>
    tpu.vector_store %arg10[%swap3A_30], %swap3A_33 {strides = array<i32>} : memref<80xi32, #tpu.memory_space<vmem>>, vector<16xi32>,
    %shift_right_logical3A_34 = arith.constant 16 : i32
    %shift_right_logical3A_35 = vector.broadcast %shift_right_logical3A_34 : i32 to vector<16xi32>
    %shift_right_logical3A_36 = arith.shrui %get3A_26, %shift_right_logical3A_35 : vector<16xi32>
    %swap3A_37 = arith.constant 16 : index
    %swap3A_38 = tpu.vector_load %arg12[%swap3A_37] {strides = array<i32>} : memref<80xi32, #tpu.memory_space<vmem>>, vector<16xi32>,
    %swap3A_39 = vector.shape_cast %swap3A_38 : vector<16xi32> to vector<16xi32>
    %swap3A_40 = vector.shape_cast %shift_right_logical3A_36 : vector<16xi32> to vector<16xi32>
    tpu.vector_store %arg12[%swap3A_37], %swap3A_40 {strides = array<i32>} : memref<80xi32, #tpu.memory_space<vmem>>, vector<16xi32>,
    %get3A_41 = arith.constant 0 : i32
    %get3A_42 = arith.index_cast %get3A_41 : i32 to index
    %get3A_43 = arith.constant 32 : index
    %get3A_44 = tpu.vector_load %arg7[%get3A_42, %get3A_43] {strides = array<i32>} : memref<128x80xi32, #tpu.memory_space<vmem>>, vector<1x16xi32>,
    %get3A_45 = vector.shape_cast %get3A_44 : vector<1x16xi32> to vector<16xi32>
    %and3A_46 = arith.constant 65535 : i32
    %and3A_47 = vector.broadcast %and3A_46 : i32 to vector<16xi32>
    %and3A_48 = arith.andi %get3A_45, %and3A_47 : vector<16xi32>
    %swap3A_49 = arith.constant 32 : index
    %swap3A_50 = tpu.vector_load %arg10[%swap3A_49] {strides = array<i32>} : memref<80xi32, #tpu.memory_space<vmem>>, vector<16xi32>,
    %swap3A_51 = vector.shape_cast %swap3A_50 : vector<16xi32> to vector<16xi32>
    %swap3A_52 = vector.shape_cast %and3A_48 : vector<16xi32> to vector<16xi32>
    tpu.vector_store %arg10[%swap3A_49], %swap3A_52 {strides = array<i32>} : memref<80xi32, #tpu.memory_space<vmem>>, vector<16xi32>,
    %shift_right_logical3A_53 = arith.constant 16 : i32
    %shift_right_logical3A_54 = vector.broadcast %shift_right_logical3A_53 : i32 to vector<16xi32>
    %shift_right_logical3A_55 = arith.shrui %get3A_45, %shift_right_logical3A_54 : vector<16xi32>
    %swap3A_56 = arith.constant 32 : index
    %swap3A_57 = tpu.vector_load %arg12[%swap3A_56] {strides = array<i32>} : memref<80xi32, #tpu.memory_space<vmem>>, vector<16xi32>,
    %swap3A_58 = vector.shape_cast %swap3A_57 : vector<16xi32> to vector<16xi32>
    %swap3A_59 = vector.shape_cast %shift_right_logical3A_55 : vector<16xi32> to vector<16xi32>
    tpu.vector_store %arg12[%swap3A_56], %swap3A_59 {strides = array<i32>} : memref<80xi32, #tpu.memory_space<vmem>>, vector<16xi32>,
    %get3A_60 = arith.constant 0 : i32
    %get3A_61 = arith.index_cast %get3A_60 : i32 to index
    %get3A_62 = arith.constant 48 : index
    %get3A_63 = tpu.vector_load %arg7[%get3A_61, %get3A_62] {strides = array<i32>} : memref<128x80xi32, #tpu.memory_space<vmem>>, vector<1x16xi32>,
    %get3A_64 = vector.shape_cast %get3A_63 : vector<1x16xi32> to vector<16xi32>
    %and3A_65 = arith.constant 65535 : i32
    %and3A_66 = vector.broadcast %and3A_65 : i32 to vector<16xi32>
    %and3A_67 = arith.andi %get3A_64, %and3A_66 : vector<16xi32>
    %swap3A_68 = arith.constant 48 : index
    %swap3A_69 = tpu.vector_load %arg10[%swap3A_68] {strides = array<i32>} : memref<80xi32, #tpu.memory_space<vmem>>, vector<16xi32>,
    %swap3A_70 = vector.shape_cast %swap3A_69 : vector<16xi32> to vector<16xi32>
    %swap3A_71 = vector.shape_cast %and3A_67 : vector<16xi32> to vector<16xi32>
    tpu.vector_store %arg10[%swap3A_68], %swap3A_71 {strides = array<i32>} : memref<80xi32, #tpu.memory_space<vmem>>, vector<16xi32>,
    %shift_right_logical3A_72 = arith.constant 16 : i32
    %shift_right_logical3A_73 = vector.broadcast %shift_right_logical3A_72 : i32 to vector<16xi32>
    %shift_right_logical3A_74 = arith.shrui %get3A_64, %shift_right_logical3A_73 : vector<16xi32>
    %swap3A_75 = arith.constant 48 : index
    %swap3A_76 = tpu.vector_load %arg12[%swap3A_75] {strides = array<i32>} : memref<80xi32, #tpu.memory_space<vmem>>, vector<16xi32>,
    %swap3A_77 = vector.shape_cast %swap3A_76 : vector<16xi32> to vector<16xi32>
    %swap3A_78 = vector.shape_cast %shift_right_logical3A_74 : vector<16xi32> to vector<16xi32>
    tpu.vector_store %arg12[%swap3A_75], %swap3A_78 {strides = array<i32>} : memref<80xi32, #tpu.memory_space<vmem>>, vector<16xi32>,
    %get3A_79 = arith.constant 0 : i32
    %get3A_80 = arith.index_cast %get3A_79 : i32 to index
    %get3A_81 = arith.constant 64 : index
    %get3A_82 = tpu.vector_load %arg7[%get3A_80, %get3A_81] {strides = array<i32>} : memref<128x80xi32, #tpu.memory_space<vmem>>, vector<1x16xi32>,
    %get3A_83 = vector.shape_cast %get3A_82 : vector<1x16xi32> to vector<16xi32>
    %and3A_84 = arith.constant 65535 : i32
    %and3A_85 = vector.broadcast %and3A_84 : i32 to vector<16xi32>
    %and3A_86 = arith.andi %get3A_83, %and3A_85 : vector<16xi32>
    %swap3A_87 = arith.constant 64 : index
    %swap3A_88 = tpu.vector_load %arg10[%swap3A_87] {strides = array<i32>} : memref<80xi32, #tpu.memory_space<vmem>>, vector<16xi32>,
    %swap3A_89 = vector.shape_cast %swap3A_88 : vector<16xi32> to vector<16xi32>
    %swap3A_90 = vector.shape_cast %and3A_86 : vector<16xi32> to vector<16xi32>
    tpu.vector_store %arg10[%swap3A_87], %swap3A_90 {strides = array<i32>} : memref<80xi32, #tpu.memory_space<vmem>>, vector<16xi32>,
    %shift_right_logical3A_91 = arith.constant 16 : i32
    %shift_right_logical3A_92 = vector.broadcast %shift_right_logical3A_91 : i32 to vector<16xi32>
    %shift_right_logical3A_93 = arith.shrui %get3A_83, %shift_right_logical3A_92 : vector<16xi32>
    %swap3A_94 = arith.constant 64 : index
    %swap3A_95 = tpu.vector_load %arg12[%swap3A_94] {strides = array<i32>} : memref<80xi32, #tpu.memory_space<vmem>>, vector<16xi32>,
    %swap3A_96 = vector.shape_cast %swap3A_95 : vector<16xi32> to vector<16xi32>
    %swap3A_97 = vector.shape_cast %shift_right_logical3A_93 : vector<16xi32> to vector<16xi32>
    tpu.vector_store %arg12[%swap3A_94], %swap3A_97 {strides = array<i32>} : memref<80xi32, #tpu.memory_space<vmem>>, vector<16xi32>,
    %get3A_98 = arith.constant 1 : i32
    %get3A_99 = arith.index_cast %get3A_98 : i32 to index
    %get3A_100 = arith.constant 0 : index
    %get3A_101 = tpu.vector_load %arg7[%get3A_99, %get3A_100] {strides = array<i32>} : memref<128x80xi32, #tpu.memory_space<vmem>>, vector<1x16xi32>,
    %get3A_102 = vector.shape_cast %get3A_101 : vector<1x16xi32> to vector<16xi32>
    %and3A_103 = arith.constant 65535 : i32
    %and3A_104 = vector.broadcast %and3A_103 : i32 to vector<16xi32>
    %and3A_105 = arith.andi %get3A_102, %and3A_104 : vector<16xi32>
    %swap3A_106 = arith.constant 0 : index
    %swap3A_107 = tpu.vector_load %arg11[%swap3A_106] {strides = array<i32>} : memref<80xi32, #tpu.memory_space<vmem>>, vector<16xi32>,
    %swap3A_108 = vector.shape_cast %swap3A_107 : vector<16xi32> to vector<16xi32>
    %swap3A_109 = vector.shape_cast %and3A_105 : vector<16xi32> to vector<16xi32>
    tpu.vector_store %arg11[%swap3A_106], %swap3A_109 {strides = array<i32>} : memref<80xi32, #tpu.memory_space<vmem>>, vector<16xi32>,
    %shift_right_logical3A_110 = arith.constant 16 : i32
    %shift_right_logical3A_111 = vector.broadcast %shift_right_logical3A_110 : i32 to vector<16xi32>
    %shift_right_logical3A_112 = arith.shrui %get3A_102, %shift_right_logical3A_111 : vector<16xi32>
    %swap3A_113 = arith.constant 0 : index
    %swap3A_114 = tpu.vector_load %arg13[%swap3A_113] {strides = array<i32>} : memref<80xi32, #tpu.memory_space<vmem>>, vector<16xi32>,
    %swap3A_115 = vector.shape_cast %swap3A_114 : vector<16xi32> to vector<16xi32>
    %swap3A_116 = vector.shape_cast %shift_right_logical3A_112 : vector<16xi32> to vector<16xi32>
    tpu.vector_store %arg13[%swap3A_113], %swap3A_116 {strides = array<i32>} : memref<80xi32, #tpu.memory_space<vmem>>, vector<16xi32>,
    %get3A_117 = arith.constant 1 : i32
    %get3A_118 = arith.index_cast %get3A_117 : i32 to index
    %get3A_119 = arith.constant 16 : index
    %get3A_120 = tpu.vector_load %arg7[%get3A_118, %get3A_119] {strides = array<i32>} : memref<128x80xi32, #tpu.memory_space<vmem>>, vector<1x16xi32>,
    %get3A_121 = vector.shape_cast %get3A_120 : vector<1x16xi32> to vector<16xi32>
    %and3A_122 = arith.constant 65535 : i32
    %and3A_123 = vector.broadcast %and3A_122 : i32 to vector<16xi32>
    %and3A_124 = arith.andi %get3A_121, %and3A_123 : vector<16xi32>
    %swap3A_125 = arith.constant 16 : index
    %swap3A_126 = tpu.vector_load %arg11[%swap3A_125] {strides = array<i32>} : memref<80xi32, #tpu.memory_space<vmem>>, vector<16xi32>,
    %swap3A_127 = vector.shape_cast %swap3A_126 : vector<16xi32> to vector<16xi32>
    %swap3A_128 = vector.shape_cast %and3A_124 : vector<16xi32> to vector<16xi32>
    tpu.vector_store %arg11[%swap3A_125], %swap3A_128 {strides = array<i32>} : memref<80xi32, #tpu.memory_space<vmem>>, vector<16xi32>,
    %shift_right_logical3A_129 = arith.constant 16 : i32
    %shift_right_logical3A_130 = vector.broadcast %shift_right_logical3A_129 : i32 to vector<16xi32>
    %shift_right_logical3A_131 = arith.shrui %get3A_121, %shift_right_logical3A_130 : vector<16xi32>
    %swap3A_132 = arith.constant 16 : index
    %swap3A_133 = tpu.vector_load %arg13[%swap3A_132] {strides = array<i32>} : memref<80xi32, #tpu.memory_space<vmem>>, vector<16xi32>,
    %swap3A_134 = vector.shape_cast %swap3A_133 : vector<16xi32> to vector<16xi32>
    %swap3A_135 = vector.shape_cast %shift_right_logical3A_131 : vector<16xi32> to vector<16xi32>
    tpu.vector_store %arg13[%swap3A_132], %swap3A_135 {strides = array<i32>} : memref<80xi32, #tpu.memory_space<vmem>>, vector<16xi32>,
    %get3A_136 = arith.constant 1 : i32
    %get3A_137 = arith.index_cast %get3A_136 : i32 to index
    %get3A_138 = arith.constant 32 : index
    %get3A_139 = tpu.vector_load %arg7[%get3A_137, %get3A_138] {strides = array<i32>} : memref<128x80xi32, #tpu.memory_space<vmem>>, vector<1x16xi32>,
    %get3A_140 = vector.shape_cast %get3A_139 : vector<1x16xi32> to vector<16xi32>
    %and3A_141 = arith.constant 65535 : i32
    %and3A_142 = vector.broadcast %and3A_141 : i32 to vector<16xi32>
    %and3A_143 = arith.andi %get3A_140, %and3A_142 : vector<16xi32>
    %swap3A_144 = arith.constant 32 : index
    %swap3A_145 = tpu.vector_load %arg11[%swap3A_144] {strides = array<i32>} : memref<80xi32, #tpu.memory_space<vmem>>, vector<16xi32>,
    %swap3A_146 = vector.shape_cast %swap3A_145 : vector<16xi32> to vector<16xi32>
    %swap3A_147 = vector.shape_cast %and3A_143 : vector<16xi32> to vector<16xi32>
    tpu.vector_store %arg11[%swap3A_144], %swap3A_147 {strides = array<i32>} : memref<80xi32, #tpu.memory_space<vmem>>, vector<16xi32>,
    %shift_right_logical3A_148 = arith.constant 16 : i32
    %shift_right_logical3A_149 = vector.broadcast %shift_right_logical3A_148 : i32 to vector<16xi32>
    %shift_right_logical3A_150 = arith.shrui %get3A_140, %shift_right_logical3A_149 : vector<16xi32>
    %swap3A_151 = arith.constant 32 : index
    %swap3A_152 = tpu.vector_load %arg13[%swap3A_151] {strides = array<i32>} : memref<80xi32, #tpu.memory_space<vmem>>, vector<16xi32>,
    %swap3A_153 = vector.shape_cast %swap3A_152 : vector<16xi32> to vector<16xi32>
    %swap3A_154 = vector.shape_cast %shift_right_logical3A_150 : vector<16xi32> to vector<16xi32>
    tpu.vector_store %arg13[%swap3A_151], %swap3A_154 {strides = array<i32>} : memref<80xi32, #tpu.memory_space<vmem>>, vector<16xi32>,
    %get3A_155 = arith.constant 1 : i32
    %get3A_156 = arith.index_cast %get3A_155 : i32 to index
    %get3A_157 = arith.constant 48 : index
    %get3A_158 = tpu.vector_load %arg7[%get3A_156, %get3A_157] {strides = array<i32>} : memref<128x80xi32, #tpu.memory_space<vmem>>, vector<1x16xi32>,
    %get3A_159 = vector.shape_cast %get3A_158 : vector<1x16xi32> to vector<16xi32>
    %and3A_160 = arith.constant 65535 : i32
    %and3A_161 = vector.broadcast %and3A_160 : i32 to vector<16xi32>
    %and3A_162 = arith.andi %get3A_159, %and3A_161 : vector<16xi32>
    %swap3A_163 = arith.constant 48 : index
    %swap3A_164 = tpu.vector_load %arg11[%swap3A_163] {strides = array<i32>} : memref<80xi32, #tpu.memory_space<vmem>>, vector<16xi32>,
    %swap3A_165 = vector.shape_cast %swap3A_164 : vector<16xi32> to vector<16xi32>
    %swap3A_166 = vector.shape_cast %and3A_162 : vector<16xi32> to vector<16xi32>
    tpu.vector_store %arg11[%swap3A_163], %swap3A_166 {strides = array<i32>} : memref<80xi32, #tpu.memory_space<vmem>>, vector<16xi32>,
    %shift_right_logical3A_167 = arith.constant 16 : i32
    %shift_right_logical3A_168 = vector.broadcast %shift_right_logical3A_167 : i32 to vector<16xi32>
    %shift_right_logical3A_169 = arith.shrui %get3A_159, %shift_right_logical3A_168 : vector<16xi32>
    %swap3A_170 = arith.constant 48 : index
    %swap3A_171 = tpu.vector_load %arg13[%swap3A_170] {strides = array<i32>} : memref<80xi32, #tpu.memory_space<vmem>>, vector<16xi32>,
    %swap3A_172 = vector.shape_cast %swap3A_171 : vector<16xi32> to vector<16xi32>
    %swap3A_173 = vector.shape_cast %shift_right_logical3A_169 : vector<16xi32> to vector<16xi32>
    tpu.vector_store %arg13[%swap3A_170], %swap3A_173 {strides = array<i32>} : memref<80xi32, #tpu.memory_space<vmem>>, vector<16xi32>,
    %get3A_174 = arith.constant 1 : i32
    %get3A_175 = arith.index_cast %get3A_174 : i32 to index
    %get3A_176 = arith.constant 64 : index
    %get3A_177 = tpu.vector_load %arg7[%get3A_175, %get3A_176] {strides = array<i32>} : memref<128x80xi32, #tpu.memory_space<vmem>>, vector<1x16xi32>,
    %get3A_178 = vector.shape_cast %get3A_177 : vector<1x16xi32> to vector<16xi32>
    %and3A_179 = arith.constant 65535 : i32
    %and3A_180 = vector.broadcast %and3A_179 : i32 to vector<16xi32>
    %and3A_181 = arith.andi %get3A_178, %and3A_180 : vector<16xi32>
    %swap3A_182 = arith.constant 64 : index
    %swap3A_183 = tpu.vector_load %arg11[%swap3A_182] {strides = array<i32>} : memref<80xi32, #tpu.memory_space<vmem>>, vector<16xi32>,
    %swap3A_184 = vector.shape_cast %swap3A_183 : vector<16xi32> to vector<16xi32>
    %swap3A_185 = vector.shape_cast %and3A_181 : vector<16xi32> to vector<16xi32>
    tpu.vector_store %arg11[%swap3A_182], %swap3A_185 {strides = array<i32>} : memref<80xi32, #tpu.memory_space<vmem>>, vector<16xi32>,
    %shift_right_logical3A_186 = arith.constant 16 : i32
    %shift_right_logical3A_187 = vector.broadcast %shift_right_logical3A_186 : i32 to vector<16xi32>
    %shift_right_logical3A_188 = arith.shrui %get3A_178, %shift_right_logical3A_187 : vector<16xi32>
    %swap3A_189 = arith.constant 64 : index
    %swap3A_190 = tpu.vector_load %arg13[%swap3A_189] {strides = array<i32>} : memref<80xi32, #tpu.memory_space<vmem>>, vector<16xi32>,
    %swap3A_191 = vector.shape_cast %swap3A_190 : vector<16xi32> to vector<16xi32>
    %swap3A_192 = vector.shape_cast %shift_right_logical3A_188 : vector<16xi32> to vector<16xi32>
    tpu.vector_store %arg13[%swap3A_189], %swap3A_192 {strides = array<i32>} : memref<80xi32, #tpu.memory_space<vmem>>, vector<16xi32>,
    %dma_start3A_193 = arith.constant 0 : i32
    %dma_start3A_194 = arith.constant 0 : i32
    %dma_start3A_195 = tpu.memref_slice %arg2[%dma_start3A_193, %dma_start3A_194] : memref<10000x128xf32, #tpu.memory_space<hbm>> -> memref<10000x128xf32, #tpu.memory_space<hbm>>
    tpu.enqueue_indirect_dma source(%dma_start3A_195 : memref<10000x128xf32, #tpu.memory_space<hbm>>) target(%arg8 : memref<80x128xf32, #tpu.memory_space<vmem>>) offsets(%arg10 : memref<80xi32, #tpu.memory_space<vmem>>) semaphore(%arg14 : memref<!tpu.dma_semaphore, #tpu.memory_space<semaphore_mem>>)
    %dma_wait3A = arith.constant 0 : i32
    %dma_wait3A_196 = tpu.memref_slice %arg6[%multiple_of3A, %dma_wait3A] : memref<10000x128xf32, #tpu.memory_space<vmem_shared>> -> memref<640x128xf32, #tpu.memory_space<vmem_shared>>
    %dma_wait3A_197 = arith.constant 0 : i32
    %dma_wait3A_198 = tpu.memref_slice %arg4[%multiple_of3A, %dma_wait3A_197] : memref<10000x128xf32, #tpu.memory_space<hbm>> -> memref<640x128xf32, #tpu.memory_space<hbm>>
    tpu.wait_dma2 semaphore(%arg16 : memref<!tpu.dma_semaphore, #tpu.memory_space<semaphore_mem>>) src(%dma_wait3A_198 : memref<640x128xf32, #tpu.memory_space<hbm>>) dst(%dma_wait3A_196 : memref<640x128xf32, #tpu.memory_space<vmem_shared>>)
    %barrier3A = arith.constant 0 : index
    tpu.barrier barrier_id(%barrier3A)
    %scan3A = arith.constant 0 : i32
    %scan3A_199 = arith.constant 62 : i32
    %scan3A_200 = arith.addi %scan3A, %scan3A_199 : i32
    %scan3A_201 = arith.constant 1 : i32
    scf.for %scan3A_207 = %scan3A to %scan3A_200 step %scan3A_201  : i32 {
      %mul3A_208 = arith.constant 2 : i32
      %mul3A_209 = arith.muli %scan3A_207, %mul3A_208 : i32
      %add3A_210 = arith.constant 0 : i32
      %add3A_211 = arith.addi %add3A_210, %mul3A_209 : i32
      %dma_wait3A_212 = arith.constant 0 : i32
      %dma_wait3A_213 = arith.constant 0 : i32
      %dma_wait3A_214 = tpu.memref_slice %arg2[%dma_wait3A_212, %dma_wait3A_213] : memref<10000x128xf32, #tpu.memory_space<hbm>> -> memref<10000x128xf32, #tpu.memory_space<hbm>>
      tpu.wait_indirect_dma semaphore(%arg14 : memref<!tpu.dma_semaphore, #tpu.memory_space<semaphore_mem>>) src(%dma_wait3A_214 : memref<10000x128xf32, #tpu.memory_space<hbm>>) dst(%arg8 : memref<80x128xf32, #tpu.memory_space<vmem>>)
      %dma_start3A_215 = arith.constant 0 : i32
      %dma_start3A_216 = arith.constant 0 : i32
      %dma_start3A_217 = tpu.memref_slice %arg2[%dma_start3A_215, %dma_start3A_216] : memref<10000x128xf32, #tpu.memory_space<hbm>> -> memref<10000x128xf32, #tpu.memory_space<hbm>>
      tpu.enqueue_indirect_dma source(%dma_start3A_217 : memref<10000x128xf32, #tpu.memory_space<hbm>>) target(%arg9 : memref<80x128xf32, #tpu.memory_space<vmem>>) offsets(%arg11 : memref<80xi32, #tpu.memory_space<vmem>>) semaphore(%arg15 : memref<!tpu.dma_semaphore, #tpu.memory_space<semaphore_mem>>)
      "tpu.region"() ({
        %run_scoped3A = tpu.sem_alloc : memref<!tpu.dma_semaphore, #tpu.memory_space<semaphore_mem>>
        %dma_start3A_408 = arith.constant 0 : i32
        %dma_start3A_409 = arith.constant 0 : i32
        %dma_start3A_410 = tpu.memref_slice %arg6[%dma_start3A_408, %dma_start3A_409] : memref<10000x128xf32, #tpu.memory_space<vmem_shared>> -> memref<10000x128xf32, #tpu.memory_space<vmem_shared>>
        tpu.enqueue_indirect_dma source(%arg8 : memref<80x128xf32, #tpu.memory_space<vmem>>) target(%dma_start3A_410 : memref<10000x128xf32, #tpu.memory_space<vmem_shared>>) offsets(%arg12 : memref<80xi32, #tpu.memory_space<vmem>>) semaphore(%run_scoped3A : memref<!tpu.dma_semaphore, #tpu.memory_space<semaphore_mem>>) {add = true}
        %dma_wait3A_411 = arith.constant 0 : i32
        %dma_wait3A_412 = arith.constant 0 : i32
        %dma_wait3A_413 = tpu.memref_slice %arg6[%dma_wait3A_411, %dma_wait3A_412] : memref<10000x128xf32, #tpu.memory_space<vmem_shared>> -> memref<10000x128xf32, #tpu.memory_space<vmem_shared>>
        tpu.wait_indirect_dma semaphore(%run_scoped3A : memref<!tpu.dma_semaphore, #tpu.memory_space<semaphore_mem>>) src(%arg8 : memref<80x128xf32, #tpu.memory_space<vmem>>) dst(%dma_wait3A_413 : memref<10000x128xf32, #tpu.memory_space<vmem_shared>>)
        tpu.yield
      }) : () -> ()
      %add3A_218 = arith.constant 2 : i32
      %add3A_219 = arith.addi %add3A_211, %add3A_218 : i32
      %get3A_220 = arith.index_cast %add3A_219 : i32 to index
      %get3A_221 = arith.constant 0 : index
      %get3A_222 = tpu.vector_load %arg7[%get3A_220, %get3A_221] {strides = array<i32>} : memref<128x80xi32, #tpu.memory_space<vmem>>, vector<1x16xi32>,
      %get3A_223 = vector.shape_cast %get3A_222 : vector<1x16xi32> to vector<16xi32>
      %and3A_224 = arith.constant 65535 : i32
      %and3A_225 = vector.broadcast %and3A_224 : i32 to vector<16xi32>
      %and3A_226 = arith.andi %get3A_223, %and3A_225 : vector<16xi32>
      %swap3A_227 = arith.constant 0 : index
      %swap3A_228 = tpu.vector_load %arg10[%swap3A_227] {strides = array<i32>} : memref<80xi32, #tpu.memory_space<vmem>>, vector<16xi32>,
      %swap3A_229 = vector.shape_cast %swap3A_228 : vector<16xi32> to vector<16xi32>
      %swap3A_230 = vector.shape_cast %and3A_226 : vector<16xi32> to vector<16xi32>
      tpu.vector_store %arg10[%swap3A_227], %swap3A_230 {strides = array<i32>} : memref<80xi32, #tpu.memory_space<vmem>>, vector<16xi32>,
      %shift_right_logical3A_231 = arith.constant 16 : i32
      %shift_right_logical3A_232 = vector.broadcast %shift_right_logical3A_231 : i32 to vector<16xi32>
      %shift_right_logical3A_233 = arith.shrui %get3A_223, %shift_right_logical3A_232 : vector<16xi32>
      %swap3A_234 = arith.constant 0 : index
      %swap3A_235 = tpu.vector_load %arg12[%swap3A_234] {strides = array<i32>} : memref<80xi32, #tpu.memory_space<vmem>>, vector<16xi32>,
      %swap3A_236 = vector.shape_cast %swap3A_235 : vector<16xi32> to vector<16xi32>
      %swap3A_237 = vector.shape_cast %shift_right_logical3A_233 : vector<16xi32> to vector<16xi32>
      tpu.vector_store %arg12[%swap3A_234], %swap3A_237 {strides = array<i32>} : memref<80xi32, #tpu.memory_space<vmem>>, vector<16xi32>,
      %get3A_238 = arith.index_cast %add3A_219 : i32 to index
      %get3A_239 = arith.constant 16 : index
      %get3A_240 = tpu.vector_load %arg7[%get3A_238, %get3A_239] {strides = array<i32>} : memref<128x80xi32, #tpu.memory_space<vmem>>, vector<1x16xi32>,
      %get3A_241 = vector.shape_cast %get3A_240 : vector<1x16xi32> to vector<16xi32>
      %and3A_242 = arith.constant 65535 : i32
      %and3A_243 = vector.broadcast %and3A_242 : i32 to vector<16xi32>
      %and3A_244 = arith.andi %get3A_241, %and3A_243 : vector<16xi32>
      %swap3A_245 = arith.constant 16 : index
      %swap3A_246 = tpu.vector_load %arg10[%swap3A_245] {strides = array<i32>} : memref<80xi32, #tpu.memory_space<vmem>>, vector<16xi32>,
      %swap3A_247 = vector.shape_cast %swap3A_246 : vector<16xi32> to vector<16xi32>
      %swap3A_248 = vector.shape_cast %and3A_244 : vector<16xi32> to vector<16xi32>
      tpu.vector_store %arg10[%swap3A_245], %swap3A_248 {strides = array<i32>} : memref<80xi32, #tpu.memory_space<vmem>>, vector<16xi32>,
      %shift_right_logical3A_249 = arith.constant 16 : i32
      %shift_right_logical3A_250 = vector.broadcast %shift_right_logical3A_249 : i32 to vector<16xi32>
      %shift_right_logical3A_251 = arith.shrui %get3A_241, %shift_right_logical3A_250 : vector<16xi32>
      %swap3A_252 = arith.constant 16 : index
      %swap3A_253 = tpu.vector_load %arg12[%swap3A_252] {strides = array<i32>} : memref<80xi32, #tpu.memory_space<vmem>>, vector<16xi32>,
      %swap3A_254 = vector.shape_cast %swap3A_253 : vector<16xi32> to vector<16xi32>
      %swap3A_255 = vector.shape_cast %shift_right_logical3A_251 : vector<16xi32> to vector<16xi32>
      tpu.vector_store %arg12[%swap3A_252], %swap3A_255 {strides = array<i32>} : memref<80xi32, #tpu.memory_space<vmem>>, vector<16xi32>,
      %get3A_256 = arith.index_cast %add3A_219 : i32 to index
      %get3A_257 = arith.constant 32 : index
      %get3A_258 = tpu.vector_load %arg7[%get3A_256, %get3A_257] {strides = array<i32>} : memref<128x80xi32, #tpu.memory_space<vmem>>, vector<1x16xi32>,
      %get3A_259 = vector.shape_cast %get3A_258 : vector<1x16xi32> to vector<16xi32>
      %and3A_260 = arith.constant 65535 : i32
      %and3A_261 = vector.broadcast %and3A_260 : i32 to vector<16xi32>
      %and3A_262 = arith.andi %get3A_259, %and3A_261 : vector<16xi32>
      %swap3A_263 = arith.constant 32 : index
      %swap3A_264 = tpu.vector_load %arg10[%swap3A_263] {strides = array<i32>} : memref<80xi32, #tpu.memory_space<vmem>>, vector<16xi32>,
      %swap3A_265 = vector.shape_cast %swap3A_264 : vector<16xi32> to vector<16xi32>
      %swap3A_266 = vector.shape_cast %and3A_262 : vector<16xi32> to vector<16xi32>
      tpu.vector_store %arg10[%swap3A_263], %swap3A_266 {strides = array<i32>} : memref<80xi32, #tpu.memory_space<vmem>>, vector<16xi32>,
      %shift_right_logical3A_267 = arith.constant 16 : i32
      %shift_right_logical3A_268 = vector.broadcast %shift_right_logical3A_267 : i32 to vector<16xi32>
      %shift_right_logical3A_269 = arith.shrui %get3A_259, %shift_right_logical3A_268 : vector<16xi32>
      %swap3A_270 = arith.constant 32 : index
      %swap3A_271 = tpu.vector_load %arg12[%swap3A_270] {strides = array<i32>} : memref<80xi32, #tpu.memory_space<vmem>>, vector<16xi32>,
      %swap3A_272 = vector.shape_cast %swap3A_271 : vector<16xi32> to vector<16xi32>
      %swap3A_273 = vector.shape_cast %shift_right_logical3A_269 : vector<16xi32> to vector<16xi32>
      tpu.vector_store %arg12[%swap3A_270], %swap3A_273 {strides = array<i32>} : memref<80xi32, #tpu.memory_space<vmem>>, vector<16xi32>,
      %get3A_274 = arith.index_cast %add3A_219 : i32 to index
      %get3A_275 = arith.constant 48 : index
      %get3A_276 = tpu.vector_load %arg7[%get3A_274, %get3A_275] {strides = array<i32>} : memref<128x80xi32, #tpu.memory_space<vmem>>, vector<1x16xi32>,
      %get3A_277 = vector.shape_cast %get3A_276 : vector<1x16xi32> to vector<16xi32>
      %and3A_278 = arith.constant 65535 : i32
      %and3A_279 = vector.broadcast %and3A_278 : i32 to vector<16xi32>
      %and3A_280 = arith.andi %get3A_277, %and3A_279 : vector<16xi32>
      %swap3A_281 = arith.constant 48 : index
      %swap3A_282 = tpu.vector_load %arg10[%swap3A_281] {strides = array<i32>} : memref<80xi32, #tpu.memory_space<vmem>>, vector<16xi32>,
      %swap3A_283 = vector.shape_cast %swap3A_282 : vector<16xi32> to vector<16xi32>
      %swap3A_284 = vector.shape_cast %and3A_280 : vector<16xi32> to vector<16xi32>
      tpu.vector_store %arg10[%swap3A_281], %swap3A_284 {strides = array<i32>} : memref<80xi32, #tpu.memory_space<vmem>>, vector<16xi32>,
      %shift_right_logical3A_285 = arith.constant 16 : i32
      %shift_right_logical3A_286 = vector.broadcast %shift_right_logical3A_285 : i32 to vector<16xi32>
      %shift_right_logical3A_287 = arith.shrui %get3A_277, %shift_right_logical3A_286 : vector<16xi32>
      %swap3A_288 = arith.constant 48 : index
      %swap3A_289 = tpu.vector_load %arg12[%swap3A_288] {strides = array<i32>} : memref<80xi32, #tpu.memory_space<vmem>>, vector<16xi32>,
      %swap3A_290 = vector.shape_cast %swap3A_289 : vector<16xi32> to vector<16xi32>
      %swap3A_291 = vector.shape_cast %shift_right_logical3A_287 : vector<16xi32> to vector<16xi32>
      tpu.vector_store %arg12[%swap3A_288], %swap3A_291 {strides = array<i32>} : memref<80xi32, #tpu.memory_space<vmem>>, vector<16xi32>,
      %get3A_292 = arith.index_cast %add3A_219 : i32 to index
      %get3A_293 = arith.constant 64 : index
      %get3A_294 = tpu.vector_load %arg7[%get3A_292, %get3A_293] {strides = array<i32>} : memref<128x80xi32, #tpu.memory_space<vmem>>, vector<1x16xi32>,
      %get3A_295 = vector.shape_cast %get3A_294 : vector<1x16xi32> to vector<16xi32>
      %and3A_296 = arith.constant 65535 : i32
      %and3A_297 = vector.broadcast %and3A_296 : i32 to vector<16xi32>
      %and3A_298 = arith.andi %get3A_295, %and3A_297 : vector<16xi32>
      %swap3A_299 = arith.constant 64 : index
      %swap3A_300 = tpu.vector_load %arg10[%swap3A_299] {strides = array<i32>} : memref<80xi32, #tpu.memory_space<vmem>>, vector<16xi32>,
      %swap3A_301 = vector.shape_cast %swap3A_300 : vector<16xi32> to vector<16xi32>
      %swap3A_302 = vector.shape_cast %and3A_298 : vector<16xi32> to vector<16xi32>
      tpu.vector_store %arg10[%swap3A_299], %swap3A_302 {strides = array<i32>} : memref<80xi32, #tpu.memory_space<vmem>>, vector<16xi32>,
      %shift_right_logical3A_303 = arith.constant 16 : i32
      %shift_right_logical3A_304 = vector.broadcast %shift_right_logical3A_303 : i32 to vector<16xi32>
      %shift_right_logical3A_305 = arith.shrui %get3A_295, %shift_right_logical3A_304 : vector<16xi32>
      %swap3A_306 = arith.constant 64 : index
      %swap3A_307 = tpu.vector_load %arg12[%swap3A_306] {strides = array<i32>} : memref<80xi32, #tpu.memory_space<vmem>>, vector<16xi32>,
      %swap3A_308 = vector.shape_cast %swap3A_307 : vector<16xi32> to vector<16xi32>
      %swap3A_309 = vector.shape_cast %shift_right_logical3A_305 : vector<16xi32> to vector<16xi32>
      tpu.vector_store %arg12[%swap3A_306], %swap3A_309 {strides = array<i32>} : memref<80xi32, #tpu.memory_space<vmem>>, vector<16xi32>,
      %dma_start3A_310 = arith.constant 0 : i32
      %dma_start3A_311 = arith.constant 0 : i32
      %dma_start3A_312 = tpu.memref_slice %arg2[%dma_start3A_310, %dma_start3A_311] : memref<10000x128xf32, #tpu.memory_space<hbm>> -> memref<10000x128xf32, #tpu.memory_space<hbm>>
      tpu.enqueue_indirect_dma source(%dma_start3A_312 : memref<10000x128xf32, #tpu.memory_space<hbm>>) target(%arg8 : memref<80x128xf32, #tpu.memory_space<vmem>>) offsets(%arg10 : memref<80xi32, #tpu.memory_space<vmem>>) semaphore(%arg14 : memref<!tpu.dma_semaphore, #tpu.memory_space<semaphore_mem>>)
      %dma_wait3A_313 = arith.constant 0 : i32
      %dma_wait3A_314 = arith.constant 0 : i32
      %dma_wait3A_315 = tpu.memref_slice %arg2[%dma_wait3A_313, %dma_wait3A_314] : memref<10000x128xf32, #tpu.memory_space<hbm>> -> memref<10000x128xf32, #tpu.memory_space<hbm>>
      tpu.wait_indirect_dma semaphore(%arg15 : memref<!tpu.dma_semaphore, #tpu.memory_space<semaphore_mem>>) src(%dma_wait3A_315 : memref<10000x128xf32, #tpu.memory_space<hbm>>) dst(%arg9 : memref<80x128xf32, #tpu.memory_space<vmem>>)
      "tpu.region"() ({
        %run_scoped3A = tpu.sem_alloc : memref<!tpu.dma_semaphore, #tpu.memory_space<semaphore_mem>>
        %dma_start3A_408 = arith.constant 0 : i32
        %dma_start3A_409 = arith.constant 0 : i32
        %dma_start3A_410 = tpu.memref_slice %arg6[%dma_start3A_408, %dma_start3A_409] : memref<10000x128xf32, #tpu.memory_space<vmem_shared>> -> memref<10000x128xf32, #tpu.memory_space<vmem_shared>>
        tpu.enqueue_indirect_dma source(%arg9 : memref<80x128xf32, #tpu.memory_space<vmem>>) target(%dma_start3A_410 : memref<10000x128xf32, #tpu.memory_space<vmem_shared>>) offsets(%arg13 : memref<80xi32, #tpu.memory_space<vmem>>) semaphore(%run_scoped3A : memref<!tpu.dma_semaphore, #tpu.memory_space<semaphore_mem>>) {add = true}
        %dma_wait3A_411 = arith.constant 0 : i32
        %dma_wait3A_412 = arith.constant 0 : i32
        %dma_wait3A_413 = tpu.memref_slice %arg6[%dma_wait3A_411, %dma_wait3A_412] : memref<10000x128xf32, #tpu.memory_space<vmem_shared>> -> memref<10000x128xf32, #tpu.memory_space<vmem_shared>>
        tpu.wait_indirect_dma semaphore(%run_scoped3A : memref<!tpu.dma_semaphore, #tpu.memory_space<semaphore_mem>>) src(%arg9 : memref<80x128xf32, #tpu.memory_space<vmem>>) dst(%dma_wait3A_413 : memref<10000x128xf32, #tpu.memory_space<vmem_shared>>)
        tpu.yield
      }) : () -> ()
      %add3A_316 = arith.constant 3 : i32
      %add3A_317 = arith.addi %add3A_211, %add3A_316 : i32
      %get3A_318 = arith.index_cast %add3A_317 : i32 to index
      %get3A_319 = arith.constant 0 : index
      %get3A_320 = tpu.vector_load %arg7[%get3A_318, %get3A_319] {strides = array<i32>} : memref<128x80xi32, #tpu.memory_space<vmem>>, vector<1x16xi32>,
      %get3A_321 = vector.shape_cast %get3A_320 : vector<1x16xi32> to vector<16xi32>
      %and3A_322 = arith.constant 65535 : i32
      %and3A_323 = vector.broadcast %and3A_322 : i32 to vector<16xi32>
      %and3A_324 = arith.andi %get3A_321, %and3A_323 : vector<16xi32>
      %swap3A_325 = arith.constant 0 : index
      %swap3A_326 = tpu.vector_load %arg11[%swap3A_325] {strides = array<i32>} : memref<80xi32, #tpu.memory_space<vmem>>, vector<16xi32>,
      %swap3A_327 = vector.shape_cast %swap3A_326 : vector<16xi32> to vector<16xi32>
      %swap3A_328 = vector.shape_cast %and3A_324 : vector<16xi32> to vector<16xi32>
      tpu.vector_store %arg11[%swap3A_325], %swap3A_328 {strides = array<i32>} : memref<80xi32, #tpu.memory_space<vmem>>, vector<16xi32>,
      %shift_right_logical3A_329 = arith.constant 16 : i32
      %shift_right_logical3A_330 = vector.broadcast %shift_right_logical3A_329 : i32 to vector<16xi32>
      %shift_right_logical3A_331 = arith.shrui %get3A_321, %shift_right_logical3A_330 : vector<16xi32>
      %swap3A_332 = arith.constant 0 : index
      %swap3A_333 = tpu.vector_load %arg13[%swap3A_332] {strides = array<i32>} : memref<80xi32, #tpu.memory_space<vmem>>, vector<16xi32>,
      %swap3A_334 = vector.shape_cast %swap3A_333 : vector<16xi32> to vector<16xi32>
      %swap3A_335 = vector.shape_cast %shift_right_logical3A_331 : vector<16xi32> to vector<16xi32>
      tpu.vector_store %arg13[%swap3A_332], %swap3A_335 {strides = array<i32>} : memref<80xi32, #tpu.memory_space<vmem>>, vector<16xi32>,
      %get3A_336 = arith.index_cast %add3A_317 : i32 to index
      %get3A_337 = arith.constant 16 : index
      %get3A_338 = tpu.vector_load %arg7[%get3A_336, %get3A_337] {strides = array<i32>} : memref<128x80xi32, #tpu.memory_space<vmem>>, vector<1x16xi32>,
      %get3A_339 = vector.shape_cast %get3A_338 : vector<1x16xi32> to vector<16xi32>
      %and3A_340 = arith.constant 65535 : i32
      %and3A_341 = vector.broadcast %and3A_340 : i32 to vector<16xi32>
      %and3A_342 = arith.andi %get3A_339, %and3A_341 : vector<16xi32>
      %swap3A_343 = arith.constant 16 : index
      %swap3A_344 = tpu.vector_load %arg11[%swap3A_343] {strides = array<i32>} : memref<80xi32, #tpu.memory_space<vmem>>, vector<16xi32>,
      %swap3A_345 = vector.shape_cast %swap3A_344 : vector<16xi32> to vector<16xi32>
      %swap3A_346 = vector.shape_cast %and3A_342 : vector<16xi32> to vector<16xi32>
      tpu.vector_store %arg11[%swap3A_343], %swap3A_346 {strides = array<i32>} : memref<80xi32, #tpu.memory_space<vmem>>, vector<16xi32>,
      %shift_right_logical3A_347 = arith.constant 16 : i32
      %shift_right_logical3A_348 = vector.broadcast %shift_right_logical3A_347 : i32 to vector<16xi32>
      %shift_right_logical3A_349 = arith.shrui %get3A_339, %shift_right_logical3A_348 : vector<16xi32>
      %swap3A_350 = arith.constant 16 : index
      %swap3A_351 = tpu.vector_load %arg13[%swap3A_350] {strides = array<i32>} : memref<80xi32, #tpu.memory_space<vmem>>, vector<16xi32>,
      %swap3A_352 = vector.shape_cast %swap3A_351 : vector<16xi32> to vector<16xi32>
      %swap3A_353 = vector.shape_cast %shift_right_logical3A_349 : vector<16xi32> to vector<16xi32>
      tpu.vector_store %arg13[%swap3A_350], %swap3A_353 {strides = array<i32>} : memref<80xi32, #tpu.memory_space<vmem>>, vector<16xi32>,
      %get3A_354 = arith.index_cast %add3A_317 : i32 to index
      %get3A_355 = arith.constant 32 : index
      %get3A_356 = tpu.vector_load %arg7[%get3A_354, %get3A_355] {strides = array<i32>} : memref<128x80xi32, #tpu.memory_space<vmem>>, vector<1x16xi32>,
      %get3A_357 = vector.shape_cast %get3A_356 : vector<1x16xi32> to vector<16xi32>
      %and3A_358 = arith.constant 65535 : i32
      %and3A_359 = vector.broadcast %and3A_358 : i32 to vector<16xi32>
      %and3A_360 = arith.andi %get3A_357, %and3A_359 : vector<16xi32>
      %swap3A_361 = arith.constant 32 : index
      %swap3A_362 = tpu.vector_load %arg11[%swap3A_361] {strides = array<i32>} : memref<80xi32, #tpu.memory_space<vmem>>, vector<16xi32>,
      %swap3A_363 = vector.shape_cast %swap3A_362 : vector<16xi32> to vector<16xi32>
      %swap3A_364 = vector.shape_cast %and3A_360 : vector<16xi32> to vector<16xi32>
      tpu.vector_store %arg11[%swap3A_361], %swap3A_364 {strides = array<i32>} : memref<80xi32, #tpu.memory_space<vmem>>, vector<16xi32>,
      %shift_right_logical3A_365 = arith.constant 16 : i32
      %shift_right_logical3A_366 = vector.broadcast %shift_right_logical3A_365 : i32 to vector<16xi32>
      %shift_right_logical3A_367 = arith.shrui %get3A_357, %shift_right_logical3A_366 : vector<16xi32>
      %swap3A_368 = arith.constant 32 : index
      %swap3A_369 = tpu.vector_load %arg13[%swap3A_368] {strides = array<i32>} : memref<80xi32, #tpu.memory_space<vmem>>, vector<16xi32>,
      %swap3A_370 = vector.shape_cast %swap3A_369 : vector<16xi32> to vector<16xi32>
      %swap3A_371 = vector.shape_cast %shift_right_logical3A_367 : vector<16xi32> to vector<16xi32>
      tpu.vector_store %arg13[%swap3A_368], %swap3A_371 {strides = array<i32>} : memref<80xi32, #tpu.memory_space<vmem>>, vector<16xi32>,
      %get3A_372 = arith.index_cast %add3A_317 : i32 to index
      %get3A_373 = arith.constant 48 : index
      %get3A_374 = tpu.vector_load %arg7[%get3A_372, %get3A_373] {strides = array<i32>} : memref<128x80xi32, #tpu.memory_space<vmem>>, vector<1x16xi32>,
      %get3A_375 = vector.shape_cast %get3A_374 : vector<1x16xi32> to vector<16xi32>
      %and3A_376 = arith.constant 65535 : i32
      %and3A_377 = vector.broadcast %and3A_376 : i32 to vector<16xi32>
      %and3A_378 = arith.andi %get3A_375, %and3A_377 : vector<16xi32>
      %swap3A_379 = arith.constant 48 : index
      %swap3A_380 = tpu.vector_load %arg11[%swap3A_379] {strides = array<i32>} : memref<80xi32, #tpu.memory_space<vmem>>, vector<16xi32>,
      %swap3A_381 = vector.shape_cast %swap3A_380 : vector<16xi32> to vector<16xi32>
      %swap3A_382 = vector.shape_cast %and3A_378 : vector<16xi32> to vector<16xi32>
      tpu.vector_store %arg11[%swap3A_379], %swap3A_382 {strides = array<i32>} : memref<80xi32, #tpu.memory_space<vmem>>, vector<16xi32>,
      %shift_right_logical3A_383 = arith.constant 16 : i32
      %shift_right_logical3A_384 = vector.broadcast %shift_right_logical3A_383 : i32 to vector<16xi32>
      %shift_right_logical3A_385 = arith.shrui %get3A_375, %shift_right_logical3A_384 : vector<16xi32>
      %swap3A_386 = arith.constant 48 : index
      %swap3A_387 = tpu.vector_load %arg13[%swap3A_386] {strides = array<i32>} : memref<80xi32, #tpu.memory_space<vmem>>, vector<16xi32>,
      %swap3A_388 = vector.shape_cast %swap3A_387 : vector<16xi32> to vector<16xi32>
      %swap3A_389 = vector.shape_cast %shift_right_logical3A_385 : vector<16xi32> to vector<16xi32>
      tpu.vector_store %arg13[%swap3A_386], %swap3A_389 {strides = array<i32>} : memref<80xi32, #tpu.memory_space<vmem>>, vector<16xi32>,
      %get3A_390 = arith.index_cast %add3A_317 : i32 to index
      %get3A_391 = arith.constant 64 : index
      %get3A_392 = tpu.vector_load %arg7[%get3A_390, %get3A_391] {strides = array<i32>} : memref<128x80xi32, #tpu.memory_space<vmem>>, vector<1x16xi32>,
      %get3A_393 = vector.shape_cast %get3A_392 : vector<1x16xi32> to vector<16xi32>
      %and3A_394 = arith.constant 65535 : i32
      %and3A_395 = vector.broadcast %and3A_394 : i32 to vector<16xi32>
      %and3A_396 = arith.andi %get3A_393, %and3A_395 : vector<16xi32>
      %swap3A_397 = arith.constant 64 : index
      %swap3A_398 = tpu.vector_load %arg11[%swap3A_397] {strides = array<i32>} : memref<80xi32, #tpu.memory_space<vmem>>, vector<16xi32>,
      %swap3A_399 = vector.shape_cast %swap3A_398 : vector<16xi32> to vector<16xi32>
      %swap3A_400 = vector.shape_cast %and3A_396 : vector<16xi32> to vector<16xi32>
      tpu.vector_store %arg11[%swap3A_397], %swap3A_400 {strides = array<i32>} : memref<80xi32, #tpu.memory_space<vmem>>, vector<16xi32>,
      %shift_right_logical3A_401 = arith.constant 16 : i32
      %shift_right_logical3A_402 = vector.broadcast %shift_right_logical3A_401 : i32 to vector<16xi32>
      %shift_right_logical3A_403 = arith.shrui %get3A_393, %shift_right_logical3A_402 : vector<16xi32>
      %swap3A_404 = arith.constant 64 : index
      %swap3A_405 = tpu.vector_load %arg13[%swap3A_404] {strides = array<i32>} : memref<80xi32, #tpu.memory_space<vmem>>, vector<16xi32>,
      %swap3A_406 = vector.shape_cast %swap3A_405 : vector<16xi32> to vector<16xi32>
      %swap3A_407 = vector.shape_cast %shift_right_logical3A_403 : vector<16xi32> to vector<16xi32>
      tpu.vector_store %arg13[%swap3A_404], %swap3A_407 {strides = array<i32>} : memref<80xi32, #tpu.memory_space<vmem>>, vector<16xi32>,
    }
    %scan3A_202 = arith.constant 62 : i32
    %dma_wait3A_203 = arith.constant 0 : i32
    %dma_wait3A_204 = arith.constant 0 : i32
    %dma_wait3A_205 = tpu.memref_slice %arg2[%dma_wait3A_203, %dma_wait3A_204] : memref<10000x128xf32, #tpu.memory_space<hbm>> -> memref<10000x128xf32, #tpu.memory_space<hbm>>
    tpu.wait_indirect_dma semaphore(%arg14 : memref<!tpu.dma_semaphore, #tpu.memory_space<semaphore_mem>>) src(%dma_wait3A_205 : memref<10000x128xf32, #tpu.memory_space<hbm>>) dst(%arg8 : memref<80x128xf32, #tpu.memory_space<vmem>>)
    "tpu.region"() ({
      %run_scoped3A = tpu.sem_alloc : memref<!tpu.dma_semaphore, #tpu.memory_space<semaphore_mem>>
      %dma_start3A_207 = arith.constant 0 : i32
      %dma_start3A_208 = arith.constant 0 : i32
      %dma_start3A_209 = tpu.memref_slice %arg6[%dma_start3A_207, %dma_start3A_208] : memref<10000x128xf32, #tpu.memory_space<vmem_shared>> -> memref<10000x128xf32, #tpu.memory_space<vmem_shared>>
      tpu.enqueue_indirect_dma source(%arg8 : memref<80x128xf32, #tpu.memory_space<vmem>>) target(%dma_start3A_209 : memref<10000x128xf32, #tpu.memory_space<vmem_shared>>) offsets(%arg12 : memref<80xi32, #tpu.memory_space<vmem>>) semaphore(%run_scoped3A : memref<!tpu.dma_semaphore, #tpu.memory_space<semaphore_mem>>) {add = true}
      %dma_wait3A_210 = arith.constant 0 : i32
      %dma_wait3A_211 = arith.constant 0 : i32
      %dma_wait3A_212 = tpu.memref_slice %arg6[%dma_wait3A_210, %dma_wait3A_211] : memref<10000x128xf32, #tpu.memory_space<vmem_shared>> -> memref<10000x128xf32, #tpu.memory_space<vmem_shared>>
      tpu.wait_indirect_dma semaphore(%run_scoped3A : memref<!tpu.dma_semaphore, #tpu.memory_space<semaphore_mem>>) src(%arg8 : memref<80x128xf32, #tpu.memory_space<vmem>>) dst(%dma_wait3A_212 : memref<10000x128xf32, #tpu.memory_space<vmem_shared>>)
      tpu.yield
    }) : () -> ()
    %barrier3A_206 = arith.constant 0 : index
    tpu.barrier barrier_id(%barrier3A_206)
    "tpu.region"() ({
      %run_scoped3A = tpu.sem_alloc : memref<!tpu.dma_semaphore, #tpu.memory_space<semaphore_mem>>
      %dma_start3A_207 = arith.constant 0 : i32
      %dma_start3A_208 = arith.constant 0 : i32
      %dma_start3A_209 = tpu.memref_slice %arg5[%arg0, %dma_start3A_207, %dma_start3A_208] : memref<2x10000x128xf32, #tpu.memory_space<hbm>> -> memref<1x10000x128xf32, #tpu.memory_space<hbm>>
      %dma_start3A_210 = tpu.memref_squeeze %dma_start3A_209 : memref<1x10000x128xf32, #tpu.memory_space<hbm>> -> memref<10000x128xf32, #tpu.memory_space<hbm>>
      %dma_start3A_211 = arith.constant 0 : i32
      %dma_start3A_212 = tpu.memref_slice %dma_start3A_210[%multiple_of3A, %dma_start3A_211] : memref<10000x128xf32, #tpu.memory_space<hbm>> -> memref<640x128xf32, #tpu.memory_space<hbm>>
      %dma_start3A_213 = arith.constant 0 : i32
      %dma_start3A_214 = tpu.memref_slice %arg6[%multiple_of3A, %dma_start3A_213] : memref<10000x128xf32, #tpu.memory_space<vmem_shared>> -> memref<640x128xf32, #tpu.memory_space<vmem_shared>>
      tpu.enqueue_dma source(%dma_start3A_214 : memref<640x128xf32, #tpu.memory_space<vmem_shared>>) target(%dma_start3A_212 : memref<640x128xf32, #tpu.memory_space<hbm>>) target_semaphore(%run_scoped3A : memref<!tpu.dma_semaphore, #tpu.memory_space<semaphore_mem>>)
      %dma_wait3A_215 = arith.constant 0 : i32
      %dma_wait3A_216 = arith.constant 0 : i32
      %dma_wait3A_217 = tpu.memref_slice %arg5[%arg0, %dma_wait3A_215, %dma_wait3A_216] : memref<2x10000x128xf32, #tpu.memory_space<hbm>> -> memref<1x10000x128xf32, #tpu.memory_space<hbm>>
      %dma_wait3A_218 = tpu.memref_squeeze %dma_wait3A_217 : memref<1x10000x128xf32, #tpu.memory_space<hbm>> -> memref<10000x128xf32, #tpu.memory_space<hbm>>
      %dma_wait3A_219 = arith.constant 0 : i32
      %dma_wait3A_220 = tpu.memref_slice %dma_wait3A_218[%multiple_of3A, %dma_wait3A_219] : memref<10000x128xf32, #tpu.memory_space<hbm>> -> memref<640x128xf32, #tpu.memory_space<hbm>>
      %dma_wait3A_221 = arith.constant 0 : i32
      %dma_wait3A_222 = tpu.memref_slice %arg6[%multiple_of3A, %dma_wait3A_221] : memref<10000x128xf32, #tpu.memory_space<vmem_shared>> -> memref<640x128xf32, #tpu.memory_space<vmem_shared>>
      tpu.wait_dma2 semaphore(%run_scoped3A : memref<!tpu.dma_semaphore, #tpu.memory_space<semaphore_mem>>) src(%dma_wait3A_222 : memref<640x128xf32, #tpu.memory_space<vmem_shared>>) dst(%dma_wait3A_220 : memref<640x128xf32, #tpu.memory_space<hbm>>)
      tpu.yield
    }) : () -> ()
    return
  }
}

module attributes {stable_mosaic.version = 14 : i64} {
  func.func @_tc_first_body(%arg0: memref<10000x128xf32, #tpu.memory_space<vmem>>, %arg1: memref<128x128xf32, #tpu.memory_space<vmem>>, %arg2: memref<128x128xf32, #tpu.memory_space<vmem>>, %arg3: memref<1x128xf32, #tpu.memory_space<vmem>>, %arg4: memref<10000x128xf32, #tpu.memory_space<vmem>>, %arg5: memref<10000x128xf32, #tpu.memory_space<vmem>>) attributes {dimension_semantics = [], scalar_prefetch = 0 : i64, scratch_operands = 0 : i64, tpu.core_type = #tpu.core_type<tc>} {
    %get3A = arith.constant 0 : index
    %get3A_0 = arith.constant 0 : index
    %get3A_1 = vector.load %arg0[%get3A, %get3A_0] : memref<10000x128xf32, #tpu.memory_space<vmem>>, vector<10000x128xf32>
    %get3A_2 = arith.constant 0 : index
    %get3A_3 = arith.constant 0 : index
    %get3A_4 = vector.load %arg1[%get3A_2, %get3A_3] : memref<128x128xf32, #tpu.memory_space<vmem>>, vector<128x128xf32>
    %dot_general3A = arith.constant dense<0.000000e+00> : vector<10000x128xf32>
    %dot_general3A_5 = tpu.matmul %get3A_1, %get3A_4, %dot_general3A {dimension_numbers = #tpu.dot_dimension_numbers<[1], [0], [0], [1], [0, 0, 1, 1], [], []>, transpose_lhs_hint = false} : vector<10000x128xf32>, vector<128x128xf32>, vector<10000x128xf32> -> vector<10000x128xf32>
    %swap3A = arith.constant 0 : index
    %swap3A_6 = arith.constant 0 : index
    %swap3A_7 = vector.load %arg4[%swap3A, %swap3A_6] : memref<10000x128xf32, #tpu.memory_space<vmem>>, vector<10000x128xf32>
    tpu.vector_store %arg4[%swap3A, %swap3A_6], %dot_general3A_5 {strides = array<i32>} : memref<10000x128xf32, #tpu.memory_space<vmem>>, vector<10000x128xf32>,
    %get3A_8 = arith.constant 0 : index
    %get3A_9 = arith.constant 0 : index
    %get3A_10 = vector.load %arg2[%get3A_8, %get3A_9] : memref<128x128xf32, #tpu.memory_space<vmem>>, vector<128x128xf32>
    %dot_general3A_11 = arith.constant dense<0.000000e+00> : vector<10000x128xf32>
    %dot_general3A_12 = tpu.matmul %get3A_1, %get3A_10, %dot_general3A_11 {dimension_numbers = #tpu.dot_dimension_numbers<[1], [0], [0], [1], [0, 0, 1, 1], [], []>, transpose_lhs_hint = false} : vector<10000x128xf32>, vector<128x128xf32>, vector<10000x128xf32> -> vector<10000x128xf32>
    %get3A_13 = arith.constant 0 : index
    %get3A_14 = arith.constant 0 : index
    %get3A_15 = vector.load %arg3[%get3A_13, %get3A_14] : memref<1x128xf32, #tpu.memory_space<vmem>>, vector<1x128xf32>
    %add3A = vector.broadcast %get3A_15 : vector<1x128xf32> to vector<10000x128xf32>
    %add3A_16 = arith.addf %dot_general3A_12, %add3A : vector<10000x128xf32>
    %swap3A_17 = arith.constant 0 : index
    %swap3A_18 = arith.constant 0 : index
    %swap3A_19 = vector.load %arg5[%swap3A_17, %swap3A_18] : memref<10000x128xf32, #tpu.memory_space<vmem>>, vector<10000x128xf32>
    tpu.vector_store %arg5[%swap3A_17, %swap3A_18], %add3A_16 {strides = array<i32>} : memref<10000x128xf32, #tpu.memory_space<vmem>>, vector<10000x128xf32>,
    return
  }
}

module attributes {stable_mosaic.version = 14 : i64} {
  func.func @_tc_mid_body(%arg0: memref<2x10000x128xf32, #tpu.memory_space<vmem>>, %arg1: memref<10000x128xf32, #tpu.memory_space<vmem>>, %arg2: memref<128x128xf32, #tpu.memory_space<vmem>>, %arg3: memref<128x128xf32, #tpu.memory_space<vmem>>, %arg4: memref<1x128xf32, #tpu.memory_space<vmem>>, %arg5: memref<10000x128xf32, #tpu.memory_space<vmem>>, %arg6: memref<10000x128xf32, #tpu.memory_space<vmem>>) attributes {dimension_semantics = [], scalar_prefetch = 0 : i64, scratch_operands = 0 : i64, tpu.core_type = #tpu.core_type<tc>} {
    %get3A = arith.constant 0 : index
    %get3A_0 = arith.constant 0 : index
    %get3A_1 = arith.constant 0 : index
    %get3A_2 = vector.load %arg0[%get3A, %get3A_0, %get3A_1] : memref<2x10000x128xf32, #tpu.memory_space<vmem>>, vector<1x10000x128xf32>
    %get3A_3 = vector.shape_cast %get3A_2 : vector<1x10000x128xf32> to vector<10000x128xf32>
    %get3A_4 = arith.constant 1 : index
    %get3A_5 = arith.constant 0 : index
    %get3A_6 = arith.constant 0 : index
    %get3A_7 = vector.load %arg0[%get3A_4, %get3A_5, %get3A_6] : memref<2x10000x128xf32, #tpu.memory_space<vmem>>, vector<1x10000x128xf32>
    %get3A_8 = vector.shape_cast %get3A_7 : vector<1x10000x128xf32> to vector<10000x128xf32>
    %add3A = arith.addf %get3A_3, %get3A_8 : vector<10000x128xf32>
    %get3A_9 = arith.constant 0 : index
    %get3A_10 = arith.constant 0 : index
    %get3A_11 = vector.load %arg1[%get3A_9, %get3A_10] : memref<10000x128xf32, #tpu.memory_space<vmem>>, vector<10000x128xf32>
    %add3A_12 = arith.addf %add3A, %get3A_11 : vector<10000x128xf32>
    %max3A = arith.constant 0.000000e+00 : f32
    %max3A_13 = vector.broadcast %max3A : f32 to vector<10000x128xf32>
    %max3A_14 = arith.maximumf %add3A_12, %max3A_13 : vector<10000x128xf32>
    %get3A_15 = arith.constant 0 : index
    %get3A_16 = arith.constant 0 : index
    %get3A_17 = vector.load %arg2[%get3A_15, %get3A_16] : memref<128x128xf32, #tpu.memory_space<vmem>>, vector<128x128xf32>
    %dot_general3A = arith.constant dense<0.000000e+00> : vector<10000x128xf32>
    %dot_general3A_18 = tpu.matmul %max3A_14, %get3A_17, %dot_general3A {dimension_numbers = #tpu.dot_dimension_numbers<[1], [0], [0], [1], [0, 0, 1, 1], [], []>, transpose_lhs_hint = false} : vector<10000x128xf32>, vector<128x128xf32>, vector<10000x128xf32> -> vector<10000x128xf32>
    %swap3A = arith.constant 0 : index
    %swap3A_19 = arith.constant 0 : index
    %swap3A_20 = vector.load %arg5[%swap3A, %swap3A_19] : memref<10000x128xf32, #tpu.memory_space<vmem>>, vector<10000x128xf32>
    tpu.vector_store %arg5[%swap3A, %swap3A_19], %dot_general3A_18 {strides = array<i32>} : memref<10000x128xf32, #tpu.memory_space<vmem>>, vector<10000x128xf32>,
    %get3A_21 = arith.constant 0 : index
    %get3A_22 = arith.constant 0 : index
    %get3A_23 = vector.load %arg3[%get3A_21, %get3A_22] : memref<128x128xf32, #tpu.memory_space<vmem>>, vector<128x128xf32>
    %dot_general3A_24 = arith.constant dense<0.000000e+00> : vector<10000x128xf32>
    %dot_general3A_25 = tpu.matmul %max3A_14, %get3A_23, %dot_general3A_24 {dimension_numbers = #tpu.dot_dimension_numbers<[1], [0], [0], [1], [0, 0, 1, 1], [], []>, transpose_lhs_hint = false} : vector<10000x128xf32>, vector<128x128xf32>, vector<10000x128xf32> -> vector<10000x128xf32>
    %get3A_26 = arith.constant 0 : index
    %get3A_27 = arith.constant 0 : index
    %get3A_28 = vector.load %arg4[%get3A_26, %get3A_27] : memref<1x128xf32, #tpu.memory_space<vmem>>, vector<1x128xf32>
    %add3A_29 = vector.broadcast %get3A_28 : vector<1x128xf32> to vector<10000x128xf32>
    %add3A_30 = arith.addf %dot_general3A_25, %add3A_29 : vector<10000x128xf32>
    %swap3A_31 = arith.constant 0 : index
    %swap3A_32 = arith.constant 0 : index
    %swap3A_33 = vector.load %arg6[%swap3A_31, %swap3A_32] : memref<10000x128xf32, #tpu.memory_space<vmem>>, vector<10000x128xf32>
    tpu.vector_store %arg6[%swap3A_31, %swap3A_32], %add3A_30 {strides = array<i32>} : memref<10000x128xf32, #tpu.memory_space<vmem>>, vector<10000x128xf32>,
    return
  }
}

module attributes {stable_mosaic.version = 14 : i64} {
  func.func @_tc_last_body(%arg0: memref<2x10000x128xf32, #tpu.memory_space<vmem>>, %arg1: memref<10000x128xf32, #tpu.memory_space<vmem>>, %arg2: memref<10000x128xf32, #tpu.memory_space<vmem>>) attributes {dimension_semantics = [], scalar_prefetch = 0 : i64, scratch_operands = 0 : i64, tpu.core_type = #tpu.core_type<tc>} {
    %get3A = arith.constant 0 : index
    %get3A_0 = arith.constant 0 : index
    %get3A_1 = arith.constant 0 : index
    %get3A_2 = vector.load %arg0[%get3A, %get3A_0, %get3A_1] : memref<2x10000x128xf32, #tpu.memory_space<vmem>>, vector<1x10000x128xf32>
    %get3A_3 = vector.shape_cast %get3A_2 : vector<1x10000x128xf32> to vector<10000x128xf32>
    %get3A_4 = arith.constant 1 : index
    %get3A_5 = arith.constant 0 : index
    %get3A_6 = arith.constant 0 : index
    %get3A_7 = vector.load %arg0[%get3A_4, %get3A_5, %get3A_6] : memref<2x10000x128xf32, #tpu.memory_space<vmem>>, vector<1x10000x128xf32>
    %get3A_8 = vector.shape_cast %get3A_7 : vector<1x10000x128xf32> to vector<10000x128xf32>
    %add3A = arith.addf %get3A_3, %get3A_8 : vector<10000x128xf32>
    %get3A_9 = arith.constant 0 : index
    %get3A_10 = arith.constant 0 : index
    %get3A_11 = vector.load %arg1[%get3A_9, %get3A_10] : memref<10000x128xf32, #tpu.memory_space<vmem>>, vector<10000x128xf32>
    %add3A_12 = arith.addf %add3A, %get3A_11 : vector<10000x128xf32>
    %swap3A = arith.constant 0 : index
    %swap3A_13 = arith.constant 0 : index
    %swap3A_14 = vector.load %arg2[%swap3A, %swap3A_13] : memref<10000x128xf32, #tpu.memory_space<vmem>>, vector<10000x128xf32>
    tpu.vector_store %arg2[%swap3A, %swap3A_13], %add3A_12 {strides = array<i32>} : memref<10000x128xf32, #tpu.memory_space<vmem>>, vector<10000x128xf32>,
    return
  }
}

</mosaic_0001>

<sc_bundles>
// kernel: kernel.12.cloned.1.call-start
scs
__scs_entry_jumppad:
0x0: {  	(pc) =	sbr.rel $0x88, $3  }
0x1: {  	(tag) =	ssettag $0x0;
	lr =	simm.s32 $0x1  }
0x2: {  	[smem:$0x3F96] =	sst lr;
	_ =	strace $0xD0000000  }
0x3: {  	_ = 	snop  }
0x4: {  	_ = 	snop  }
0x5: {  	_ = 	snop  }
0x6: {  	_ = 	snop  }
0x7: {  	_ = 	snop  }
__scs_overlays_trampoline_lowered:
0x8: {  	[smem:$0x3FA5] =	sst s0  }
0x9: {  	[smem:$0x3FA6] =	sst s1  }
0xa: {  	[smem:$0x3FA7] =	sst s2  }
0xb: {  	[smem:$0x3FA8] =	sst s3  }
0xc: {  	[smem:$0x3FA9] =	sst s4  }
0xd: {  	[smem:$0x3FAA] =	sst s5  }
0xe: {  	[smem:$0x3FAB] =	sst s6  }
0xf: {  	[smem:$0x3FAC] =	sst s7  }
0x10: {  	[smem:$0x3FAD] =	sst s8  }
0x11: {  	[smem:$0x3FAE] =	sst s9;
	s0 =	simm.s32 @!p0 $0x0  }
0x12: {  	s1 =	sld [smem:$0x3F94];
	s0 =	simm.s32 @p0 $0x1  }
0x13: {  	[smem:$0x3FAF] =	sst s0;
	s0 =	simm.s32 @!p1 $0x0  }
0x14: {  	s2 =	sld [smem:$0x3F93];
	s0 =	simm.s32 @p1 $0x1  }
0x15: {  	[smem:$0x3FB0] =	sst s0;
	s0 =	simm.s32 @!p2 $0x0  }
0x16: {  	s3 =	sld [smem:$0x3FDB];
	s0 =	simm.s32 @p2 $0x1  }
0x17: {  	s4 =	simm.s32 $0x1BF5;
	[smem:$0x3FB2] =	sst s0  }
0x18: {  	s0 =	sld [smem:$0x3F95];
	_ =	swait.ge [sflag:s4], $0x0  }
0x19: {  	s7 =	sld [smem:$0x3F96]  }
0x1a: {  	s8 =	sadd.s32 $0xFFFFE003, lr  }
0x1b: {  	s9 =	sadd.s32 $0xFFFFFEF7, lr;
	s5 =	simm.s32 $0xFFFFFFFF;
	p2 =	slt.u32 s8, $0xFFFFF086  }
0x1c: {  	p1 =	slt.u32 s9, $0xF7A;
	s5 =	simm.s32 @!p2 $0x0  }
0x1d: {  	s5 =	simm.s32 @p1 $0x1;
	p0 =	seq.s32 s7, s2  }
0x1e: {  	s7 =	smul.u32 @!p0 $0xF7A, s2;
	p2 =	seq.s32 @!p0 s5, $0x0  }
0x1f: {  	s9 =	smul.u32 $0xF7A, s1;
	s8 =	simm.s32 @!p0 $0x1BF5;
	p2 =	por !p2, p0  }
0x20: {  	[sflag:s8] =	ssyncset.s32 @!p0 $0xFFFFF086;
	s6 =	sadd.s32 @!p0 s3, s7;
	s7 =	simm.s32 @!p0 $0x108  }
0x21: {  	s3 =	sadd.s32 s3, s9;
	s6 =	sadd.s32 @!p0 $0x88, s6;
	s7 =	simm.s32 @p2 $0x1082  }
0x22: {  	[simem:s7], [sflag:s8] =	dma.local @!p0 [hbm:s6], $0xF7A  }
0x23: {  	s9 =	sor.u32 $0xD0000000, s2;
	s6 =	simm.s32 $0x108;
	_ =	swait.ge @!p0 [sflag:s8], $0x0  }
0x24: {  	s3 =	sadd.s32 $0x88, s3;
	s6 =	simm.s32 @!p1 $0x1082;
	[sflag:s4] =	ssyncset.s32 $0xFFFFF086  }
0x25: {  	[simem:s6], [sflag:s4] =	dma.local [hbm:s3], $0xF7A  }
0x26: {  	[smem:$0x3F96] =	sst s1;
	(tag) =	ssettag s2;
	_ =	strace s9  }
0x27: {  	s1 =	sld [smem:$0x3FA6]  }
0x28: {  	s2 =	sld [smem:$0x3FA7]  }
0x29: {  	s4 =	sld [smem:$0x3FA9]  }
0x2a: {  	p0 =	seq.s32 s5, $0x0;
	s5 =	sld [smem:$0x3FAA]  }
0x2b: {  	s6 =	sld [smem:$0x3FAB]  }
0x2c: {  	s7 =	sld [smem:$0x3FAC]  }
0x2d: {  	s3 =	simm.s32 $0x108;
	s8 =	sld [smem:$0x3FAD]  }
0x2e: {  	s3 =	simm.s32 @!p0 $0x1082;
	s9 =	sld [smem:$0x3FAE]  }
0x2f: {  	lr =	sadd.s32 s0, s3;
	s0 =	sld [smem:$0x3FA5]  }
0x30: {  	s3 =	sld [smem:$0x3FA8]  }
0x31: {  	[smem:$0x3FB1] =	sst s10  }
0x32: {  	s10 =	sld [smem:$0x3FAF];
	_ =	sdelay $0x3  }
0x33: {  	p0 =	seq.s32 s10, $0x1;
	s10 =	sld [smem:$0x3FB1];
	_ =	sdelay $0x3  }
0x34: {  	[smem:$0x3FB1] =	sst s10  }
0x35: {  	s10 =	sld [smem:$0x3FB0];
	_ =	sdelay $0x3  }
0x36: {  	p1 =	seq.s32 s10, $0x1;
	s10 =	sld [smem:$0x3FB1];
	_ =	sdelay $0x3  }
0x37: {  	[smem:$0x3FB1] =	sst s10  }
0x38: {  	s10 =	sld [smem:$0x3FB2]  }
0x39: {  	_ = 	snop;
	(pc) =	sbr.ind lr, $3  }
0x3a: {  	_ = 	snop  }
0x3b: {  	_ = 	snop  }
0x3c: {  	p2 =	seq.s32 s10, $0x1;
	s10 =	sld [smem:$0x3FB1]  }
0x3d: {  	_ =	shalt  }
0x3e: {  	_ =	shalt  }
0x3f: {  	_ =	shalt  }
0x40: {  	_ =	shalt  }
0x41: {  	_ =	shalt  }
0x42: {  	_ =	shalt  }
0x43: {  	_ =	shalt  }
0x44: {  	_ =	shalt  }
0x45: {  	_ =	shalt  }
0x46: {  	_ =	shalt  }
0x47: {  	_ =	shalt  }
0x48: {  	_ =	shalt  }
0x49: {  	_ =	shalt  }
0x4a: {  	_ =	shalt  }
0x4b: {  	_ =	shalt  }
0x4c: {  	_ =	shalt  }
0x4d: {  	_ =	shalt  }
0x4e: {  	_ =	shalt  }
0x4f: {  	_ =	shalt  }
0x50: {  	_ =	shalt  }
0x51: {  	_ =	shalt  }
0x52: {  	_ =	shalt  }
0x53: {  	_ =	shalt  }
0x54: {  	_ =	shalt  }
0x55: {  	_ =	shalt  }
0x56: {  	_ =	shalt  }
0x57: {  	_ =	shalt  }
0x58: {  	_ =	shalt  }
0x59: {  	_ =	shalt  }
0x5a: {  	_ =	shalt  }
0x5b: {  	_ =	shalt  }
0x5c: {  	_ =	shalt  }
0x5d: {  	_ =	shalt  }
0x5e: {  	_ =	shalt  }
0x5f: {  	_ =	shalt  }
0x60: {  	_ =	shalt  }
0x61: {  	_ =	shalt  }
0x62: {  	_ =	shalt  }
0x63: {  	_ =	shalt  }
0x64: {  	_ =	shalt  }
0x65: {  	_ =	shalt  }
0x66: {  	_ =	shalt  }
0x67: {  	_ =	shalt  }
0x68: {  	_ =	shalt  }
0x69: {  	_ =	shalt  }
0x6a: {  	_ =	shalt  }
0x6b: {  	_ =	shalt  }
0x6c: {  	_ =	shalt  }
0x6d: {  	_ =	shalt  }
0x6e: {  	_ =	shalt  }
0x6f: {  	_ =	shalt  }
0x70: {  	_ =	shalt  }
0x71: {  	_ =	shalt  }
0x72: {  	_ =	shalt  }
0x73: {  	_ =	shalt  }
0x74: {  	_ =	shalt  }
0x75: {  	_ =	shalt  }
0x76: {  	_ =	shalt  }
0x77: {  	_ =	shalt  }
0x78: {  	_ =	shalt  }
0x79: {  	_ =	shalt  }
0x7a: {  	_ =	shalt  }
0x7b: {  	_ =	shalt  }
0x7c: {  	_ =	shalt  }
0x7d: {  	_ =	shalt  }
0x7e: {  	_ =	shalt  }
0x7f: {  	_ =	shalt  }
0x80: {  	_ =	shalt  }
0x81: {  	_ =	shalt  }
0x82: {  	_ =	shalt  }
0x83: {  	_ =	shalt  }
0x84: {  	_ =	shalt  }
0x85: {  	_ =	shalt  }
0x86: {  	_ =	shalt  }
0x87: {  	_ =	shalt  }
.Lfunc_end0:
.L_simem_size_0:
called_computation.1_lowered:
.L_overlay_start_0:
0x88: {  	s2 =	sld [smem:$0x3FD9]  }
0x89: {  	s3 =	sld [smem:$0x3FFE];
	_ =	sdelay $0x1  }
0x8a: {  	s1 =	srdreg.scid  }
0x8b: {  	s0 =	sand.u32 $0x1, s1  }
0x8c: {  	s17 =	sshll.u32 s0, $0xA;
	s2 =	sadd.s32 s3, s2  }
0x8d: {  	s2 =	sadd.s32 s2, s17  }
0x8e: {  	[smem:$0x3FBD] =	sst s2  }
0x8f: {  	_ = 	snop  }
0x90: {  	s2 =	sld [smem:$0x3FD0];
	(tm) =	ssettm $0x1  }
0x91: {  	s18 =	sld [smem:$0x3FFB];
	_ =	sdelay $0x3  }
0x92: {  	_ =	strace s18  }
0x93: {  	s3 =	sld [smem:$0x3FFC];
	_ =	sdelay $0x3  }
0x94: {  	_ =	strace s3  }
0x95: {  	s3 =	sld [smem:$0x3FFD];
	_ =	sdelay $0x3  }
0x96: {  	_ =	strace s3  }
0x97: {  	_ =	strace $0x8FFFFFFF  }
0x98: {  	s19 =	sld [smem:$0x3FDB];
	_ =	sdelay $0x1  }
0x99: {  	s4 =	simm.s32 $_scs_section_size  }
0x9a: {  	s5 =	simm.s32 $_size__tile_overlayer_lowered;
	s6 =	simm.s32 $_tile_overlayer_lowered  }
0x9b: {  	s22 =	simm.s32 $0x1BFF;
	s21 =	sshll.u32 s6, $0x1;
	s3 =	sadd.s32 s4, s19  }
0x9c: {  	s7 =	simm.s32 $0x0;
	s20 =	sshll.u32 s5, $0x1;
	s5 =	sadd.s32 s21, s3  }
0x9d: {  	[timem:s7], [sflag:s22] =	dma.local [hbm:s5], s20  }
0x9e: {  	_ =	swait.ge [sflag:s22], s20  }
0x9f: {  	s4 =	ssub.s32 $0x0, s20;
	[sflag:s22] =	ssyncset.done $0x0  }
0xa0: {  	[sflag:s22] =	ssyncadd.s32 s4;
	_ =	sdelay $0x1  }
0xa1: {  	s23 =	simm.s32 $0x1B8B  }
0xa2: {  	_ =	swait.ge [sflag:s23], $0x1  }
0xa3: {  	[sflag:s23] =	ssyncset.done $0x0  }
0xa4: {  	s25 =	simm.s32 $0x1B8E;
	s24 =	sld [smem:$0x3FFE];
	[sflag:s23] =	ssyncadd.s32 $0xFFFFFFFF  }
0xa5: {  	s26 =	simm.s32 $execute0_lowered;
	[smem:$0x3FD2] =	sst s25  }
0xa6: {  	s5 =	sshll.u32 s26, $0x1;
	_ =	strace $0x80000049;
	[dreg:$0x1] =	wrdreg $0xFFFFFFFF  }
0xa7: {  	s28 =	simm.s32 $_size_execute0_lowered;
	s3 =	sadd.s32 s3, s5;
	[dreg:$0x0] =	wrdreg $0x0  }
0xa8: {  	s5 =	sshll.u32 s28, $0x1;
	[dreg:$0x2] =	wrdreg s3  }
0xa9: {  	[dreg:$0x3] =	wrdreg s5  }
0xaa: {  	[dreg:$0x4] =	wrdreg $0xC0  }
0xab: {  	_ =	task [dreg:s7], $0x5FFFF  }
0xac: {  	[dreg:$0x1] =	wrdreg $0xFFFFFFFF  }
0xad: {  	[dreg:$0x0] =	wrdreg $0x60  }
0xae: {  	[dreg:$0x2] =	wrdreg s2  }
0xaf: {  	[dreg:$0x3] =	wrdreg s24  }
0xb0: {  	[dreg:$0x4] =	wrdreg $0x0  }
0xb1: {  	[dreg:$0x5] =	wrdreg $0x9  }
0xb2: {  	_ =	task.clear_ibuf [dreg:s7], $0x6FFFF;
	_ =	strace $0x90000049  }
0xb3: {  	s29 =	simm.s32 $0x9;
	_ =	strace $0x8000004B  }
0xb4: {  	_ =	swait.ge [sflag:s29], $0x1  }
0xb5: {  	[sflag:s29] =	ssyncadd.s32 $0xFFFFFFFF  }
0xb6: {  	_ =	strace $0x9000004B  }
0xb7: {  	_ =	sfence  }
0xb8: {  	s30 =	sld [smem:$0x0];
	_ =	sdelay $0x2  }
0xb9: {  	s31 =	sshll.u32 s1, $0xD;
	s1 =	sshrl.u32 s1, $0x2  }
0xba: {  	s3 =	sand.u32 $0x4000, s31;
	s1 =	sadd.s32 s1, s30  }
0xbb: {  	s0 =	sor.u32 s3, s0;
	s1 =	sshll.u32 s1, $0x11  }
0xbc: {  	s0 =	sor.u32 s1, s0  }
0xbd: {  	s0 =	sadd.s32 $0x8F2B, s0  }
0xbe: {  	[sflag:s0] =	ssyncadd.remote.s32 $0x1  }
0xbf: {  	_ =	sfence.sel $0xFFFF  }
0xc0: {  	[dreg:$0x0] =	wrdreg $0xFFFFFFFF;
	(pc) =	sbr.abs _section_cstart, $3  }
0xc1: {  	[dreg:$0x1] =	wrdreg $0xFFFFFFFF  }
0xc2: {  	_ =	task.clear_ibuf [dreg:s7], $0x2FFFF;
	_ =	strace $0x9FFFFFFF  }
0xc3: {  	(tm) =	ssettm $0x7FFFFFFF  }
tec
execute0_lowered:
.L_overlay_start_1:
0x0: {  	(tag) =	ssettag $0x1  }
0x1: {  	s1 =	rddreg [dreg:$0x0]  }
0x2: {  	s5 =	rddreg [dreg:$0x1]  }
0x3: {  	s3 =	rddreg [dreg:$0x2]  }
0x4: {  	s0 =	rddreg [dreg:$0x3];
	s4 =	simm.s32 $0x0;
	s2 =	stileid.u32  }
0x5: {  	s6 =	srdreg.scid;
	s13 =	simm.s32 $0x1C880;
	s14 =	simm.s32 $0x17880  }
0x6: {  	s15 =	simm.s32 $0x3;
	s16 =	simm.s32 $0x1;
	s17 =	simm.s32 $0x1C900  }
0x7: {  	s18 =	simm.s32 $0x1A080;
	s19 =	simm.s32 $0x1C980;
	s20 =	simm.s32 $0x2  }
0x8: {  	s21 =	simm.s32 $0x1CA00;
	[smem:$0x7FF] =	sst s4;
	s7 =	smul.u32 $0x280, s2  }
0x9: {  	s6 =	sand.u32 $0x1, s6;
	p0 =	seq.s32 s2, $0xF;
	s30 =	sshll.u32 s2, $0xC  }
0xa: {  	s23 =	sshll.u32 s2, $0x6;
	_ =	strace $0x8000004A;
	s8 =	sshll.u32 s6, $0xB  }
0xb: {  	s9 =	smul.u32 $0x27100, s6;
	s6 =	ssub.s32 $0x2, s6;
	s7 =	simm.s32 @p0 $0x2490  }
0xc: {  	s8 =	sadd.s32 s8, s5;
	s28 =	sshrl.u32 s6, $0x1;
	s22 =	sshll.u32 s7, $0x4  }
0xd: {  	s9 =	sadd.s32 s9, s5;
	s11 =	ssub.s32 s6, s28;
	s29 =	sshll.u32 s7, $0x7  }
0xe: {  	s31 =	sadd.s32 s30, s8;
	s6 =	sor.u32 $0x1C03, s23;
	s23 =	sor.u32 $0x1C04, s23  }
0xf: {  	s10 =	sadd.s32 s22, s5;
	s12 =	sadd.s32 s29, s3;
	s7 =	sadd.s32 $0x2A00, s31  }
0x10: {  	s24 =	sadd.s32 $0x39C00, s9;
	s8 =	smax.u32 s11, $0x1;
	s11 =	simm.s32 $0x4  }
0x11: {  	s5 =	sadd.s32 $0x12A00, s10;
	s9 =	sshrl.u32 s12, $0x3;
	s10 =	simm.s32 $0x13880  }
0x12: {  	s12 =	simm.s32 $0x50;
	s22 =	sadd.s32 s22, s24;
	s24 =	simm.s32 $0x0  }
.LBB2_1:
0x13: {  	[spmem:s9], [sflag:s6] =	dma.local [hbm:s5], $0x2800  }
0x14: {  	[tilespmem:s10], [sflag:$0x4] =	stream.linear.gather [hbm4b:s7+s4], $0x3E80, $0x38;
	[tilespmem:$0x1CA80] =	vst v63  }
0x15: {  	_ =	swait.ge [sflag:s11], $0x3E80  }
0x16: {  	[sflag:s11] =	ssyncset.done $0x0  }
0x17: {  	[sflag:s11] =	ssyncadd.s32 $0xFFFFC180  }
0x18: {  	v0 =	vld [tilespmem:$0x13880];
	_ =	sdelay $0x1  }
0x19: {  	v1 =	vld [tilespmem:$0x13890];
	_ =	sdelay $0x1  }
0x1a: {  	v2 =	vld [tilespmem:$0x138A0]  }
0x1b: {  	v3 =	vand.u32 $0xFFFF, v0  }
0x1c: {  	v0 =	vshrl.u32 v0, $0x10;
	[tilespmem:$0x1C880] =	vst v3;
	v3 =	vld [tilespmem:$0x138B0]  }
0x1d: {  	[tilespmem:$0x1C980] =	vst v0;
	v0 =	vand.u32 $0xFFFF, v1  }
0x1e: {  	[tilespmem:$0x1C890] =	vst v0;
	v0 =	vshrl.u32 v1, $0x10;
	v1 =	vld [tilespmem:$0x138C0]  }
0x1f: {  	[tilespmem:$0x1C990] =	vst v0;
	v0 =	vand.u32 $0xFFFF, v2  }
0x20: {  	[tilespmem:$0x1C8A0] =	vst v0;
	v0 =	vshrl.u32 v2, $0x10;
	v2 =	vld [tilespmem:$0x13900]  }
0x21: {  	[tilespmem:$0x1C9A0] =	vst v0;
	v0 =	vand.u32 $0xFFFF, v3  }
0x22: {  	[tilespmem:$0x1C8B0] =	vst v0;
	v0 =	vshrl.u32 v3, $0x10;
	v3 =	vld [tilespmem:$0x13910]  }
0x23: {  	[tilespmem:$0x1C9B0] =	vst v0;
	v0 =	vand.u32 $0xFFFF, v1  }
0x24: {  	[tilespmem:$0x1C8C0] =	vst v0;
	v0 =	vshrl.u32 v1, $0x10;
	v1 =	vld [tilespmem:$0x13920]  }
0x25: {  	[tilespmem:$0x1C9C0] =	vst v0;
	v0 =	vand.u32 $0xFFFF, v2  }
0x26: {  	[tilespmem:$0x1C900] =	vst v0;
	v0 =	vshrl.u32 v2, $0x10;
	v2 =	vld [tilespmem:$0x13930]  }
0x27: {  	[tilespmem:$0x1CA00] =	vst v0;
	v0 =	vand.u32 $0xFFFF, v3  }
0x28: {  	[tilespmem:$0x1C910] =	vst v0;
	v0 =	vshrl.u32 v3, $0x10;
	v3 =	vld [tilespmem:$0x13940]  }
0x29: {  	[tilespmem:$0x1CA10] =	vst v0;
	v0 =	vand.u32 $0xFFFF, v1  }
0x2a: {  	[tilespmem:$0x1C920] =	vst v0;
	v0 =	vshrl.u32 v1, $0x10  }
0x2b: {  	[tilespmem:$0x1CA20] =	vst v0;
	v0 =	vand.u32 $0xFFFF, v2  }
0x2c: {  	[tilespmem:$0x1C930] =	vst v0;
	v0 =	vshrl.u32 v2, $0x10  }
0x2d: {  	[tilespmem:$0x1CA30] =	vst v0;
	v0 =	vand.u32 $0xFFFF, v3  }
0x2e: {  	[tilespmem:$0x1C940] =	vst v0;
	v0 =	vshrl.u32 v3, $0x10  }
0x2f: {  	[tilespmem:$0x1CA40] =	vst v0  }
0x30: {  	[tilespmem:s14], [sflag:$0x1] =	stream.indirect.gather [hbm4b:s1+s12], $0x80, s13, s12, $0xb8;
	[tilespmem:$0x1CA80] =	vst v63  }
0x31: {  	_ =	swait.ge [sflag:s15], $0x2800  }
0x32: {  	[sflag:s15] =	ssyncset.done $0x0  }
0x33: {  	[sflag:s15] =	ssyncadd.s32 $0xFFFFD800  }
0x34: {  	[bflag:$0x0] =	sbarrier.arrive $0xFFFF  }
0x35: {  	_ =	swait.ge [sflag:s16], $0x2800  }
0x36: {  	[sflag:s16] =	ssyncset.done $0x0  }
0x37: {  	[sflag:s16] =	ssyncadd.s32 $0xFFFFD800  }
0x38: {  	[tilespmem:s18], [sflag:$0x2] =	stream.indirect.gather [hbm4b:s1+s12], $0x80, s17, s12, $0xb8;
	[tilespmem:$0x1CA80] =	vst v63  }
0x39: {  	_ = 	snop  }
0x3a: {  	[spmem:s3] =	stream.indirect.scatter.add.f32 [tilespmem:s14], [sflag:$0x4], $0x80, s19, s12, $0xb8;
	[tilespmem:$0x1CA80] =	vst v63  }
0x3b: {  	_ =	swait.ge [sflag:s11], $0x2800  }
0x3c: {  	[sflag:s11] =	ssyncset.done $0x0  }
0x3d: {  	s25 =	simm.s32 $0x1C0;
	[sflag:s11] =	ssyncadd.s32 $0xFFFFD800  }
0x3e: {  	v0 =	vld [tilespmem:s25+$0x137C0];
	_ =	sdelay $0x4  }
0x3f: {  	v1 =	vand.u32 $0xFFFF, v0  }
0x40: {  	v0 =	vshrl.u32 v0, $0x10;
	[tilespmem:$0x1C880] =	vst v1  }
0x41: {  	[tilespmem:$0x1C980] =	vst v0  }
0x42: {  	v0 =	vld [tilespmem:s25+$0x137D0];
	_ =	sdelay $0x4  }
0x43: {  	v1 =	vand.u32 $0xFFFF, v0  }
0x44: {  	v0 =	vshrl.u32 v0, $0x10;
	[tilespmem:$0x1C890] =	vst v1  }
0x45: {  	[tilespmem:$0x1C990] =	vst v0  }
0x46: {  	v0 =	vld [tilespmem:s25+$0x137E0];
	_ =	sdelay $0x4  }
0x47: {  	v1 =	vand.u32 $0xFFFF, v0  }
0x48: {  	v0 =	vshrl.u32 v0, $0x10;
	[tilespmem:$0x1C8A0] =	vst v1  }
0x49: {  	[tilespmem:$0x1C9A0] =	vst v0  }
0x4a: {  	v0 =	vld [tilespmem:s25+$0x137F0];
	_ =	sdelay $0x4  }
0x4b: {  	v1 =	vand.u32 $0xFFFF, v0  }
0x4c: {  	v0 =	vshrl.u32 v0, $0x10;
	[tilespmem:$0x1C8B0] =	vst v1  }
0x4d: {  	[tilespmem:$0x1C9B0] =	vst v0  }
0x4e: {  	v0 =	vld [tilespmem:s25+$0x13800];
	_ =	sdelay $0x4  }
0x4f: {  	v1 =	vand.u32 $0xFFFF, v0  }
0x50: {  	v0 =	vshrl.u32 v0, $0x10;
	[tilespmem:$0x1C8C0] =	vst v1  }
0x51: {  	[tilespmem:$0x1C9C0] =	vst v0  }
0x52: {  	[tilespmem:s14], [sflag:$0x1] =	stream.indirect.gather [hbm4b:s1+s12], $0x80, s13, s12, $0xb8;
	[tilespmem:$0x1CA80] =	vst v63  }
0x53: {  	_ =	swait.ge [sflag:s20], $0x2800  }
0x54: {  	[sflag:s20] =	ssyncset.done $0x0  }
0x55: {  	[sflag:s20] =	ssyncadd.s32 $0xFFFFD800  }
0x56: {  	[spmem:s3] =	stream.indirect.scatter.add.f32 [tilespmem:s18], [sflag:$0x4], $0x80, s21, s12, $0xb8;
	[tilespmem:$0x1CA80] =	vst v63  }
0x57: {  	_ =	swait.ge [sflag:s11], $0x2800  }
0x58: {  	[sflag:s11] =	ssyncset.done $0x0  }
0x59: {  	[sflag:s11] =	ssyncadd.s32 $0xFFFFD800  }
0x5a: {  	v0 =	vld [tilespmem:s25+$0x13840];
	_ =	sdelay $0x4  }
0x5b: {  	v1 =	vand.u32 $0xFFFF, v0  }
0x5c: {  	v0 =	vshrl.u32 v0, $0x10;
	[tilespmem:$0x1C900] =	vst v1  }
0x5d: {  	[tilespmem:$0x1CA00] =	vst v0  }
0x5e: {  	v0 =	vld [tilespmem:s25+$0x13850];
	_ =	sdelay $0x4  }
0x5f: {  	v1 =	vand.u32 $0xFFFF, v0  }
0x60: {  	v0 =	vshrl.u32 v0, $0x10;
	[tilespmem:$0x1C910] =	vst v1  }
0x61: {  	[tilespmem:$0x1CA10] =	vst v0  }
0x62: {  	v0 =	vld [tilespmem:s25+$0x13860];
	_ =	sdelay $0x4  }
0x63: {  	v1 =	vand.u32 $0xFFFF, v0  }
0x64: {  	v0 =	vshrl.u32 v0, $0x10;
	[tilespmem:$0x1C920] =	vst v1  }
0x65: {  	[tilespmem:$0x1CA20] =	vst v0  }
0x66: {  	s26 =	simm.s32 $0xB00;
	v0 =	vld [tilespmem:s25+$0x13870]  }
.LBB2_2:
0x67: {  	_ =	sdelay $0x3  }
0x68: {  	p0 =	sne.s32 s26, $0xFB00;
	s28 =	smov.u32 s26;
	s26 =	sadd.s32 $0x400, s26;
	v1 =	vand.u32 $0xFFFF, v0;
	v0 =	vshrl.u32 v0, $0x10  }
0x69: {  	[tilespmem:$0x1C930] =	vst v1  }
0x6a: {  	[tilespmem:$0x1CA30] =	vst v0  }
0x6b: {  	v0 =	vld [tilespmem:s25+$0x13880];
	_ =	sdelay $0x4  }
0x6c: {  	v1 =	vand.u32 $0xFFFF, v0;
	v0 =	vshrl.u32 v0, $0x10  }
0x6d: {  	[tilespmem:$0x1C940] =	vst v1  }
0x6e: {  	[tilespmem:$0x1CA40] =	vst v0  }
0x6f: {  	_ =	swait.ge [sflag:s16], $0x2800  }
0x70: {  	[sflag:s16] =	ssyncset.done $0x0  }
0x71: {  	[sflag:s16] =	ssyncadd.s32 $0xFFFFD800  }
0x72: {  	[tilespmem:s18], [sflag:$0x2] =	stream.indirect.gather [hbm4b:s1+s12], $0x80, s17, s12, $0xb8;
	[tilespmem:$0x1CA80] =	vst v63  }
0x73: {  	_ = 	snop  }
0x74: {  	[spmem:s3] =	stream.indirect.scatter.add.f32 [tilespmem:s14], [sflag:$0x4], $0x80, s19, s12, $0xb8;
	[tilespmem:$0x1CA80] =	vst v63  }
0x75: {  	_ =	swait.ge [sflag:s11], $0x2800  }
0x76: {  	[sflag:s11] =	ssyncset.done $0x0  }
0x77: {  	s25 =	sshra.s32 s28, $0x2;
	[sflag:s11] =	ssyncadd.s32 $0xFFFFD800  }
0x78: {  	v0 =	vld [tilespmem:s25+$0x137C0];
	_ =	sdelay $0x4  }
0x79: {  	v1 =	vand.u32 $0xFFFF, v0;
	v0 =	vshrl.u32 v0, $0x10  }
0x7a: {  	[tilespmem:$0x1C880] =	vst v1  }
0x7b: {  	[tilespmem:$0x1C980] =	vst v0  }
0x7c: {  	v0 =	vld [tilespmem:s25+$0x137D0];
	_ =	sdelay $0x4  }
0x7d: {  	v1 =	vand.u32 $0xFFFF, v0;
	v0 =	vshrl.u32 v0, $0x10  }
0x7e: {  	[tilespmem:$0x1C890] =	vst v1  }
0x7f: {  	[tilespmem:$0x1C990] =	vst v0  }
0x80: {  	v0 =	vld [tilespmem:s25+$0x137E0];
	_ =	sdelay $0x4  }
0x81: {  	v1 =	vand.u32 $0xFFFF, v0;
	v0 =	vshrl.u32 v0, $0x10  }
0x82: {  	[tilespmem:$0x1C8A0] =	vst v1  }
0x83: {  	[tilespmem:$0x1C9A0] =	vst v0  }
0x84: {  	v0 =	vld [tilespmem:s25+$0x137F0];
	_ =	sdelay $0x4  }
0x85: {  	v1 =	vand.u32 $0xFFFF, v0;
	v0 =	vshrl.u32 v0, $0x10  }
0x86: {  	[tilespmem:$0x1C8B0] =	vst v1  }
0x87: {  	[tilespmem:$0x1C9B0] =	vst v0  }
0x88: {  	v0 =	vld [tilespmem:s25+$0x13800];
	_ =	sdelay $0x4  }
0x89: {  	v1 =	vand.u32 $0xFFFF, v0;
	v0 =	vshrl.u32 v0, $0x10  }
0x8a: {  	[tilespmem:$0x1C8C0] =	vst v1  }
0x8b: {  	[tilespmem:$0x1C9C0] =	vst v0  }
0x8c: {  	[tilespmem:s14], [sflag:$0x1] =	stream.indirect.gather [hbm4b:s1+s12], $0x80, s13, s12, $0xb8;
	[tilespmem:$0x1CA80] =	vst v63  }
0x8d: {  	_ =	swait.ge [sflag:s20], $0x2800  }
0x8e: {  	[sflag:s20] =	ssyncset.done $0x0  }
0x8f: {  	[sflag:s20] =	ssyncadd.s32 $0xFFFFD800  }
0x90: {  	[spmem:s3] =	stream.indirect.scatter.add.f32 [tilespmem:s18], [sflag:$0x4], $0x80, s21, s12, $0xb8;
	[tilespmem:$0x1CA80] =	vst v63  }
0x91: {  	_ =	swait.ge [sflag:s11], $0x2800  }
0x92: {  	[sflag:s11] =	ssyncset.done $0x0  }
0x93: {  	[sflag:s11] =	ssyncadd.s32 $0xFFFFD800  }
0x94: {  	v0 =	vld [tilespmem:s25+$0x13840];
	_ =	sdelay $0x4  }
0x95: {  	v1 =	vand.u32 $0xFFFF, v0;
	v0 =	vshrl.u32 v0, $0x10  }
0x96: {  	[tilespmem:$0x1C900] =	vst v1  }
0x97: {  	[tilespmem:$0x1CA00] =	vst v0  }
0x98: {  	v0 =	vld [tilespmem:s25+$0x13850];
	_ =	sdelay $0x4  }
0x99: {  	v1 =	vand.u32 $0xFFFF, v0;
	v0 =	vshrl.u32 v0, $0x10  }
0x9a: {  	[tilespmem:$0x1C910] =	vst v1  }
0x9b: {  	[tilespmem:$0x1CA10] =	vst v0  }
0x9c: {  	v0 =	vld [tilespmem:s25+$0x13860];
	_ =	sdelay $0x3  }
.Ltmp0:
0x9d: {  	(pc) =	sbr.rel @p0 .LBB2_2-.Ltmp0, $4  }
0x9e: {  	v1 =	vand.u32 $0xFFFF, v0;
	v0 =	vshrl.u32 v0, $0x10  }
0x9f: {  	[tilespmem:$0x1C920] =	vst v1  }
0xa0: {  	[tilespmem:$0x1CA20] =	vst v0  }
0xa1: {  	v0 =	vld [tilespmem:s25+$0x13870]  }
0xa2: {  	_ =	sdelay $0x3  }
0xa3: {  	v1 =	vand.u32 $0xFFFF, v0  }
0xa4: {  	v62 =	vshrl.u32 v0, $0x10;
	[tilespmem:$0x1C930] =	vst v1  }
0xa5: {  	[tilespmem:$0x1CA30] =	vst v62  }
0xa6: {  	v0 =	vld [tilespmem:s25+$0x13880];
	_ =	sdelay $0x4  }
0xa7: {  	v63 =	vand.u32 $0xFFFF, v0  }
0xa8: {  	v0 =	vshrl.u32 v0, $0x10;
	[tilespmem:$0x1C940] =	vst v63  }
0xa9: {  	[tilespmem:$0x1CA40] =	vst v0  }
0xaa: {  	_ =	swait.ge [sflag:s16], $0x2800  }
0xab: {  	[sflag:s16] =	ssyncset.done $0x0  }
0xac: {  	[sflag:s16] =	ssyncadd.s32 $0xFFFFD800  }
0xad: {  	[spmem:s3] =	stream.indirect.scatter.add.f32 [tilespmem:s14], [sflag:$0x4], $0x80, s19, s12, $0xb8;
	[tilespmem:$0x1CA80] =	vst v63  }
0xae: {  	_ =	swait.ge [sflag:s11], $0x2800  }
0xaf: {  	s24 =	sadd.s32 $0x1, s24;
	[sflag:s11] =	ssyncset.done $0x0  }
0xb0: {  	p0 =	sne.s32 s24, s8;
	[sflag:s11] =	ssyncadd.s32 $0xFFFFD800  }
.Ltmp1:
0xb1: {  	[bflag:$0x0] =	sbarrier.arrive $0xFFFF;
	(pc) =	sbr.rel @p0 .LBB2_1-.Ltmp1, $4  }
0xb2: {  	[hbm:s22], [sflag:s23] =	dma.local [spmem:s9], $0x2800  }
0xb3: {  	_ =	swait.ge [sflag:s11], $0x2800  }
0xb4: {  	[sflag:s11] =	ssyncset.done $0x0  }
0xb5: {  	[sflag:s11] =	ssyncadd.s32 $0xFFFFD800  }
0xb6: {  	_ =	sfence.sel $0x180000  }
0xb7: {  	[bflag:$0x0] =	sbarrier.arrive $0xFFFF  }
0xb8: {  	p0 =	sne.s32 s2, $0x0;
	_ =	strace $0x9000004A  }
0xb9: {  	s0 =	sadd.s32 @!p0 $0x100000, s0;
	[bflag:$0x2] =	sbarrier.arrive $0xFFFF  }
0xba: {  	[sflag:s0] =	ssyncadd.tile.s32 @!p0 $0x1;
	_ =	shalt  }
.Lfunc_end2:
_tile_overlayer_lowered:
.L_overlay_start_2:
0xbb: {  	(tag) =	ssettag $0x2  }
0xbc: {  	s0 =	rddreg [dreg:$0x0];
	s2 =	stileid.u32  }
0xbd: {  	s1 =	rddreg [dreg:$0x1];
	p0 =	sne.s32 s2, $0x0  }
0xbe: {  	s3 =	rddreg [dreg:$0x2];
	[bflag:$0x3] =	sbarrier.arrive $0xFFFF;
	s2 =	simm.s32 @!p0 $0x1C04  }
0xbf: {  	[timem:s3], [sflag:s2] =	dma.local @!p0 [hbm:s0], s1  }
0xc0: {  	s0 =	simm.s32 @!p0 $0x4  }
0xc1: {  	_ =	swait.ge @!p0 [sflag:s0], s1  }
0xc2: {  	s1 =	ssub.s32 @!p0 $0x0, s1;
	[sflag:s0] =	ssyncset.done @!p0 $0x0  }
0xc3: {  	[sflag:s0] =	ssyncadd.s32 @!p0 s1  }
0xc4: {  	[bflag:$0x3] =	sbarrier.arrive $0xFFFF  }
0xc5: {  	_ =	shalt  }

// kernel: kernel.15.cloned.1.call-start
scs
__scs_entry_jumppad:
0x0: {  	(pc) =	sbr.rel $0x88, $3  }
0x1: {  	(tag) =	ssettag $0x0;
	lr =	simm.s32 $0x1  }
0x2: {  	[smem:$0x3F96] =	sst lr;
	_ =	strace $0xD0000000  }
0x3: {  	_ = 	snop  }
0x4: {  	_ = 	snop  }
0x5: {  	_ = 	snop  }
0x6: {  	_ = 	snop  }
0x7: {  	_ = 	snop  }
__scs_overlays_trampoline_lowered:
0x8: {  	[smem:$0x3FA5] =	sst s0  }
0x9: {  	[smem:$0x3FA6] =	sst s1  }
0xa: {  	[smem:$0x3FA7] =	sst s2  }
0xb: {  	[smem:$0x3FA8] =	sst s3  }
0xc: {  	[smem:$0x3FA9] =	sst s4  }
0xd: {  	[smem:$0x3FAA] =	sst s5  }
0xe: {  	[smem:$0x3FAB] =	sst s6  }
0xf: {  	[smem:$0x3FAC] =	sst s7  }
0x10: {  	[smem:$0x3FAD] =	sst s8  }
0x11: {  	[smem:$0x3FAE] =	sst s9;
	s0 =	simm.s32 @!p0 $0x0  }
0x12: {  	s1 =	sld [smem:$0x3F94];
	s0 =	simm.s32 @p0 $0x1  }
0x13: {  	[smem:$0x3FAF] =	sst s0;
	s0 =	simm.s32 @!p1 $0x0  }
0x14: {  	s2 =	sld [smem:$0x3F93];
	s0 =	simm.s32 @p1 $0x1  }
0x15: {  	[smem:$0x3FB0] =	sst s0;
	s0 =	simm.s32 @!p2 $0x0  }
0x16: {  	s3 =	sld [smem:$0x3FDB];
	s0 =	simm.s32 @p2 $0x1  }
0x17: {  	s4 =	simm.s32 $0x1BF5;
	[smem:$0x3FB2] =	sst s0  }
0x18: {  	s0 =	sld [smem:$0x3F95];
	_ =	swait.ge [sflag:s4], $0x0  }
0x19: {  	s7 =	sld [smem:$0x3F96]  }
0x1a: {  	s8 =	sadd.s32 $0xFFFFE003, lr  }
0x1b: {  	s9 =	sadd.s32 $0xFFFFFEF7, lr;
	s5 =	simm.s32 $0xFFFFFFFF;
	p2 =	slt.u32 s8, $0xFFFFF086  }
0x1c: {  	p1 =	slt.u32 s9, $0xF7A;
	s5 =	simm.s32 @!p2 $0x0  }
0x1d: {  	s5 =	simm.s32 @p1 $0x1;
	p0 =	seq.s32 s7, s2  }
0x1e: {  	s7 =	smul.u32 @!p0 $0xF7A, s2;
	p2 =	seq.s32 @!p0 s5, $0x0  }
0x1f: {  	s9 =	smul.u32 $0xF7A, s1;
	s8 =	simm.s32 @!p0 $0x1BF5;
	p2 =	por !p2, p0  }
0x20: {  	[sflag:s8] =	ssyncset.s32 @!p0 $0xFFFFF086;
	s6 =	sadd.s32 @!p0 s3, s7;
	s7 =	simm.s32 @!p0 $0x108  }
0x21: {  	s3 =	sadd.s32 s3, s9;
	s6 =	sadd.s32 @!p0 $0x88, s6;
	s7 =	simm.s32 @p2 $0x1082  }
0x22: {  	[simem:s7], [sflag:s8] =	dma.local @!p0 [hbm:s6], $0xF7A  }
0x23: {  	s9 =	sor.u32 $0xD0000000, s2;
	s6 =	simm.s32 $0x108;
	_ =	swait.ge @!p0 [sflag:s8], $0x0  }
0x24: {  	s3 =	sadd.s32 $0x88, s3;
	s6 =	simm.s32 @!p1 $0x1082;
	[sflag:s4] =	ssyncset.s32 $0xFFFFF086  }
0x25: {  	[simem:s6], [sflag:s4] =	dma.local [hbm:s3], $0xF7A  }
0x26: {  	[smem:$0x3F96] =	sst s1;
	(tag) =	ssettag s2;
	_ =	strace s9  }
0x27: {  	s1 =	sld [smem:$0x3FA6]  }
0x28: {  	s2 =	sld [smem:$0x3FA7]  }
0x29: {  	s4 =	sld [smem:$0x3FA9]  }
0x2a: {  	p0 =	seq.s32 s5, $0x0;
	s5 =	sld [smem:$0x3FAA]  }
0x2b: {  	s6 =	sld [smem:$0x3FAB]  }
0x2c: {  	s7 =	sld [smem:$0x3FAC]  }
0x2d: {  	s3 =	simm.s32 $0x108;
	s8 =	sld [smem:$0x3FAD]  }
0x2e: {  	s3 =	simm.s32 @!p0 $0x1082;
	s9 =	sld [smem:$0x3FAE]  }
0x2f: {  	lr =	sadd.s32 s0, s3;
	s0 =	sld [smem:$0x3FA5]  }
0x30: {  	s3 =	sld [smem:$0x3FA8]  }
0x31: {  	[smem:$0x3FB1] =	sst s10  }
0x32: {  	s10 =	sld [smem:$0x3FAF];
	_ =	sdelay $0x3  }
0x33: {  	p0 =	seq.s32 s10, $0x1;
	s10 =	sld [smem:$0x3FB1];
	_ =	sdelay $0x3  }
0x34: {  	[smem:$0x3FB1] =	sst s10  }
0x35: {  	s10 =	sld [smem:$0x3FB0];
	_ =	sdelay $0x3  }
0x36: {  	p1 =	seq.s32 s10, $0x1;
	s10 =	sld [smem:$0x3FB1];
	_ =	sdelay $0x3  }
0x37: {  	[smem:$0x3FB1] =	sst s10  }
0x38: {  	s10 =	sld [smem:$0x3FB2]  }
0x39: {  	_ = 	snop;
	(pc) =	sbr.ind lr, $3  }
0x3a: {  	_ = 	snop  }
0x3b: {  	_ = 	snop  }
0x3c: {  	p2 =	seq.s32 s10, $0x1;
	s10 =	sld [smem:$0x3FB1]  }
0x3d: {  	_ =	shalt  }
0x3e: {  	_ =	shalt  }
0x3f: {  	_ =	shalt  }
0x40: {  	_ =	shalt  }
0x41: {  	_ =	shalt  }
0x42: {  	_ =	shalt  }
0x43: {  	_ =	shalt  }
0x44: {  	_ =	shalt  }
0x45: {  	_ =	shalt  }
0x46: {  	_ =	shalt  }
0x47: {  	_ =	shalt  }
0x48: {  	_ =	shalt  }
0x49: {  	_ =	shalt  }
0x4a: {  	_ =	shalt  }
0x4b: {  	_ =	shalt  }
0x4c: {  	_ =	shalt  }
0x4d: {  	_ =	shalt  }
0x4e: {  	_ =	shalt  }
0x4f: {  	_ =	shalt  }
0x50: {  	_ =	shalt  }
0x51: {  	_ =	shalt  }
0x52: {  	_ =	shalt  }
0x53: {  	_ =	shalt  }
0x54: {  	_ =	shalt  }
0x55: {  	_ =	shalt  }
0x56: {  	_ =	shalt  }
0x57: {  	_ =	shalt  }
0x58: {  	_ =	shalt  }
0x59: {  	_ =	shalt  }
0x5a: {  	_ =	shalt  }
0x5b: {  	_ =	shalt  }
0x5c: {  	_ =	shalt  }
0x5d: {  	_ =	shalt  }
0x5e: {  	_ =	shalt  }
0x5f: {  	_ =	shalt  }
0x60: {  	_ =	shalt  }
0x61: {  	_ =	shalt  }
0x62: {  	_ =	shalt  }
0x63: {  	_ =	shalt  }
0x64: {  	_ =	shalt  }
0x65: {  	_ =	shalt  }
0x66: {  	_ =	shalt  }
0x67: {  	_ =	shalt  }
0x68: {  	_ =	shalt  }
0x69: {  	_ =	shalt  }
0x6a: {  	_ =	shalt  }
0x6b: {  	_ =	shalt  }
0x6c: {  	_ =	shalt  }
0x6d: {  	_ =	shalt  }
0x6e: {  	_ =	shalt  }
0x6f: {  	_ =	shalt  }
0x70: {  	_ =	shalt  }
0x71: {  	_ =	shalt  }
0x72: {  	_ =	shalt  }
0x73: {  	_ =	shalt  }
0x74: {  	_ =	shalt  }
0x75: {  	_ =	shalt  }
0x76: {  	_ =	shalt  }
0x77: {  	_ =	shalt  }
0x78: {  	_ =	shalt  }
0x79: {  	_ =	shalt  }
0x7a: {  	_ =	shalt  }
0x7b: {  	_ =	shalt  }
0x7c: {  	_ =	shalt  }
0x7d: {  	_ =	shalt  }
0x7e: {  	_ =	shalt  }
0x7f: {  	_ =	shalt  }
0x80: {  	_ =	shalt  }
0x81: {  	_ =	shalt  }
0x82: {  	_ =	shalt  }
0x83: {  	_ =	shalt  }
0x84: {  	_ =	shalt  }
0x85: {  	_ =	shalt  }
0x86: {  	_ =	shalt  }
0x87: {  	_ =	shalt  }
.Lfunc_end0:
.L_simem_size_0:
called_computation.2_lowered:
.L_overlay_start_0:
0x88: {  	s2 =	sld [smem:$0x3FD9]  }
0x89: {  	s3 =	sld [smem:$0x3FFE];
	_ =	sdelay $0x1  }
0x8a: {  	s1 =	srdreg.scid  }
0x8b: {  	s0 =	sand.u32 $0x1, s1  }
0x8c: {  	s17 =	sshll.u32 s0, $0xA;
	s2 =	sadd.s32 s3, s2  }
0x8d: {  	s2 =	sadd.s32 s2, s17  }
0x8e: {  	[smem:$0x3FBD] =	sst s2  }
0x8f: {  	_ = 	snop  }
0x90: {  	s2 =	sld [smem:$0x3FD0];
	(tm) =	ssettm $0x1  }
0x91: {  	s18 =	sld [smem:$0x3FFB];
	_ =	sdelay $0x3  }
0x92: {  	_ =	strace s18  }
0x93: {  	s3 =	sld [smem:$0x3FFC];
	_ =	sdelay $0x3  }
0x94: {  	_ =	strace s3  }
0x95: {  	s3 =	sld [smem:$0x3FFD];
	_ =	sdelay $0x3  }
0x96: {  	_ =	strace s3  }
0x97: {  	_ =	strace $0x8FFFFFFF  }
0x98: {  	s19 =	sld [smem:$0x3FDB];
	_ =	sdelay $0x1  }
0x99: {  	s4 =	simm.s32 $_scs_section_size  }
0x9a: {  	s5 =	simm.s32 $_size__tile_overlayer_lowered;
	s6 =	simm.s32 $_tile_overlayer_lowered  }
0x9b: {  	s22 =	simm.s32 $0x1BFF;
	s21 =	sshll.u32 s6, $0x1;
	s3 =	sadd.s32 s4, s19  }
0x9c: {  	s7 =	simm.s32 $0x0;
	s20 =	sshll.u32 s5, $0x1;
	s5 =	sadd.s32 s21, s3  }
0x9d: {  	[timem:s7], [sflag:s22] =	dma.local [hbm:s5], s20  }
0x9e: {  	_ =	swait.ge [sflag:s22], s20  }
0x9f: {  	s4 =	ssub.s32 $0x0, s20;
	[sflag:s22] =	ssyncset.done $0x0  }
0xa0: {  	[sflag:s22] =	ssyncadd.s32 s4;
	_ =	sdelay $0x1  }
0xa1: {  	s23 =	simm.s32 $0x1B8B  }
0xa2: {  	_ =	swait.ge [sflag:s23], $0x1  }
0xa3: {  	[sflag:s23] =	ssyncset.done $0x0  }
0xa4: {  	s25 =	simm.s32 $0x1B8E;
	s24 =	sld [smem:$0x3FFE];
	[sflag:s23] =	ssyncadd.s32 $0xFFFFFFFF  }
0xa5: {  	s26 =	simm.s32 $execute0_lowered;
	[smem:$0x3FD2] =	sst s25  }
0xa6: {  	s5 =	sshll.u32 s26, $0x1;
	_ =	strace $0x8000004C;
	[dreg:$0x1] =	wrdreg $0xFFFFFFFF  }
0xa7: {  	s28 =	simm.s32 $_size_execute0_lowered;
	s3 =	sadd.s32 s3, s5;
	[dreg:$0x0] =	wrdreg $0x0  }
0xa8: {  	s5 =	sshll.u32 s28, $0x1;
	[dreg:$0x2] =	wrdreg s3  }
0xa9: {  	[dreg:$0x3] =	wrdreg s5  }
0xaa: {  	[dreg:$0x4] =	wrdreg $0xC0  }
0xab: {  	_ =	task [dreg:s7], $0x5FFFF  }
0xac: {  	[dreg:$0x1] =	wrdreg $0xFFFFFFFF  }
0xad: {  	[dreg:$0x0] =	wrdreg $0x60  }
0xae: {  	[dreg:$0x2] =	wrdreg s2  }
0xaf: {  	[dreg:$0x3] =	wrdreg s24  }
0xb0: {  	[dreg:$0x4] =	wrdreg $0x0  }
0xb1: {  	[dreg:$0x5] =	wrdreg $0x9  }
0xb2: {  	_ =	task.clear_ibuf [dreg:s7], $0x6FFFF;
	_ =	strace $0x9000004C  }
0xb3: {  	s29 =	simm.s32 $0x9;
	_ =	strace $0x8000004E  }
0xb4: {  	_ =	swait.ge [sflag:s29], $0x1  }
0xb5: {  	[sflag:s29] =	ssyncadd.s32 $0xFFFFFFFF  }
0xb6: {  	_ =	strace $0x9000004E  }
0xb7: {  	_ =	sfence  }
0xb8: {  	s30 =	sld [smem:$0x0];
	_ =	sdelay $0x2  }
0xb9: {  	s31 =	sshll.u32 s1, $0xD;
	s1 =	sshrl.u32 s1, $0x2  }
0xba: {  	s3 =	sand.u32 $0x4000, s31;
	s1 =	sadd.s32 s1, s30  }
0xbb: {  	s0 =	sor.u32 s3, s0;
	s1 =	sshll.u32 s1, $0x11  }
0xbc: {  	s0 =	sor.u32 s1, s0  }
0xbd: {  	s0 =	sadd.s32 $0x8F2B, s0  }
0xbe: {  	[sflag:s0] =	ssyncadd.remote.s32 $0x1  }
0xbf: {  	_ =	sfence.sel $0xFFFF  }
0xc0: {  	[dreg:$0x0] =	wrdreg $0xFFFFFFFF;
	(pc) =	sbr.abs _section_cstart, $3  }
0xc1: {  	[dreg:$0x1] =	wrdreg $0xFFFFFFFF  }
0xc2: {  	_ =	task.clear_ibuf [dreg:s7], $0x2FFFF;
	_ =	strace $0x9FFFFFFF  }
0xc3: {  	(tm) =	ssettm $0x7FFFFFFF  }
tec
execute0_lowered:
.L_overlay_start_1:
0x0: {  	(tag) =	ssettag $0x1  }
0x1: {  	s1 =	rddreg [dreg:$0x0]  }
0x2: {  	s5 =	rddreg [dreg:$0x1]  }
0x3: {  	s3 =	rddreg [dreg:$0x2]  }
0x4: {  	s0 =	rddreg [dreg:$0x3];
	s4 =	simm.s32 $0x0;
	s2 =	stileid.u32  }
0x5: {  	s6 =	srdreg.scid;
	s13 =	simm.s32 $0x1C880;
	s14 =	simm.s32 $0x17880  }
0x6: {  	s15 =	simm.s32 $0x3;
	s16 =	simm.s32 $0x1;
	s17 =	simm.s32 $0x1C900  }
0x7: {  	s18 =	simm.s32 $0x1A080;
	s19 =	simm.s32 $0x1C980;
	s20 =	simm.s32 $0x2  }
0x8: {  	s21 =	simm.s32 $0x1CA00;
	[smem:$0x7FF] =	sst s4;
	s7 =	smul.u32 $0x280, s2  }
0x9: {  	s6 =	sand.u32 $0x1, s6;
	p0 =	seq.s32 s2, $0xF;
	s30 =	sshll.u32 s2, $0xC  }
0xa: {  	s23 =	sshll.u32 s2, $0x6;
	_ =	strace $0x8000004D;
	s8 =	sshll.u32 s6, $0xB  }
0xb: {  	s9 =	smul.u32 $0x27100, s6;
	s6 =	ssub.s32 $0x2, s6;
	s7 =	simm.s32 @p0 $0x2490  }
0xc: {  	s8 =	sadd.s32 s8, s5;
	s28 =	sshrl.u32 s6, $0x1;
	s22 =	sshll.u32 s7, $0x4  }
0xd: {  	s9 =	sadd.s32 s9, s5;
	s11 =	ssub.s32 s6, s28;
	s29 =	sshll.u32 s7, $0x7  }
0xe: {  	s31 =	sadd.s32 s30, s8;
	s6 =	sor.u32 $0x1C03, s23;
	s23 =	sor.u32 $0x1C04, s23  }
0xf: {  	s10 =	sadd.s32 s22, s5;
	s12 =	sadd.s32 s29, s3;
	s7 =	sadd.s32 $0x2A00, s31  }
0x10: {  	s24 =	sadd.s32 $0x39C00, s9;
	s8 =	smax.u32 s11, $0x1;
	s11 =	simm.s32 $0x4  }
0x11: {  	s5 =	sadd.s32 $0x12A00, s10;
	s9 =	sshrl.u32 s12, $0x3;
	s10 =	simm.s32 $0x13880  }
0x12: {  	s12 =	simm.s32 $0x50;
	s22 =	sadd.s32 s22, s24;
	s24 =	simm.s32 $0x0  }
.LBB2_1:
0x13: {  	[spmem:s9], [sflag:s6] =	dma.local [hbm:s5], $0x2800  }
0x14: {  	[tilespmem:s10], [sflag:$0x4] =	stream.linear.gather [hbm4b:s7+s4], $0x3E80, $0x38;
	[tilespmem:$0x1CA80] =	vst v63  }
0x15: {  	_ =	swait.ge [sflag:s11], $0x3E80  }
0x16: {  	[sflag:s11] =	ssyncset.done $0x0  }
0x17: {  	[sflag:s11] =	ssyncadd.s32 $0xFFFFC180  }
0x18: {  	v0 =	vld [tilespmem:$0x13880];
	_ =	sdelay $0x1  }
0x19: {  	v1 =	vld [tilespmem:$0x13890];
	_ =	sdelay $0x1  }
0x1a: {  	v2 =	vld [tilespmem:$0x138A0]  }
0x1b: {  	v3 =	vand.u32 $0xFFFF, v0  }
0x1c: {  	v0 =	vshrl.u32 v0, $0x10;
	[tilespmem:$0x1C880] =	vst v3;
	v3 =	vld [tilespmem:$0x138B0]  }
0x1d: {  	[tilespmem:$0x1C980] =	vst v0;
	v0 =	vand.u32 $0xFFFF, v1  }
0x1e: {  	[tilespmem:$0x1C890] =	vst v0;
	v0 =	vshrl.u32 v1, $0x10;
	v1 =	vld [tilespmem:$0x138C0]  }
0x1f: {  	[tilespmem:$0x1C990] =	vst v0;
	v0 =	vand.u32 $0xFFFF, v2  }
0x20: {  	[tilespmem:$0x1C8A0] =	vst v0;
	v0 =	vshrl.u32 v2, $0x10;
	v2 =	vld [tilespmem:$0x13900]  }
0x21: {  	[tilespmem:$0x1C9A0] =	vst v0;
	v0 =	vand.u32 $0xFFFF, v3  }
0x22: {  	[tilespmem:$0x1C8B0] =	vst v0;
	v0 =	vshrl.u32 v3, $0x10;
	v3 =	vld [tilespmem:$0x13910]  }
0x23: {  	[tilespmem:$0x1C9B0] =	vst v0;
	v0 =	vand.u32 $0xFFFF, v1  }
0x24: {  	[tilespmem:$0x1C8C0] =	vst v0;
	v0 =	vshrl.u32 v1, $0x10;
	v1 =	vld [tilespmem:$0x13920]  }
0x25: {  	[tilespmem:$0x1C9C0] =	vst v0;
	v0 =	vand.u32 $0xFFFF, v2  }
0x26: {  	[tilespmem:$0x1C900] =	vst v0;
	v0 =	vshrl.u32 v2, $0x10;
	v2 =	vld [tilespmem:$0x13930]  }
0x27: {  	[tilespmem:$0x1CA00] =	vst v0;
	v0 =	vand.u32 $0xFFFF, v3  }
0x28: {  	[tilespmem:$0x1C910] =	vst v0;
	v0 =	vshrl.u32 v3, $0x10;
	v3 =	vld [tilespmem:$0x13940]  }
0x29: {  	[tilespmem:$0x1CA10] =	vst v0;
	v0 =	vand.u32 $0xFFFF, v1  }
0x2a: {  	[tilespmem:$0x1C920] =	vst v0;
	v0 =	vshrl.u32 v1, $0x10  }
0x2b: {  	[tilespmem:$0x1CA20] =	vst v0;
	v0 =	vand.u32 $0xFFFF, v2  }
0x2c: {  	[tilespmem:$0x1C930] =	vst v0;
	v0 =	vshrl.u32 v2, $0x10  }
0x2d: {  	[tilespmem:$0x1CA30] =	vst v0;
	v0 =	vand.u32 $0xFFFF, v3  }
0x2e: {  	[tilespmem:$0x1C940] =	vst v0;
	v0 =	vshrl.u32 v3, $0x10  }
0x2f: {  	[tilespmem:$0x1CA40] =	vst v0  }
0x30: {  	[tilespmem:s14], [sflag:$0x1] =	stream.indirect.gather [hbm4b:s1+s12], $0x80, s13, s12, $0xb8;
	[tilespmem:$0x1CA80] =	vst v63  }
0x31: {  	_ =	swait.ge [sflag:s15], $0x2800  }
0x32: {  	[sflag:s15] =	ssyncset.done $0x0  }
0x33: {  	[sflag:s15] =	ssyncadd.s32 $0xFFFFD800  }
0x34: {  	[bflag:$0x0] =	sbarrier.arrive $0xFFFF  }
0x35: {  	_ =	swait.ge [sflag:s16], $0x2800  }
0x36: {  	[sflag:s16] =	ssyncset.done $0x0  }
0x37: {  	[sflag:s16] =	ssyncadd.s32 $0xFFFFD800  }
0x38: {  	[tilespmem:s18], [sflag:$0x2] =	stream.indirect.gather [hbm4b:s1+s12], $0x80, s17, s12, $0xb8;
	[tilespmem:$0x1CA80] =	vst v63  }
0x39: {  	_ = 	snop  }
0x3a: {  	[spmem:s3] =	stream.indirect.scatter.add.f32 [tilespmem:s14], [sflag:$0x4], $0x80, s19, s12, $0xb8;
	[tilespmem:$0x1CA80] =	vst v63  }
0x3b: {  	_ =	swait.ge [sflag:s11], $0x2800  }
0x3c: {  	[sflag:s11] =	ssyncset.done $0x0  }
0x3d: {  	s25 =	simm.s32 $0x1C0;
	[sflag:s11] =	ssyncadd.s32 $0xFFFFD800  }
0x3e: {  	v0 =	vld [tilespmem:s25+$0x137C0];
	_ =	sdelay $0x4  }
0x3f: {  	v1 =	vand.u32 $0xFFFF, v0  }
0x40: {  	v0 =	vshrl.u32 v0, $0x10;
	[tilespmem:$0x1C880] =	vst v1  }
0x41: {  	[tilespmem:$0x1C980] =	vst v0  }
0x42: {  	v0 =	vld [tilespmem:s25+$0x137D0];
	_ =	sdelay $0x4  }
0x43: {  	v1 =	vand.u32 $0xFFFF, v0  }
0x44: {  	v0 =	vshrl.u32 v0, $0x10;
	[tilespmem:$0x1C890] =	vst v1  }
0x45: {  	[tilespmem:$0x1C990] =	vst v0  }
0x46: {  	v0 =	vld [tilespmem:s25+$0x137E0];
	_ =	sdelay $0x4  }
0x47: {  	v1 =	vand.u32 $0xFFFF, v0  }
0x48: {  	v0 =	vshrl.u32 v0, $0x10;
	[tilespmem:$0x1C8A0] =	vst v1  }
0x49: {  	[tilespmem:$0x1C9A0] =	vst v0  }
0x4a: {  	v0 =	vld [tilespmem:s25+$0x137F0];
	_ =	sdelay $0x4  }
0x4b: {  	v1 =	vand.u32 $0xFFFF, v0  }
0x4c: {  	v0 =	vshrl.u32 v0, $0x10;
	[tilespmem:$0x1C8B0] =	vst v1  }
0x4d: {  	[tilespmem:$0x1C9B0] =	vst v0  }
0x4e: {  	v0 =	vld [tilespmem:s25+$0x13800];
	_ =	sdelay $0x4  }
0x4f: {  	v1 =	vand.u32 $0xFFFF, v0  }
0x50: {  	v0 =	vshrl.u32 v0, $0x10;
	[tilespmem:$0x1C8C0] =	vst v1  }
0x51: {  	[tilespmem:$0x1C9C0] =	vst v0  }
0x52: {  	[tilespmem:s14], [sflag:$0x1] =	stream.indirect.gather [hbm4b:s1+s12], $0x80, s13, s12, $0xb8;
	[tilespmem:$0x1CA80] =	vst v63  }
0x53: {  	_ =	swait.ge [sflag:s20], $0x2800  }
0x54: {  	[sflag:s20] =	ssyncset.done $0x0  }
0x55: {  	[sflag:s20] =	ssyncadd.s32 $0xFFFFD800  }
0x56: {  	[spmem:s3] =	stream.indirect.scatter.add.f32 [tilespmem:s18], [sflag:$0x4], $0x80, s21, s12, $0xb8;
	[tilespmem:$0x1CA80] =	vst v63  }
0x57: {  	_ =	swait.ge [sflag:s11], $0x2800  }
0x58: {  	[sflag:s11] =	ssyncset.done $0x0  }
0x59: {  	[sflag:s11] =	ssyncadd.s32 $0xFFFFD800  }
0x5a: {  	v0 =	vld [tilespmem:s25+$0x13840];
	_ =	sdelay $0x4  }
0x5b: {  	v1 =	vand.u32 $0xFFFF, v0  }
0x5c: {  	v0 =	vshrl.u32 v0, $0x10;
	[tilespmem:$0x1C900] =	vst v1  }
0x5d: {  	[tilespmem:$0x1CA00] =	vst v0  }
0x5e: {  	v0 =	vld [tilespmem:s25+$0x13850];
	_ =	sdelay $0x4  }
0x5f: {  	v1 =	vand.u32 $0xFFFF, v0  }
0x60: {  	v0 =	vshrl.u32 v0, $0x10;
	[tilespmem:$0x1C910] =	vst v1  }
0x61: {  	[tilespmem:$0x1CA10] =	vst v0  }
0x62: {  	v0 =	vld [tilespmem:s25+$0x13860];
	_ =	sdelay $0x4  }
0x63: {  	v1 =	vand.u32 $0xFFFF, v0  }
0x64: {  	v0 =	vshrl.u32 v0, $0x10;
	[tilespmem:$0x1C920] =	vst v1  }
0x65: {  	[tilespmem:$0x1CA20] =	vst v0  }
0x66: {  	s26 =	simm.s32 $0xB00;
	v0 =	vld [tilespmem:s25+$0x13870]  }
.LBB2_2:
0x67: {  	_ =	sdelay $0x3  }
0x68: {  	p0 =	sne.s32 s26, $0xFB00;
	s28 =	smov.u32 s26;
	s26 =	sadd.s32 $0x400, s26;
	v1 =	vand.u32 $0xFFFF, v0;
	v0 =	vshrl.u32 v0, $0x10  }
0x69: {  	[tilespmem:$0x1C930] =	vst v1  }
0x6a: {  	[tilespmem:$0x1CA30] =	vst v0  }
0x6b: {  	v0 =	vld [tilespmem:s25+$0x13880];
	_ =	sdelay $0x4  }
0x6c: {  	v1 =	vand.u32 $0xFFFF, v0;
	v0 =	vshrl.u32 v0, $0x10  }
0x6d: {  	[tilespmem:$0x1C940] =	vst v1  }
0x6e: {  	[tilespmem:$0x1CA40] =	vst v0  }
0x6f: {  	_ =	swait.ge [sflag:s16], $0x2800  }
0x70: {  	[sflag:s16] =	ssyncset.done $0x0  }
0x71: {  	[sflag:s16] =	ssyncadd.s32 $0xFFFFD800  }
0x72: {  	[tilespmem:s18], [sflag:$0x2] =	stream.indirect.gather [hbm4b:s1+s12], $0x80, s17, s12, $0xb8;
	[tilespmem:$0x1CA80] =	vst v63  }
0x73: {  	_ = 	snop  }
0x74: {  	[spmem:s3] =	stream.indirect.scatter.add.f32 [tilespmem:s14], [sflag:$0x4], $0x80, s19, s12, $0xb8;
	[tilespmem:$0x1CA80] =	vst v63  }
0x75: {  	_ =	swait.ge [sflag:s11], $0x2800  }
0x76: {  	[sflag:s11] =	ssyncset.done $0x0  }
0x77: {  	s25 =	sshra.s32 s28, $0x2;
	[sflag:s11] =	ssyncadd.s32 $0xFFFFD800  }
0x78: {  	v0 =	vld [tilespmem:s25+$0x137C0];
	_ =	sdelay $0x4  }
0x79: {  	v1 =	vand.u32 $0xFFFF, v0;
	v0 =	vshrl.u32 v0, $0x10  }
0x7a: {  	[tilespmem:$0x1C880] =	vst v1  }
0x7b: {  	[tilespmem:$0x1C980] =	vst v0  }
0x7c: {  	v0 =	vld [tilespmem:s25+$0x137D0];
	_ =	sdelay $0x4  }
0x7d: {  	v1 =	vand.u32 $0xFFFF, v0;
	v0 =	vshrl.u32 v0, $0x10  }
0x7e: {  	[tilespmem:$0x1C890] =	vst v1  }
0x7f: {  	[tilespmem:$0x1C990] =	vst v0  }
0x80: {  	v0 =	vld [tilespmem:s25+$0x137E0];
	_ =	sdelay $0x4  }
0x81: {  	v1 =	vand.u32 $0xFFFF, v0;
	v0 =	vshrl.u32 v0, $0x10  }
0x82: {  	[tilespmem:$0x1C8A0] =	vst v1  }
0x83: {  	[tilespmem:$0x1C9A0] =	vst v0  }
0x84: {  	v0 =	vld [tilespmem:s25+$0x137F0];
	_ =	sdelay $0x4  }
0x85: {  	v1 =	vand.u32 $0xFFFF, v0;
	v0 =	vshrl.u32 v0, $0x10  }
0x86: {  	[tilespmem:$0x1C8B0] =	vst v1  }
0x87: {  	[tilespmem:$0x1C9B0] =	vst v0  }
0x88: {  	v0 =	vld [tilespmem:s25+$0x13800];
	_ =	sdelay $0x4  }
0x89: {  	v1 =	vand.u32 $0xFFFF, v0;
	v0 =	vshrl.u32 v0, $0x10  }
0x8a: {  	[tilespmem:$0x1C8C0] =	vst v1  }
0x8b: {  	[tilespmem:$0x1C9C0] =	vst v0  }
0x8c: {  	[tilespmem:s14], [sflag:$0x1] =	stream.indirect.gather [hbm4b:s1+s12], $0x80, s13, s12, $0xb8;
	[tilespmem:$0x1CA80] =	vst v63  }
0x8d: {  	_ =	swait.ge [sflag:s20], $0x2800  }
0x8e: {  	[sflag:s20] =	ssyncset.done $0x0  }
0x8f: {  	[sflag:s20] =	ssyncadd.s32 $0xFFFFD800  }
0x90: {  	[spmem:s3] =	stream.indirect.scatter.add.f32 [tilespmem:s18], [sflag:$0x4], $0x80, s21, s12, $0xb8;
	[tilespmem:$0x1CA80] =	vst v63  }
0x91: {  	_ =	swait.ge [sflag:s11], $0x2800  }
0x92: {  	[sflag:s11] =	ssyncset.done $0x0  }
0x93: {  	[sflag:s11] =	ssyncadd.s32 $0xFFFFD800  }
0x94: {  	v0 =	vld [tilespmem:s25+$0x13840];
	_ =	sdelay $0x4  }
0x95: {  	v1 =	vand.u32 $0xFFFF, v0;
	v0 =	vshrl.u32 v0, $0x10  }
0x96: {  	[tilespmem:$0x1C900] =	vst v1  }
0x97: {  	[tilespmem:$0x1CA00] =	vst v0  }
0x98: {  	v0 =	vld [tilespmem:s25+$0x13850];
	_ =	sdelay $0x4  }
0x99: {  	v1 =	vand.u32 $0xFFFF, v0;
	v0 =	vshrl.u32 v0, $0x10  }
0x9a: {  	[tilespmem:$0x1C910] =	vst v1  }
0x9b: {  	[tilespmem:$0x1CA10] =	vst v0  }
0x9c: {  	v0 =	vld [tilespmem:s25+$0x13860];
	_ =	sdelay $0x3  }
.Ltmp0:
0x9d: {  	(pc) =	sbr.rel @p0 .LBB2_2-.Ltmp0, $4  }
0x9e: {  	v1 =	vand.u32 $0xFFFF, v0;
	v0 =	vshrl.u32 v0, $0x10  }
0x9f: {  	[tilespmem:$0x1C920] =	vst v1  }
0xa0: {  	[tilespmem:$0x1CA20] =	vst v0  }
0xa1: {  	v0 =	vld [tilespmem:s25+$0x13870]  }
0xa2: {  	_ =	sdelay $0x3  }
0xa3: {  	v1 =	vand.u32 $0xFFFF, v0  }
0xa4: {  	v62 =	vshrl.u32 v0, $0x10;
	[tilespmem:$0x1C930] =	vst v1  }
0xa5: {  	[tilespmem:$0x1CA30] =	vst v62  }
0xa6: {  	v0 =	vld [tilespmem:s25+$0x13880];
	_ =	sdelay $0x4  }
0xa7: {  	v63 =	vand.u32 $0xFFFF, v0  }
0xa8: {  	v0 =	vshrl.u32 v0, $0x10;
	[tilespmem:$0x1C940] =	vst v63  }
0xa9: {  	[tilespmem:$0x1CA40] =	vst v0  }
0xaa: {  	_ =	swait.ge [sflag:s16], $0x2800  }
0xab: {  	[sflag:s16] =	ssyncset.done $0x0  }
0xac: {  	[sflag:s16] =	ssyncadd.s32 $0xFFFFD800  }
0xad: {  	[spmem:s3] =	stream.indirect.scatter.add.f32 [tilespmem:s14], [sflag:$0x4], $0x80, s19, s12, $0xb8;
	[tilespmem:$0x1CA80] =	vst v63  }
0xae: {  	_ =	swait.ge [sflag:s11], $0x2800  }
0xaf: {  	s24 =	sadd.s32 $0x1, s24;
	[sflag:s11] =	ssyncset.done $0x0  }
0xb0: {  	p0 =	sne.s32 s24, s8;
	[sflag:s11] =	ssyncadd.s32 $0xFFFFD800  }
.Ltmp1:
0xb1: {  	[bflag:$0x0] =	sbarrier.arrive $0xFFFF;
	(pc) =	sbr.rel @p0 .LBB2_1-.Ltmp1, $4  }
0xb2: {  	[hbm:s22], [sflag:s23] =	dma.local [spmem:s9], $0x2800  }
0xb3: {  	_ =	swait.ge [sflag:s11], $0x2800  }
0xb4: {  	[sflag:s11] =	ssyncset.done $0x0  }
0xb5: {  	[sflag:s11] =	ssyncadd.s32 $0xFFFFD800  }
0xb6: {  	_ =	sfence.sel $0x180000  }
0xb7: {  	[bflag:$0x0] =	sbarrier.arrive $0xFFFF  }
0xb8: {  	p0 =	sne.s32 s2, $0x0;
	_ =	strace $0x9000004D  }
0xb9: {  	s0 =	sadd.s32 @!p0 $0x100000, s0;
	[bflag:$0x2] =	sbarrier.arrive $0xFFFF  }
0xba: {  	[sflag:s0] =	ssyncadd.tile.s32 @!p0 $0x1;
	_ =	shalt  }
.Lfunc_end2:
_tile_overlayer_lowered:
.L_overlay_start_2:
0xbb: {  	(tag) =	ssettag $0x2  }
0xbc: {  	s0 =	rddreg [dreg:$0x0];
	s2 =	stileid.u32  }
0xbd: {  	s1 =	rddreg [dreg:$0x1];
	p0 =	sne.s32 s2, $0x0  }
0xbe: {  	s3 =	rddreg [dreg:$0x2];
	[bflag:$0x3] =	sbarrier.arrive $0xFFFF;
	s2 =	simm.s32 @!p0 $0x1C04  }
0xbf: {  	[timem:s3], [sflag:s2] =	dma.local @!p0 [hbm:s0], s1  }
0xc0: {  	s0 =	simm.s32 @!p0 $0x4  }
0xc1: {  	_ =	swait.ge @!p0 [sflag:s0], s1  }
0xc2: {  	s1 =	ssub.s32 @!p0 $0x0, s1;
	[sflag:s0] =	ssyncset.done @!p0 $0x0  }
0xc3: {  	[sflag:s0] =	ssyncadd.s32 @!p0 s1  }
0xc4: {  	[bflag:$0x3] =	sbarrier.arrive $0xFFFF  }
0xc5: {  	_ =	shalt  }

// kernel: kernel.9.cloned.1.call-start
scs
__scs_entry_jumppad:
0x0: {  	(pc) =	sbr.rel $0x88, $3  }
0x1: {  	(tag) =	ssettag $0x0;
	lr =	simm.s32 $0x1  }
0x2: {  	[smem:$0x3F96] =	sst lr;
	_ =	strace $0xD0000000  }
0x3: {  	_ = 	snop  }
0x4: {  	_ = 	snop  }
0x5: {  	_ = 	snop  }
0x6: {  	_ = 	snop  }
0x7: {  	_ = 	snop  }
__scs_overlays_trampoline_lowered:
0x8: {  	[smem:$0x3FA5] =	sst s0  }
0x9: {  	[smem:$0x3FA6] =	sst s1  }
0xa: {  	[smem:$0x3FA7] =	sst s2  }
0xb: {  	[smem:$0x3FA8] =	sst s3  }
0xc: {  	[smem:$0x3FA9] =	sst s4  }
0xd: {  	[smem:$0x3FAA] =	sst s5  }
0xe: {  	[smem:$0x3FAB] =	sst s6  }
0xf: {  	[smem:$0x3FAC] =	sst s7  }
0x10: {  	[smem:$0x3FAD] =	sst s8  }
0x11: {  	[smem:$0x3FAE] =	sst s9;
	s0 =	simm.s32 @!p0 $0x0  }
0x12: {  	s1 =	sld [smem:$0x3F94];
	s0 =	simm.s32 @p0 $0x1  }
0x13: {  	[smem:$0x3FAF] =	sst s0;
	s0 =	simm.s32 @!p1 $0x0  }
0x14: {  	s2 =	sld [smem:$0x3F93];
	s0 =	simm.s32 @p1 $0x1  }
0x15: {  	[smem:$0x3FB0] =	sst s0;
	s0 =	simm.s32 @!p2 $0x0  }
0x16: {  	s3 =	sld [smem:$0x3FDB];
	s0 =	simm.s32 @p2 $0x1  }
0x17: {  	s4 =	simm.s32 $0x1BF5;
	[smem:$0x3FB2] =	sst s0  }
0x18: {  	s0 =	sld [smem:$0x3F95];
	_ =	swait.ge [sflag:s4], $0x0  }
0x19: {  	s7 =	sld [smem:$0x3F96]  }
0x1a: {  	s8 =	sadd.s32 $0xFFFFE003, lr  }
0x1b: {  	s9 =	sadd.s32 $0xFFFFFEF7, lr;
	s5 =	simm.s32 $0xFFFFFFFF;
	p2 =	slt.u32 s8, $0xFFFFF086  }
0x1c: {  	p1 =	slt.u32 s9, $0xF7A;
	s5 =	simm.s32 @!p2 $0x0  }
0x1d: {  	s5 =	simm.s32 @p1 $0x1;
	p0 =	seq.s32 s7, s2  }
0x1e: {  	s7 =	smul.u32 @!p0 $0xF7A, s2;
	p2 =	seq.s32 @!p0 s5, $0x0  }
0x1f: {  	s9 =	smul.u32 $0xF7A, s1;
	s8 =	simm.s32 @!p0 $0x1BF5;
	p2 =	por !p2, p0  }
0x20: {  	[sflag:s8] =	ssyncset.s32 @!p0 $0xFFFFF086;
	s6 =	sadd.s32 @!p0 s3, s7;
	s7 =	simm.s32 @!p0 $0x108  }
0x21: {  	s3 =	sadd.s32 s3, s9;
	s6 =	sadd.s32 @!p0 $0x88, s6;
	s7 =	simm.s32 @p2 $0x1082  }
0x22: {  	[simem:s7], [sflag:s8] =	dma.local @!p0 [hbm:s6], $0xF7A  }
0x23: {  	s9 =	sor.u32 $0xD0000000, s2;
	s6 =	simm.s32 $0x108;
	_ =	swait.ge @!p0 [sflag:s8], $0x0  }
0x24: {  	s3 =	sadd.s32 $0x88, s3;
	s6 =	simm.s32 @!p1 $0x1082;
	[sflag:s4] =	ssyncset.s32 $0xFFFFF086  }
0x25: {  	[simem:s6], [sflag:s4] =	dma.local [hbm:s3], $0xF7A  }
0x26: {  	[smem:$0x3F96] =	sst s1;
	(tag) =	ssettag s2;
	_ =	strace s9  }
0x27: {  	s1 =	sld [smem:$0x3FA6]  }
0x28: {  	s2 =	sld [smem:$0x3FA7]  }
0x29: {  	s4 =	sld [smem:$0x3FA9]  }
0x2a: {  	p0 =	seq.s32 s5, $0x0;
	s5 =	sld [smem:$0x3FAA]  }
0x2b: {  	s6 =	sld [smem:$0x3FAB]  }
0x2c: {  	s7 =	sld [smem:$0x3FAC]  }
0x2d: {  	s3 =	simm.s32 $0x108;
	s8 =	sld [smem:$0x3FAD]  }
0x2e: {  	s3 =	simm.s32 @!p0 $0x1082;
	s9 =	sld [smem:$0x3FAE]  }
0x2f: {  	lr =	sadd.s32 s0, s3;
	s0 =	sld [smem:$0x3FA5]  }
0x30: {  	s3 =	sld [smem:$0x3FA8]  }
0x31: {  	[smem:$0x3FB1] =	sst s10  }
0x32: {  	s10 =	sld [smem:$0x3FAF];
	_ =	sdelay $0x3  }
0x33: {  	p0 =	seq.s32 s10, $0x1;
	s10 =	sld [smem:$0x3FB1];
	_ =	sdelay $0x3  }
0x34: {  	[smem:$0x3FB1] =	sst s10  }
0x35: {  	s10 =	sld [smem:$0x3FB0];
	_ =	sdelay $0x3  }
0x36: {  	p1 =	seq.s32 s10, $0x1;
	s10 =	sld [smem:$0x3FB1];
	_ =	sdelay $0x3  }
0x37: {  	[smem:$0x3FB1] =	sst s10  }
0x38: {  	s10 =	sld [smem:$0x3FB2]  }
0x39: {  	_ = 	snop;
	(pc) =	sbr.ind lr, $3  }
0x3a: {  	_ = 	snop  }
0x3b: {  	_ = 	snop  }
0x3c: {  	p2 =	seq.s32 s10, $0x1;
	s10 =	sld [smem:$0x3FB1]  }
0x3d: {  	_ =	shalt  }
0x3e: {  	_ =	shalt  }
0x3f: {  	_ =	shalt  }
0x40: {  	_ =	shalt  }
0x41: {  	_ =	shalt  }
0x42: {  	_ =	shalt  }
0x43: {  	_ =	shalt  }
0x44: {  	_ =	shalt  }
0x45: {  	_ =	shalt  }
0x46: {  	_ =	shalt  }
0x47: {  	_ =	shalt  }
0x48: {  	_ =	shalt  }
0x49: {  	_ =	shalt  }
0x4a: {  	_ =	shalt  }
0x4b: {  	_ =	shalt  }
0x4c: {  	_ =	shalt  }
0x4d: {  	_ =	shalt  }
0x4e: {  	_ =	shalt  }
0x4f: {  	_ =	shalt  }
0x50: {  	_ =	shalt  }
0x51: {  	_ =	shalt  }
0x52: {  	_ =	shalt  }
0x53: {  	_ =	shalt  }
0x54: {  	_ =	shalt  }
0x55: {  	_ =	shalt  }
0x56: {  	_ =	shalt  }
0x57: {  	_ =	shalt  }
0x58: {  	_ =	shalt  }
0x59: {  	_ =	shalt  }
0x5a: {  	_ =	shalt  }
0x5b: {  	_ =	shalt  }
0x5c: {  	_ =	shalt  }
0x5d: {  	_ =	shalt  }
0x5e: {  	_ =	shalt  }
0x5f: {  	_ =	shalt  }
0x60: {  	_ =	shalt  }
0x61: {  	_ =	shalt  }
0x62: {  	_ =	shalt  }
0x63: {  	_ =	shalt  }
0x64: {  	_ =	shalt  }
0x65: {  	_ =	shalt  }
0x66: {  	_ =	shalt  }
0x67: {  	_ =	shalt  }
0x68: {  	_ =	shalt  }
0x69: {  	_ =	shalt  }
0x6a: {  	_ =	shalt  }
0x6b: {  	_ =	shalt  }
0x6c: {  	_ =	shalt  }
0x6d: {  	_ =	shalt  }
0x6e: {  	_ =	shalt  }
0x6f: {  	_ =	shalt  }
0x70: {  	_ =	shalt  }
0x71: {  	_ =	shalt  }
0x72: {  	_ =	shalt  }
0x73: {  	_ =	shalt  }
0x74: {  	_ =	shalt  }
0x75: {  	_ =	shalt  }
0x76: {  	_ =	shalt  }
0x77: {  	_ =	shalt  }
0x78: {  	_ =	shalt  }
0x79: {  	_ =	shalt  }
0x7a: {  	_ =	shalt  }
0x7b: {  	_ =	shalt  }
0x7c: {  	_ =	shalt  }
0x7d: {  	_ =	shalt  }
0x7e: {  	_ =	shalt  }
0x7f: {  	_ =	shalt  }
0x80: {  	_ =	shalt  }
0x81: {  	_ =	shalt  }
0x82: {  	_ =	shalt  }
0x83: {  	_ =	shalt  }
0x84: {  	_ =	shalt  }
0x85: {  	_ =	shalt  }
0x86: {  	_ =	shalt  }
0x87: {  	_ =	shalt  }
.Lfunc_end0:
.L_simem_size_0:
called_computation_lowered:
.L_overlay_start_0:
0x88: {  	s2 =	sld [smem:$0x3FD9]  }
0x89: {  	s3 =	sld [smem:$0x3FFE];
	_ =	sdelay $0x1  }
0x8a: {  	s1 =	srdreg.scid  }
0x8b: {  	s0 =	sand.u32 $0x1, s1  }
0x8c: {  	s17 =	sshll.u32 s0, $0xA;
	s2 =	sadd.s32 s3, s2  }
0x8d: {  	s2 =	sadd.s32 s2, s17  }
0x8e: {  	[smem:$0x3FBD] =	sst s2  }
0x8f: {  	_ = 	snop  }
0x90: {  	s2 =	sld [smem:$0x3FD0];
	(tm) =	ssettm $0x1  }
0x91: {  	s18 =	sld [smem:$0x3FFB];
	_ =	sdelay $0x3  }
0x92: {  	_ =	strace s18  }
0x93: {  	s3 =	sld [smem:$0x3FFC];
	_ =	sdelay $0x3  }
0x94: {  	_ =	strace s3  }
0x95: {  	s3 =	sld [smem:$0x3FFD];
	_ =	sdelay $0x3  }
0x96: {  	_ =	strace s3  }
0x97: {  	_ =	strace $0x8FFFFFFF  }
0x98: {  	s19 =	sld [smem:$0x3FDB];
	_ =	sdelay $0x1  }
0x99: {  	s4 =	simm.s32 $_scs_section_size  }
0x9a: {  	s5 =	simm.s32 $_size__tile_overlayer_lowered;
	s6 =	simm.s32 $_tile_overlayer_lowered  }
0x9b: {  	s22 =	simm.s32 $0x1BFF;
	s21 =	sshll.u32 s6, $0x1;
	s3 =	sadd.s32 s4, s19  }
0x9c: {  	s7 =	simm.s32 $0x0;
	s20 =	sshll.u32 s5, $0x1;
	s5 =	sadd.s32 s21, s3  }
0x9d: {  	[timem:s7], [sflag:s22] =	dma.local [hbm:s5], s20  }
0x9e: {  	_ =	swait.ge [sflag:s22], s20  }
0x9f: {  	s4 =	ssub.s32 $0x0, s20;
	[sflag:s22] =	ssyncset.done $0x0  }
0xa0: {  	[sflag:s22] =	ssyncadd.s32 s4;
	_ =	sdelay $0x1  }
0xa1: {  	s23 =	simm.s32 $0x1B8B  }
0xa2: {  	_ =	swait.ge [sflag:s23], $0x1  }
0xa3: {  	[sflag:s23] =	ssyncset.done $0x0  }
0xa4: {  	s25 =	simm.s32 $0x1B8E;
	s24 =	sld [smem:$0x3FFE];
	[sflag:s23] =	ssyncadd.s32 $0xFFFFFFFF  }
0xa5: {  	s26 =	simm.s32 $execute0_lowered;
	[smem:$0x3FD2] =	sst s25  }
0xa6: {  	s5 =	sshll.u32 s26, $0x1;
	_ =	strace $0x80000046;
	[dreg:$0x1] =	wrdreg $0xFFFFFFFF  }
0xa7: {  	s28 =	simm.s32 $_size_execute0_lowered;
	s3 =	sadd.s32 s3, s5;
	[dreg:$0x0] =	wrdreg $0x0  }
0xa8: {  	s5 =	sshll.u32 s28, $0x1;
	[dreg:$0x2] =	wrdreg s3  }
0xa9: {  	[dreg:$0x3] =	wrdreg s5  }
0xaa: {  	[dreg:$0x4] =	wrdreg $0xC0  }
0xab: {  	_ =	task [dreg:s7], $0x5FFFF  }
0xac: {  	[dreg:$0x1] =	wrdreg $0xFFFFFFFF  }
0xad: {  	[dreg:$0x0] =	wrdreg $0x60  }
0xae: {  	[dreg:$0x2] =	wrdreg s2  }
0xaf: {  	[dreg:$0x3] =	wrdreg s24  }
0xb0: {  	[dreg:$0x4] =	wrdreg $0x0  }
0xb1: {  	[dreg:$0x5] =	wrdreg $0x9  }
0xb2: {  	_ =	task.clear_ibuf [dreg:s7], $0x6FFFF;
	_ =	strace $0x90000046  }
0xb3: {  	s29 =	simm.s32 $0x9;
	_ =	strace $0x80000048  }
0xb4: {  	_ =	swait.ge [sflag:s29], $0x1  }
0xb5: {  	[sflag:s29] =	ssyncadd.s32 $0xFFFFFFFF  }
0xb6: {  	_ =	strace $0x90000048  }
0xb7: {  	_ =	sfence  }
0xb8: {  	s30 =	sld [smem:$0x0];
	_ =	sdelay $0x2  }
0xb9: {  	s31 =	sshll.u32 s1, $0xD;
	s1 =	sshrl.u32 s1, $0x2  }
0xba: {  	s3 =	sand.u32 $0x4000, s31;
	s1 =	sadd.s32 s1, s30  }
0xbb: {  	s0 =	sor.u32 s3, s0;
	s1 =	sshll.u32 s1, $0x11  }
0xbc: {  	s0 =	sor.u32 s1, s0  }
0xbd: {  	s0 =	sadd.s32 $0x8F2B, s0  }
0xbe: {  	[sflag:s0] =	ssyncadd.remote.s32 $0x1  }
0xbf: {  	_ =	sfence.sel $0xFFFF  }
0xc0: {  	[dreg:$0x0] =	wrdreg $0xFFFFFFFF;
	(pc) =	sbr.abs _section_cstart, $3  }
0xc1: {  	[dreg:$0x1] =	wrdreg $0xFFFFFFFF  }
0xc2: {  	_ =	task.clear_ibuf [dreg:s7], $0x2FFFF;
	_ =	strace $0x9FFFFFFF  }
0xc3: {  	(tm) =	ssettm $0x7FFFFFFF  }
tec
execute0_lowered:
.L_overlay_start_1:
0x0: {  	(tag) =	ssettag $0x1  }
0x1: {  	s1 =	rddreg [dreg:$0x0]  }
0x2: {  	s5 =	rddreg [dreg:$0x1]  }
0x3: {  	s3 =	rddreg [dreg:$0x2]  }
0x4: {  	s0 =	rddreg [dreg:$0x3];
	s4 =	simm.s32 $0x0;
	s2 =	stileid.u32  }
0x5: {  	s6 =	srdreg.scid;
	s13 =	simm.s32 $0x1C880;
	s14 =	simm.s32 $0x17880  }
0x6: {  	s15 =	simm.s32 $0x3;
	s16 =	simm.s32 $0x1;
	s17 =	simm.s32 $0x1C900  }
0x7: {  	s18 =	simm.s32 $0x1A080;
	s19 =	simm.s32 $0x1C980;
	s20 =	simm.s32 $0x2  }
0x8: {  	s21 =	simm.s32 $0x1CA00;
	[smem:$0x7FF] =	sst s4;
	s7 =	smul.u32 $0x280, s2  }
0x9: {  	s6 =	sand.u32 $0x1, s6;
	p0 =	seq.s32 s2, $0xF;
	s30 =	sshll.u32 s2, $0xC  }
0xa: {  	s23 =	sshll.u32 s2, $0x6;
	_ =	strace $0x80000047;
	s8 =	sshll.u32 s6, $0xB  }
0xb: {  	s9 =	smul.u32 $0x27100, s6;
	s6 =	ssub.s32 $0x2, s6;
	s7 =	simm.s32 @p0 $0x2490  }
0xc: {  	s8 =	sadd.s32 s8, s5;
	s28 =	sshrl.u32 s6, $0x1;
	s22 =	sshll.u32 s7, $0x4  }
0xd: {  	s9 =	sadd.s32 s9, s5;
	s11 =	ssub.s32 s6, s28;
	s29 =	sshll.u32 s7, $0x7  }
0xe: {  	s31 =	sadd.s32 s30, s8;
	s6 =	sor.u32 $0x1C03, s23;
	s23 =	sor.u32 $0x1C04, s23  }
0xf: {  	s10 =	sadd.s32 s22, s5;
	s12 =	sadd.s32 s29, s3;
	s7 =	sadd.s32 $0x2A00, s31  }
0x10: {  	s24 =	sadd.s32 $0x39C00, s9;
	s8 =	smax.u32 s11, $0x1;
	s11 =	simm.s32 $0x4  }
0x11: {  	s5 =	sadd.s32 $0x12A00, s10;
	s9 =	sshrl.u32 s12, $0x3;
	s10 =	simm.s32 $0x13880  }
0x12: {  	s12 =	simm.s32 $0x50;
	s22 =	sadd.s32 s22, s24;
	s24 =	simm.s32 $0x0  }
.LBB2_1:
0x13: {  	[spmem:s9], [sflag:s6] =	dma.local [hbm:s5], $0x2800  }
0x14: {  	[tilespmem:s10], [sflag:$0x4] =	stream.linear.gather [hbm4b:s7+s4], $0x3E80, $0x38;
	[tilespmem:$0x1CA80] =	vst v63  }
0x15: {  	_ =	swait.ge [sflag:s11], $0x3E80  }
0x16: {  	[sflag:s11] =	ssyncset.done $0x0  }
0x17: {  	[sflag:s11] =	ssyncadd.s32 $0xFFFFC180  }
0x18: {  	v0 =	vld [tilespmem:$0x13880];
	_ =	sdelay $0x1  }
0x19: {  	v1 =	vld [tilespmem:$0x13890];
	_ =	sdelay $0x1  }
0x1a: {  	v2 =	vld [tilespmem:$0x138A0]  }
0x1b: {  	v3 =	vand.u32 $0xFFFF, v0  }
0x1c: {  	v0 =	vshrl.u32 v0, $0x10;
	[tilespmem:$0x1C880] =	vst v3;
	v3 =	vld [tilespmem:$0x138B0]  }
0x1d: {  	[tilespmem:$0x1C980] =	vst v0;
	v0 =	vand.u32 $0xFFFF, v1  }
0x1e: {  	[tilespmem:$0x1C890] =	vst v0;
	v0 =	vshrl.u32 v1, $0x10;
	v1 =	vld [tilespmem:$0x138C0]  }
0x1f: {  	[tilespmem:$0x1C990] =	vst v0;
	v0 =	vand.u32 $0xFFFF, v2  }
0x20: {  	[tilespmem:$0x1C8A0] =	vst v0;
	v0 =	vshrl.u32 v2, $0x10;
	v2 =	vld [tilespmem:$0x13900]  }
0x21: {  	[tilespmem:$0x1C9A0] =	vst v0;
	v0 =	vand.u32 $0xFFFF, v3  }
0x22: {  	[tilespmem:$0x1C8B0] =	vst v0;
	v0 =	vshrl.u32 v3, $0x10;
	v3 =	vld [tilespmem:$0x13910]  }
0x23: {  	[tilespmem:$0x1C9B0] =	vst v0;
	v0 =	vand.u32 $0xFFFF, v1  }
0x24: {  	[tilespmem:$0x1C8C0] =	vst v0;
	v0 =	vshrl.u32 v1, $0x10;
	v1 =	vld [tilespmem:$0x13920]  }
0x25: {  	[tilespmem:$0x1C9C0] =	vst v0;
	v0 =	vand.u32 $0xFFFF, v2  }
0x26: {  	[tilespmem:$0x1C900] =	vst v0;
	v0 =	vshrl.u32 v2, $0x10;
	v2 =	vld [tilespmem:$0x13930]  }
0x27: {  	[tilespmem:$0x1CA00] =	vst v0;
	v0 =	vand.u32 $0xFFFF, v3  }
0x28: {  	[tilespmem:$0x1C910] =	vst v0;
	v0 =	vshrl.u32 v3, $0x10;
	v3 =	vld [tilespmem:$0x13940]  }
0x29: {  	[tilespmem:$0x1CA10] =	vst v0;
	v0 =	vand.u32 $0xFFFF, v1  }
0x2a: {  	[tilespmem:$0x1C920] =	vst v0;
	v0 =	vshrl.u32 v1, $0x10  }
0x2b: {  	[tilespmem:$0x1CA20] =	vst v0;
	v0 =	vand.u32 $0xFFFF, v2  }
0x2c: {  	[tilespmem:$0x1C930] =	vst v0;
	v0 =	vshrl.u32 v2, $0x10  }
0x2d: {  	[tilespmem:$0x1CA30] =	vst v0;
	v0 =	vand.u32 $0xFFFF, v3  }
0x2e: {  	[tilespmem:$0x1C940] =	vst v0;
	v0 =	vshrl.u32 v3, $0x10  }
0x2f: {  	[tilespmem:$0x1CA40] =	vst v0  }
0x30: {  	[tilespmem:s14], [sflag:$0x1] =	stream.indirect.gather [hbm4b:s1+s12], $0x80, s13, s12, $0xb8;
	[tilespmem:$0x1CA80] =	vst v63  }
0x31: {  	_ =	swait.ge [sflag:s15], $0x2800  }
0x32: {  	[sflag:s15] =	ssyncset.done $0x0  }
0x33: {  	[sflag:s15] =	ssyncadd.s32 $0xFFFFD800  }
0x34: {  	[bflag:$0x0] =	sbarrier.arrive $0xFFFF  }
0x35: {  	_ =	swait.ge [sflag:s16], $0x2800  }
0x36: {  	[sflag:s16] =	ssyncset.done $0x0  }
0x37: {  	[sflag:s16] =	ssyncadd.s32 $0xFFFFD800  }
0x38: {  	[tilespmem:s18], [sflag:$0x2] =	stream.indirect.gather [hbm4b:s1+s12], $0x80, s17, s12, $0xb8;
	[tilespmem:$0x1CA80] =	vst v63  }
0x39: {  	_ = 	snop  }
0x3a: {  	[spmem:s3] =	stream.indirect.scatter.add.f32 [tilespmem:s14], [sflag:$0x4], $0x80, s19, s12, $0xb8;
	[tilespmem:$0x1CA80] =	vst v63  }
0x3b: {  	_ =	swait.ge [sflag:s11], $0x2800  }
0x3c: {  	[sflag:s11] =	ssyncset.done $0x0  }
0x3d: {  	s25 =	simm.s32 $0x1C0;
	[sflag:s11] =	ssyncadd.s32 $0xFFFFD800  }
0x3e: {  	v0 =	vld [tilespmem:s25+$0x137C0];
	_ =	sdelay $0x4  }
0x3f: {  	v1 =	vand.u32 $0xFFFF, v0  }
0x40: {  	v0 =	vshrl.u32 v0, $0x10;
	[tilespmem:$0x1C880] =	vst v1  }
0x41: {  	[tilespmem:$0x1C980] =	vst v0  }
0x42: {  	v0 =	vld [tilespmem:s25+$0x137D0];
	_ =	sdelay $0x4  }
0x43: {  	v1 =	vand.u32 $0xFFFF, v0  }
0x44: {  	v0 =	vshrl.u32 v0, $0x10;
	[tilespmem:$0x1C890] =	vst v1  }
0x45: {  	[tilespmem:$0x1C990] =	vst v0  }
0x46: {  	v0 =	vld [tilespmem:s25+$0x137E0];
	_ =	sdelay $0x4  }
0x47: {  	v1 =	vand.u32 $0xFFFF, v0  }
0x48: {  	v0 =	vshrl.u32 v0, $0x10;
	[tilespmem:$0x1C8A0] =	vst v1  }
0x49: {  	[tilespmem:$0x1C9A0] =	vst v0  }
0x4a: {  	v0 =	vld [tilespmem:s25+$0x137F0];
	_ =	sdelay $0x4  }
0x4b: {  	v1 =	vand.u32 $0xFFFF, v0  }
0x4c: {  	v0 =	vshrl.u32 v0, $0x10;
	[tilespmem:$0x1C8B0] =	vst v1  }
0x4d: {  	[tilespmem:$0x1C9B0] =	vst v0  }
0x4e: {  	v0 =	vld [tilespmem:s25+$0x13800];
	_ =	sdelay $0x4  }
0x4f: {  	v1 =	vand.u32 $0xFFFF, v0  }
0x50: {  	v0 =	vshrl.u32 v0, $0x10;
	[tilespmem:$0x1C8C0] =	vst v1  }
0x51: {  	[tilespmem:$0x1C9C0] =	vst v0  }
0x52: {  	[tilespmem:s14], [sflag:$0x1] =	stream.indirect.gather [hbm4b:s1+s12], $0x80, s13, s12, $0xb8;
	[tilespmem:$0x1CA80] =	vst v63  }
0x53: {  	_ =	swait.ge [sflag:s20], $0x2800  }
0x54: {  	[sflag:s20] =	ssyncset.done $0x0  }
0x55: {  	[sflag:s20] =	ssyncadd.s32 $0xFFFFD800  }
0x56: {  	[spmem:s3] =	stream.indirect.scatter.add.f32 [tilespmem:s18], [sflag:$0x4], $0x80, s21, s12, $0xb8;
	[tilespmem:$0x1CA80] =	vst v63  }
0x57: {  	_ =	swait.ge [sflag:s11], $0x2800  }
0x58: {  	[sflag:s11] =	ssyncset.done $0x0  }
0x59: {  	[sflag:s11] =	ssyncadd.s32 $0xFFFFD800  }
0x5a: {  	v0 =	vld [tilespmem:s25+$0x13840];
	_ =	sdelay $0x4  }
0x5b: {  	v1 =	vand.u32 $0xFFFF, v0  }
0x5c: {  	v0 =	vshrl.u32 v0, $0x10;
	[tilespmem:$0x1C900] =	vst v1  }
0x5d: {  	[tilespmem:$0x1CA00] =	vst v0  }
0x5e: {  	v0 =	vld [tilespmem:s25+$0x13850];
	_ =	sdelay $0x4  }
0x5f: {  	v1 =	vand.u32 $0xFFFF, v0  }
0x60: {  	v0 =	vshrl.u32 v0, $0x10;
	[tilespmem:$0x1C910] =	vst v1  }
0x61: {  	[tilespmem:$0x1CA10] =	vst v0  }
0x62: {  	v0 =	vld [tilespmem:s25+$0x13860];
	_ =	sdelay $0x4  }
0x63: {  	v1 =	vand.u32 $0xFFFF, v0  }
0x64: {  	v0 =	vshrl.u32 v0, $0x10;
	[tilespmem:$0x1C920] =	vst v1  }
0x65: {  	[tilespmem:$0x1CA20] =	vst v0  }
0x66: {  	s26 =	simm.s32 $0xB00;
	v0 =	vld [tilespmem:s25+$0x13870]  }
.LBB2_2:
0x67: {  	_ =	sdelay $0x3  }
0x68: {  	p0 =	sne.s32 s26, $0xFB00;
	s28 =	smov.u32 s26;
	s26 =	sadd.s32 $0x400, s26;
	v1 =	vand.u32 $0xFFFF, v0;
	v0 =	vshrl.u32 v0, $0x10  }
0x69: {  	[tilespmem:$0x1C930] =	vst v1  }
0x6a: {  	[tilespmem:$0x1CA30] =	vst v0  }
0x6b: {  	v0 =	vld [tilespmem:s25+$0x13880];
	_ =	sdelay $0x4  }
0x6c: {  	v1 =	vand.u32 $0xFFFF, v0;
	v0 =	vshrl.u32 v0, $0x10  }
0x6d: {  	[tilespmem:$0x1C940] =	vst v1  }
0x6e: {  	[tilespmem:$0x1CA40] =	vst v0  }
0x6f: {  	_ =	swait.ge [sflag:s16], $0x2800  }
0x70: {  	[sflag:s16] =	ssyncset.done $0x0  }
0x71: {  	[sflag:s16] =	ssyncadd.s32 $0xFFFFD800  }
0x72: {  	[tilespmem:s18], [sflag:$0x2] =	stream.indirect.gather [hbm4b:s1+s12], $0x80, s17, s12, $0xb8;
	[tilespmem:$0x1CA80] =	vst v63  }
0x73: {  	_ = 	snop  }
0x74: {  	[spmem:s3] =	stream.indirect.scatter.add.f32 [tilespmem:s14], [sflag:$0x4], $0x80, s19, s12, $0xb8;
	[tilespmem:$0x1CA80] =	vst v63  }
0x75: {  	_ =	swait.ge [sflag:s11], $0x2800  }
0x76: {  	[sflag:s11] =	ssyncset.done $0x0  }
0x77: {  	s25 =	sshra.s32 s28, $0x2;
	[sflag:s11] =	ssyncadd.s32 $0xFFFFD800  }
0x78: {  	v0 =	vld [tilespmem:s25+$0x137C0];
	_ =	sdelay $0x4  }
0x79: {  	v1 =	vand.u32 $0xFFFF, v0;
	v0 =	vshrl.u32 v0, $0x10  }
0x7a: {  	[tilespmem:$0x1C880] =	vst v1  }
0x7b: {  	[tilespmem:$0x1C980] =	vst v0  }
0x7c: {  	v0 =	vld [tilespmem:s25+$0x137D0];
	_ =	sdelay $0x4  }
0x7d: {  	v1 =	vand.u32 $0xFFFF, v0;
	v0 =	vshrl.u32 v0, $0x10  }
0x7e: {  	[tilespmem:$0x1C890] =	vst v1  }
0x7f: {  	[tilespmem:$0x1C990] =	vst v0  }
0x80: {  	v0 =	vld [tilespmem:s25+$0x137E0];
	_ =	sdelay $0x4  }
0x81: {  	v1 =	vand.u32 $0xFFFF, v0;
	v0 =	vshrl.u32 v0, $0x10  }
0x82: {  	[tilespmem:$0x1C8A0] =	vst v1  }
0x83: {  	[tilespmem:$0x1C9A0] =	vst v0  }
0x84: {  	v0 =	vld [tilespmem:s25+$0x137F0];
	_ =	sdelay $0x4  }
0x85: {  	v1 =	vand.u32 $0xFFFF, v0;
	v0 =	vshrl.u32 v0, $0x10  }
0x86: {  	[tilespmem:$0x1C8B0] =	vst v1  }
0x87: {  	[tilespmem:$0x1C9B0] =	vst v0  }
0x88: {  	v0 =	vld [tilespmem:s25+$0x13800];
	_ =	sdelay $0x4  }
0x89: {  	v1 =	vand.u32 $0xFFFF, v0;
	v0 =	vshrl.u32 v0, $0x10  }
0x8a: {  	[tilespmem:$0x1C8C0] =	vst v1  }
0x8b: {  	[tilespmem:$0x1C9C0] =	vst v0  }
0x8c: {  	[tilespmem:s14], [sflag:$0x1] =	stream.indirect.gather [hbm4b:s1+s12], $0x80, s13, s12, $0xb8;
	[tilespmem:$0x1CA80] =	vst v63  }
0x8d: {  	_ =	swait.ge [sflag:s20], $0x2800  }
0x8e: {  	[sflag:s20] =	ssyncset.done $0x0  }
0x8f: {  	[sflag:s20] =	ssyncadd.s32 $0xFFFFD800  }
0x90: {  	[spmem:s3] =	stream.indirect.scatter.add.f32 [tilespmem:s18], [sflag:$0x4], $0x80, s21, s12, $0xb8;
	[tilespmem:$0x1CA80] =	vst v63  }
0x91: {  	_ =	swait.ge [sflag:s11], $0x2800  }
0x92: {  	[sflag:s11] =	ssyncset.done $0x0  }
0x93: {  	[sflag:s11] =	ssyncadd.s32 $0xFFFFD800  }
0x94: {  	v0 =	vld [tilespmem:s25+$0x13840];
	_ =	sdelay $0x4  }
0x95: {  	v1 =	vand.u32 $0xFFFF, v0;
	v0 =	vshrl.u32 v0, $0x10  }
0x96: {  	[tilespmem:$0x1C900] =	vst v1  }
0x97: {  	[tilespmem:$0x1CA00] =	vst v0  }
0x98: {  	v0 =	vld [tilespmem:s25+$0x13850];
	_ =	sdelay $0x4  }
0x99: {  	v1 =	vand.u32 $0xFFFF, v0;
	v0 =	vshrl.u32 v0, $0x10  }
0x9a: {  	[tilespmem:$0x1C910] =	vst v1  }
0x9b: {  	[tilespmem:$0x1CA10] =	vst v0  }
0x9c: {  	v0 =	vld [tilespmem:s25+$0x13860];
	_ =	sdelay $0x3  }
.Ltmp0:
0x9d: {  	(pc) =	sbr.rel @p0 .LBB2_2-.Ltmp0, $4  }
0x9e: {  	v1 =	vand.u32 $0xFFFF, v0;
	v0 =	vshrl.u32 v0, $0x10  }
0x9f: {  	[tilespmem:$0x1C920] =	vst v1  }
0xa0: {  	[tilespmem:$0x1CA20] =	vst v0  }
0xa1: {  	v0 =	vld [tilespmem:s25+$0x13870]  }
0xa2: {  	_ =	sdelay $0x3  }
0xa3: {  	v1 =	vand.u32 $0xFFFF, v0  }
0xa4: {  	v62 =	vshrl.u32 v0, $0x10;
	[tilespmem:$0x1C930] =	vst v1  }
0xa5: {  	[tilespmem:$0x1CA30] =	vst v62  }
0xa6: {  	v0 =	vld [tilespmem:s25+$0x13880];
	_ =	sdelay $0x4  }
0xa7: {  	v63 =	vand.u32 $0xFFFF, v0  }
0xa8: {  	v0 =	vshrl.u32 v0, $0x10;
	[tilespmem:$0x1C940] =	vst v63  }
0xa9: {  	[tilespmem:$0x1CA40] =	vst v0  }
0xaa: {  	_ =	swait.ge [sflag:s16], $0x2800  }
0xab: {  	[sflag:s16] =	ssyncset.done $0x0  }
0xac: {  	[sflag:s16] =	ssyncadd.s32 $0xFFFFD800  }
0xad: {  	[spmem:s3] =	stream.indirect.scatter.add.f32 [tilespmem:s14], [sflag:$0x4], $0x80, s19, s12, $0xb8;
	[tilespmem:$0x1CA80] =	vst v63  }
0xae: {  	_ =	swait.ge [sflag:s11], $0x2800  }
0xaf: {  	s24 =	sadd.s32 $0x1, s24;
	[sflag:s11] =	ssyncset.done $0x0  }
0xb0: {  	p0 =	sne.s32 s24, s8;
	[sflag:s11] =	ssyncadd.s32 $0xFFFFD800  }
.Ltmp1:
0xb1: {  	[bflag:$0x0] =	sbarrier.arrive $0xFFFF;
	(pc) =	sbr.rel @p0 .LBB2_1-.Ltmp1, $4  }
0xb2: {  	[hbm:s22], [sflag:s23] =	dma.local [spmem:s9], $0x2800  }
0xb3: {  	_ =	swait.ge [sflag:s11], $0x2800  }
0xb4: {  	[sflag:s11] =	ssyncset.done $0x0  }
0xb5: {  	[sflag:s11] =	ssyncadd.s32 $0xFFFFD800  }
0xb6: {  	_ =	sfence.sel $0x180000  }
0xb7: {  	[bflag:$0x0] =	sbarrier.arrive $0xFFFF  }
0xb8: {  	p0 =	sne.s32 s2, $0x0;
	_ =	strace $0x90000047  }
0xb9: {  	s0 =	sadd.s32 @!p0 $0x100000, s0;
	[bflag:$0x2] =	sbarrier.arrive $0xFFFF  }
0xba: {  	[sflag:s0] =	ssyncadd.tile.s32 @!p0 $0x1;
	_ =	shalt  }
.Lfunc_end2:
_tile_overlayer_lowered:
.L_overlay_start_2:
0xbb: {  	(tag) =	ssettag $0x2  }
0xbc: {  	s0 =	rddreg [dreg:$0x0];
	s2 =	stileid.u32  }
0xbd: {  	s1 =	rddreg [dreg:$0x1];
	p0 =	sne.s32 s2, $0x0  }
0xbe: {  	s3 =	rddreg [dreg:$0x2];
	[bflag:$0x3] =	sbarrier.arrive $0xFFFF;
	s2 =	simm.s32 @!p0 $0x1C04  }
0xbf: {  	[timem:s3], [sflag:s2] =	dma.local @!p0 [hbm:s0], s1  }
0xc0: {  	s0 =	simm.s32 @!p0 $0x4  }
0xc1: {  	_ =	swait.ge @!p0 [sflag:s0], s1  }
0xc2: {  	s1 =	ssub.s32 @!p0 $0x0, s1;
	[sflag:s0] =	ssyncset.done @!p0 $0x0  }
0xc3: {  	[sflag:s0] =	ssyncadd.s32 @!p0 s1  }
0xc4: {  	[bflag:$0x3] =	sbarrier.arrive $0xFFFF  }
0xc5: {  	_ =	shalt  }

</sc_bundles>
